<compile_context>
chip_gen: v7x
topology: tpu7x:2x2x1
jax: 0.10.2.dev20260603
libtpu: 0.0.44.dev20260713+nightly
codegen_flags: <defaults>
</compile_context>

<pallas_src>
import functools

import jax
import jax.numpy as jnp
from jax import lax
from jax.experimental import pallas as pl
from jax.experimental.pallas import tpu as pltpu
from jax.experimental.pallas import tpu_sc as plsc

_HID = 16
_HEADS = 4
_HD = 4
_K = 8
_N = 4096
_R = 256
_NSC = 32
_CHUNK = 512


def _conv_body(x_ref, w1_ref, b1_ref, w2_ref, b2_ref, out_ref, xpad, h1pad):
    xpad[...] = jnp.zeros((66, 66), jnp.float32)
    xpad[1:65, 1:65] = x_ref[0, 0]
    acc1 = jnp.broadcast_to(b1_ref[0][None, None, :], (64, 64, 64))
    for off in range(9):
        dy, dx = off // 3, off % 3
        acc1 = acc1 + xpad[dy:dy + 64, dx:dx + 64][..., None] * w1_ref[off][None, None, :]
    h1pad[...] = jnp.zeros((66, 66, 64), jnp.float32)
    h1pad[1:65, 1:65, :] = jnp.maximum(acc1, 0.0)
    acc2 = jnp.broadcast_to(b2_ref[0][None, :], (_N, _HID))
    for off in range(9):
        dy, dx = off // 3, off % 3
        s = h1pad[dy:dy + 64, dx:dx + 64, :].reshape(_N, 64)
        acc2 = acc2 + lax.dot_general(s, w2_ref[off],
                                      (((1,), (0,)), ((), ())),
                                      preferred_element_type=jnp.float32)
    out_ref[0] = jnp.maximum(acc2, 0.0)


def _convs(x, w1r, b1r, w2r, b2r):
    return pl.pallas_call(
        _conv_body,
        grid=(4,),
        in_specs=[
            pl.BlockSpec((1, 1, 64, 64), lambda b: (b, 0, 0, 0)),
            pl.BlockSpec((9, 64), lambda b: (0, 0)),
            pl.BlockSpec((1, 64), lambda b: (0, 0)),
            pl.BlockSpec((9, 64, 16), lambda b: (0, 0, 0)),
            pl.BlockSpec((1, 16), lambda b: (0, 0)),
        ],
        out_specs=pl.BlockSpec((1, _N, _HID), lambda b: (b, 0, 0)),
        out_shape=jax.ShapeDtypeStruct((4, _N, _HID), jnp.float32),
        scratch_shapes=[
            pltpu.VMEM((66, 66), jnp.float32),
            pltpu.VMEM((66, 66, 64), jnp.float32),
        ],
    )(x, w1r, b1r, w2r, b2r)


def _knn_body(full_ref, rows_ref, wg_ref, asrc_ref, adst_ref, nbr_ref, feat_ref):
    r = pl.program_id(1)
    nodes = full_ref[0]
    rows = rows_ref[0]
    sqf = jnp.sum(nodes * nodes, axis=1)
    sqr = jnp.sum(rows * rows, axis=1)
    g = lax.dot_general(rows, nodes, (((1,), (1,)), ((), ())),
                        preferred_element_type=jnp.float32)
    d2 = sqr[:, None] + sqf[None, :] - 2.0 * g
    col = lax.broadcasted_iota(jnp.int32, (_R, _N), 1)
    grow = r * _R + lax.broadcasted_iota(jnp.int32, (_R, _N), 0)
    big = jnp.float32(3.4028235e38)
    key = lax.bitcast_convert_type(d2 + 1.0, jnp.int32)
    key = (key & jnp.int32(~0xFFF)) | col
    keyf = lax.bitcast_convert_type(key, jnp.float32)
    keyf = jnp.where(col == grow, big, keyf)
    m = jnp.min(keyf, axis=1, keepdims=True)
    nbr_ref[0, 0, :] = lax.bitcast_convert_type(m[:, 0], jnp.int32) & 0xFFF
    for k in range(1, _K):
        m = jnp.min(jnp.where(keyf > m, keyf, big), axis=1, keepdims=True)
        nbr_ref[0, k, :] = lax.bitcast_convert_type(m[:, 0], jnp.int32) & 0xFFF
    xp = lax.dot_general(rows, wg_ref[...], (((1,), (0,)), ((), ())),
                         preferred_element_type=jnp.float32)
    a_s = jnp.sum(xp.reshape(_R, _HEADS, _HD) * asrc_ref[...][None], axis=2)
    a_d = jnp.sum(xp.reshape(_R, _HEADS, _HD) * adst_ref[...][None], axis=2)
    feat_ref[0] = jnp.concatenate([xp, a_s, a_d], axis=1)


def _knn(h, wg, att_src, att_dst):
    return pl.pallas_call(
        _knn_body,
        grid=(4, _N // _R),
        in_specs=[
            pl.BlockSpec((1, _N, _HID), lambda i, r: (i, 0, 0)),
            pl.BlockSpec((1, _R, _HID), lambda i, r: (i, r, 0)),
            pl.BlockSpec((16, 16), lambda i, r: (0, 0)),
            pl.BlockSpec((4, 4), lambda i, r: (0, 0)),
            pl.BlockSpec((4, 4), lambda i, r: (0, 0)),
        ],
        out_specs=[
            pl.BlockSpec((1, _K, _R), lambda i, r: (i, 0, r)),
            pl.BlockSpec((1, _R, 24), lambda i, r: (i, r, 0)),
        ],
        out_shape=[
            jax.ShapeDtypeStruct((4, _K, _N), jnp.int32),
            jax.ShapeDtypeStruct((4, _N, 24), jnp.float32),
        ],
    )(h, h, wg, att_src, att_dst)


def _gat_sc_body(feat_hbm, nbr_hbm, out_hbm, feat_v, nbr_v, out_v):
    wid = lax.axis_index("s") * 2 + lax.axis_index("c")
    img = wid // 8
    chunk = wid % 8
    pltpu.sync_copy(feat_hbm.at[img], feat_v)
    for k in range(_K):
        pltpu.sync_copy(nbr_hbm.at[img, k, pl.ds(chunk * _CHUNK, _CHUNK)],
                        nbr_v.at[pl.ds(k * _CHUNK, _CHUNK)])

    def body(gidx, _):
        li = gidx * 16 + lax.iota(jnp.int32, 16)
        gi = (chunk * _CHUNK + li) * 24
        a_d = [plsc.load_gather(feat_v, [gi + (20 + h)]) for h in range(_HEADS)]
        nks = []
        m = [jnp.full((16,), -3.4e38, jnp.float32) for _ in range(_HEADS)]
        for k in range(_K):
            nk = nbr_v[pl.ds(k * _CHUNK + gidx * 16, 16)] * 24
            nks.append(nk)
            for h in range(_HEADS):
                sv = plsc.load_gather(feat_v, [nk + (16 + h)])
                e = sv + a_d[h]
                e = jnp.where(e >= 0.0, e, 0.2 * e)
                m[h] = jnp.maximum(m[h], e)
        den = [jnp.zeros((16,), jnp.float32) for _ in range(_HEADS)]
        acc = [jnp.zeros((16,), jnp.float32) for _ in range(_HID)]
        for k in range(_K):
            nk = nks[k]
            for h in range(_HEADS):
                sv = plsc.load_gather(feat_v, [nk + (16 + h)])
                e = sv + a_d[h]
                e = jnp.where(e >= 0.0, e, 0.2 * e)
                p = jnp.exp(e - m[h])
                den[h] = den[h] + p
                for d in range(_HD):
                    f = h * _HD + d
                    msg = plsc.load_gather(feat_v, [nk + f])
                    acc[f] = acc[f] + p * msg
        for f in range(_HID):
            val = acc[f] / den[f // _HD]
            plsc.store_scatter(out_v, [li * _HID + f], val)
        return 0

    lax.fori_loop(0, _CHUNK // 16, body, 0)
    pltpu.sync_copy(out_v, out_hbm.at[img, pl.ds(chunk * _CHUNK * _HID,
                                                 _CHUNK * _HID)])


def _gat_sc(feat, nbr):
    mesh = plsc.VectorSubcoreMesh(core_axis_name="c", subcore_axis_name="s",
                                  num_cores=2, num_subcores=16)
    fn = functools.partial(
        pl.kernel,
        out_type=jax.ShapeDtypeStruct((4, _N * _HID), jnp.float32),
        mesh=mesh,
        compiler_params=pltpu.CompilerParams(needs_layout_passes=False),
        scratch_types=[
            pltpu.VMEM((_N * 24,), jnp.float32),
            pltpu.VMEM((_K * _CHUNK,), jnp.int32),
            pltpu.VMEM((_CHUNK * _HID,), jnp.float32),
        ],
    )(_gat_sc_body)
    return fn(feat.reshape(4, _N * 24), nbr).reshape(4, _N, _HID)


def _head_body(h_ref, gat_ref, mask_ref, bg_ref, wu1_ref, bu1_ref, wu2_ref,
               bu2_ref, wo_ref, bo_ref, out_ref):
    hh = h_ref[0]
    p = jnp.maximum(gat_ref[0] + bg_ref[...], 0.0)
    t = lax.dot_general(p, wu1_ref[...], (((1,), (0,)), ((), ())),
                        preferred_element_type=jnp.float32)
    t = jnp.maximum(t + bu1_ref[...], 0.0)
    u = lax.dot_general(t, wu2_ref[...], (((1,), (0,)), ((), ())),
                        preferred_element_type=jnp.float32) + bu2_ref[...]
    hm = hh + mask_ref[0] * u
    o = jnp.sum(hm * wo_ref[...], axis=1) + bo_ref[0, 0]
    out_ref[0, 0] = 1.0 / (1.0 + jnp.exp(-o))


def _head(h, gat, mask, bg, wu1r, bu1, wu2r, bu2, wo, bo):
    return pl.pallas_call(
        _head_body,
        grid=(4,),
        in_specs=[
            pl.BlockSpec((1, _N, _HID), lambda b: (b, 0, 0)),
            pl.BlockSpec((1, _N, _HID), lambda b: (b, 0, 0)),
            pl.BlockSpec((1, _N, 1), lambda b: (b, 0, 0)),
            pl.BlockSpec((1, 16), lambda b: (0, 0)),
            pl.BlockSpec((16, 128), lambda b: (0, 0)),
            pl.BlockSpec((1, 128), lambda b: (0, 0)),
            pl.BlockSpec((128, 16), lambda b: (0, 0)),
            pl.BlockSpec((1, 16), lambda b: (0, 0)),
            pl.BlockSpec((1, 16), lambda b: (0, 0)),
            pl.BlockSpec((1, 1), lambda b: (0, 0)),
        ],
        out_specs=pl.BlockSpec((1, 1, _N), lambda b: (b, 0, 0)),
        out_shape=jax.ShapeDtypeStruct((4, 1, _N), jnp.float32),
    )(h, gat, mask, bg, wu1r, bu1, wu2r, bu2, wo, bo)


def kernel(x, W1, b1, g1, be1, W2, b2, g2, be2, Wg, att_src, att_dst, bg,
           Wu1, bu1, Wu2, bu2, Wo, bo):
    s1 = g1 / jnp.sqrt(1.0 + 1e-5)
    s2 = g2 / jnp.sqrt(1.0 + 1e-5)
    w1r = jnp.transpose(W1[:, 0] * s1[:, None, None], (1, 2, 0)).reshape(9, 64)
    b1r = (b1 * s1 + be1).reshape(1, 64)
    w2r = jnp.transpose(W2 * s2[:, None, None, None], (2, 3, 1, 0)).reshape(9, 64, 16)
    b2r = (b2 * s2 + be2).reshape(1, 16)

    h = _convs(x, w1r, b1r, w2r, b2r)
    nbr, feat = _knn(h, Wg, att_src, att_dst)
    gat = _gat_sc(feat, nbr)

    mask = (jax.random.uniform(jax.random.key(42), (4, 1, 64, 64)) < 0.5)
    mask = mask.astype(jnp.float32).reshape(4, _N, 1)
    out = _head(h, gat, mask, bg.reshape(1, 16),
                jnp.transpose(Wu1[:, :, 0, 0]), bu1.reshape(1, 128),
                jnp.transpose(Wu2[:, :, 0, 0]), bu2.reshape(1, 16),
                Wo[0, :, 0, 0].reshape(1, 16), bo.reshape(1, 1))
    return out.reshape(4, 1, 64, 64)

# --- scband reference (transcript-rebuilt; emitter-appended) ---
"""Pipeline reference for scband-graph-med-nca-37142877176008 (READ-ONLY COPY).

The authoritative reference and input builder live on the scoring server;
editing this copy changes nothing except your own understanding.
"""

import jax, jax.numpy as jnp
import numpy as np

HID = 16
HEADS = 4
HD = 4
K = 8


def setup_inputs(seed: int = 0) -> dict:
    key = jax.random.key(seed)
    ks = jax.random.split(key, 12)
    def w(k, shape, scale):
        return jax.random.normal(k, shape, dtype=jnp.float32) * scale
    d = {}
    d["x"] = jax.random.normal(ks[0], (4, 1, 64, 64), dtype=jnp.float32)
    d["W1"] = w(ks[1], (64, 1, 3, 3), 0.1); d["b1"] = jnp.zeros((64,), jnp.float32)
    d["g1"] = jnp.ones((64,), jnp.float32); d["be1"] = jnp.zeros((64,), jnp.float32)
    d["W2"] = w(ks[2], (16, 64, 3, 3), 0.05); d["b2"] = jnp.zeros((16,), jnp.float32)
    d["g2"] = jnp.ones((16,), jnp.float32); d["be2"] = jnp.zeros((16,), jnp.float32)
    d["Wg"] = w(ks[3], (16, 16), 0.25)
    d["att_src"] = w(ks[4], (HEADS, HD), 0.25)
    d["att_dst"] = w(ks[5], (HEADS, HD), 0.25)
    d["bg"] = jnp.zeros((16,), jnp.float32)
    d["Wu1"] = w(ks[6], (128, 16, 1, 1), 0.1); d["bu1"] = jnp.zeros((128,), jnp.float32)
    d["Wu2"] = w(ks[7], (16, 128, 1, 1), 0.05); d["bu2"] = jnp.zeros((16,), jnp.float32)
    d["Wo"] = w(ks[8], (1, 16, 1, 1), 0.2); d["bo"] = jnp.zeros((1,), jnp.float32)
    return d


def _conv(x, w, b, pad):
    y = jax.lax.conv_general_dilated(x, w, (1, 1), [(pad, pad), (pad, pad)],
                                     dimension_numbers=("NCHW", "OIHW", "NCHW"))
    return y + b[None, :, None, None]


def _bn(x, g, b):
    # eval-mode BatchNorm2d with running_mean=0, running_var=1, eps=1e-5
    scale = (g / jnp.sqrt(1.0 + 1e-5))[None, :, None, None]
    return x * scale + b[None, :, None, None]


def _gat(nodes, Wg, att_src, att_dst, bg):
    # knn_graph (k=8, loop=False, euclidean on node features) + PyG-style GATConv
    n = nodes.shape[0]
    nd = jax.lax.stop_gradient(nodes)  # knn indices are non-differentiable
    sq = jnp.sum(nd * nd, axis=1)
    d2 = sq[:, None] + sq[None, :] - 2.0 * (nd @ nd.T)
    d2 = d2 + jnp.eye(n, dtype=d2.dtype) * 1e10  # exclude self-loops
    _, nbr = jax.lax.top_k(-d2, K)  # [n, K] source (neighbor) indices per target node
    xp = (nodes @ Wg).reshape(n, HEADS, HD)
    a_s = jnp.sum(xp * att_src[None], axis=-1)  # [n, HEADS] applied to source
    a_d = jnp.sum(xp * att_dst[None], axis=-1)  # [n, HEADS] applied to target
    e = jax.nn.leaky_relu(jnp.take(a_s, nbr, axis=0) + a_d[:, None, :], 0.2)  # [n, K, HEADS]
    alpha = jax.nn.softmax(e, axis=1)
    msg = jnp.take(xp, nbr, axis=0)  # [n, K, HEADS, HD] gather of source features
    out = jnp.sum(alpha[..., None] * msg, axis=1)  # [n, HEADS, HD]
    out = out.reshape(n, HEADS * HD) + bg
    return jax.nn.relu(out)  # GrapherModule applies relu after gat


def reference(x, W1, b1, g1, be1, W2, b2, g2, be2, Wg, att_src, att_dst, bg,
              Wu1, bu1, Wu2, bu2, Wo, bo):
    B, _, H, W = x.shape
    h = jax.nn.relu(_bn(_conv(x, W1, b1, 1), g1, be1))
    h = jax.nn.relu(_bn(_conv(h, W2, b2, 1), g2, be2))
    # graph_process: per-image image->graph, GAT, back to feature map
    outs = []
    for i in range(B):
        nodes = h[i].reshape(HID, -1).T  # [H*W, HID]
        o = _gat(nodes, Wg, att_src, att_dst, bg)
        outs.append(o.T.reshape(HID, H, W))
    p = jnp.stack(outs)
    u = _conv(jax.nn.relu(_conv(p, Wu1, bu1, 0)), Wu2, bu2, 0)
    mask = (jax.random.uniform(jax.random.key(42), (B, 1, H, W)) < 0.5).astype(jnp.float32)
    mask = jnp.repeat(mask, HID, axis=1)
    h = h + mask * u
    out = _conv(h, Wo, bo, 0)
    return jax.nn.sigmoid(out)

if __name__ == "__main__":
    import jax
    _d = setup_inputs()
    print(jax.jit(kernel)(*tuple(_d.values())))

</pallas_src>

<mosaic_0001>
#map = affine_map<(d0, d1) -> (0, 0)>
#map1 = affine_map<(d0, d1) -> (0, 0, 0)>
module attributes {stable_mosaic.version = 14 : i64} {
  func.func @_gat_sc_body(%arg0: i32, %arg1: i32, %arg2: memref<4x98304xf32, #tpu.memory_space<hbm>>, %arg3: memref<4x8x4096xi32, #tpu.memory_space<hbm>>, %arg4: memref<4x65536xf32, #tpu.memory_space<hbm>>, %arg5: memref<98304xf32, #tpu.memory_space<vmem>>, %arg6: memref<4096xi32, #tpu.memory_space<vmem>>, %arg7: memref<8192xf32, #tpu.memory_space<vmem>>) attributes {dimension_semantics = [#tpu.dimension_semantics<core_parallel>, #tpu.dimension_semantics<subcore_parallel>], iteration_bounds = array<i64: 2, 16>, scalar_prefetch = 0 : i64, scratch_operands = 3 : i64, tpu.core_type = #tpu.core_type<sc_vector_subcore>, window_params = [{transform_indices = #map}, {transform_indices = #map1}, {transform_indices = #map}]} {
    %mul3A = arith.constant 2 : i32
    %mul3A_0 = arith.muli %arg1, %mul3A : i32
    %add3A = arith.addi %mul3A_0, %arg0 : i32
    %jit3A = arith.constant 8 : i32
    %div3A = arith.divsi %add3A, %jit3A : i32
    %sign3A = arith.constant 0 : i32
    %sign3A_1 = arith.cmpi sgt, %add3A, %sign3A : i32
    %sign3A_2 = arith.extui %sign3A_1 : i1 to i32
    %sign3A_3 = arith.constant 0 : i32
    %sign3A_4 = arith.cmpi slt, %add3A, %sign3A_3 : i32
    %sign3A_5 = arith.extui %sign3A_4 : i1 to i32
    %sign3A_6 = arith.subi %sign3A_2, %sign3A_5 : i32
    %sign3A_7 = arith.constant 0 : i32
    %sign3A_8 = arith.cmpi sgt, %jit3A, %sign3A_7 : i32
    %sign3A_9 = arith.extui %sign3A_8 : i1 to i32
    %sign3A_10 = arith.constant 0 : i32
    %sign3A_11 = arith.cmpi slt, %jit3A, %sign3A_10 : i32
    %sign3A_12 = arith.extui %sign3A_11 : i1 to i32
    %sign3A_13 = arith.subi %sign3A_9, %sign3A_12 : i32
    %ne3A = arith.cmpi ne, %sign3A_6, %sign3A_13 : i32
    %rem3A = arith.remsi %add3A, %jit3A : i32
    %ne3A_14 = arith.constant 0 : i32
    %ne3A_15 = arith.cmpi ne, %rem3A, %ne3A_14 : i32
    %and3A = arith.andi %ne3A, %ne3A_15 : i1
    %sub3A = arith.constant 1 : i32
    %sub3A_16 = arith.subi %div3A, %sub3A : i32
    %select_n3A = arith.select %and3A, %sub3A_16, %div3A : i32
    %jit3A_17 = arith.constant 8 : i32
    %eq3A = arith.constant 0 : i32
    %eq3A_18 = arith.cmpi eq, %jit3A_17, %eq3A : i32
    %jit3A_19 = arith.constant 1 : i32
    %select_n3A_20 = arith.select %eq3A_18, %jit3A_19, %jit3A_17 : i32
    %rem3A_21 = arith.remsi %add3A, %select_n3A_20 : i32
    %ne3A_22 = arith.constant 0 : i32
    %ne3A_23 = arith.cmpi ne, %rem3A_21, %ne3A_22 : i32
    %lt3A = arith.constant 0 : i32
    %lt3A_24 = arith.cmpi slt, %rem3A_21, %lt3A : i32
    %lt3A_25 = arith.constant 0 : i32
    %lt3A_26 = arith.cmpi slt, %select_n3A_20, %lt3A_25 : i32
    %ne3A_27 = arith.xori %lt3A_24, %lt3A_26 : i1
    %and3A_28 = arith.andi %ne3A_27, %ne3A_23 : i1
    %add3A_29 = arith.addi %rem3A_21, %select_n3A_20 : i32
    %select_n3A_30 = arith.select %and3A_28, %add3A_29, %rem3A_21 : i32
    "tpu.region"() ({
      %run_scoped3A_64 = tpu.sem_alloc : memref<!tpu.dma_semaphore, #tpu.memory_space<semaphore_mem>>
      %dma_start3A = arith.constant 0 : i32
      %dma_start3A_65 = tpu.memref_slice %arg2[%select_n3A, %dma_start3A] : memref<4x98304xf32, #tpu.memory_space<hbm>> -> memref<1x98304xf32, #tpu.memory_space<hbm>>
      %dma_start3A_66 = tpu.memref_squeeze %dma_start3A_65 : memref<1x98304xf32, #tpu.memory_space<hbm>> -> memref<98304xf32, #tpu.memory_space<hbm>>
      %dma_start3A_67 = arith.constant 0 : i32
      %dma_start3A_68 = tpu.memref_slice %arg2[%select_n3A, %dma_start3A_67] : memref<4x98304xf32, #tpu.memory_space<hbm>> -> memref<1x98304xf32, #tpu.memory_space<hbm>>
      %dma_start3A_69 = tpu.memref_squeeze %dma_start3A_68 : memref<1x98304xf32, #tpu.memory_space<hbm>> -> memref<98304xf32, #tpu.memory_space<hbm>>
      tpu.enqueue_dma source(%dma_start3A_69 : memref<98304xf32, #tpu.memory_space<hbm>>) target(%arg5 : memref<98304xf32, #tpu.memory_space<vmem>>) target_semaphore(%run_scoped3A_64 : memref<!tpu.dma_semaphore, #tpu.memory_space<semaphore_mem>>)
      %dma_wait3A = arith.constant 0 : i32
      %dma_wait3A_70 = tpu.memref_slice %arg2[%select_n3A, %dma_wait3A] : memref<4x98304xf32, #tpu.memory_space<hbm>> -> memref<1x98304xf32, #tpu.memory_space<hbm>>
      %dma_wait3A_71 = tpu.memref_squeeze %dma_wait3A_70 : memref<1x98304xf32, #tpu.memory_space<hbm>> -> memref<98304xf32, #tpu.memory_space<hbm>>
      %dma_wait3A_72 = arith.constant 0 : i32
      %dma_wait3A_73 = tpu.memref_slice %arg2[%select_n3A, %dma_wait3A_72] : memref<4x98304xf32, #tpu.memory_space<hbm>> -> memref<1x98304xf32, #tpu.memory_space<hbm>>
      %dma_wait3A_74 = tpu.memref_squeeze %dma_wait3A_73 : memref<1x98304xf32, #tpu.memory_space<hbm>> -> memref<98304xf32, #tpu.memory_space<hbm>>
      tpu.wait_dma2 semaphore(%run_scoped3A_64 : memref<!tpu.dma_semaphore, #tpu.memory_space<semaphore_mem>>) src(%dma_wait3A_74 : memref<98304xf32, #tpu.memory_space<hbm>>) dst(%arg5 : memref<98304xf32, #tpu.memory_space<vmem>>)
      tpu.yield
    }) : () -> ()
    %mul3A_31 = arith.constant 512 : i32
    %mul3A_32 = arith.muli %select_n3A_30, %mul3A_31 : i32
    %run_scoped3A = arith.constant 0 : i32
    "tpu.region"() ({
      %run_scoped3A_64 = tpu.sem_alloc : memref<!tpu.dma_semaphore, #tpu.memory_space<semaphore_mem>>
      %dma_start3A = arith.constant 0 : i32
      %dma_start3A_65 = tpu.memref_slice %arg6[%dma_start3A] : memref<4096xi32, #tpu.memory_space<vmem>> -> memref<512xi32, #tpu.memory_space<vmem>>
      %dma_start3A_66 = tpu.memref_slice %arg3[%select_n3A, %run_scoped3A, %mul3A_32] : memref<4x8x4096xi32, #tpu.memory_space<hbm>> -> memref<1x1x512xi32, #tpu.memory_space<hbm>>
      %dma_start3A_67 = tpu.memref_squeeze %dma_start3A_66 : memref<1x1x512xi32, #tpu.memory_space<hbm>> -> memref<512xi32, #tpu.memory_space<hbm>>
      %dma_start3A_68 = arith.constant 0 : i32
      %dma_start3A_69 = tpu.memref_slice %arg6[%dma_start3A_68] : memref<4096xi32, #tpu.memory_space<vmem>> -> memref<512xi32, #tpu.memory_space<vmem>>
      %dma_start3A_70 = tpu.memref_slice %arg3[%select_n3A, %run_scoped3A, %mul3A_32] : memref<4x8x4096xi32, #tpu.memory_space<hbm>> -> memref<1x1x512xi32, #tpu.memory_space<hbm>>
      %dma_start3A_71 = tpu.memref_squeeze %dma_start3A_70 : memref<1x1x512xi32, #tpu.memory_space<hbm>> -> memref<512xi32, #tpu.memory_space<hbm>>
      tpu.enqueue_dma source(%dma_start3A_71 : memref<512xi32, #tpu.memory_space<hbm>>) target(%dma_start3A_69 : memref<512xi32, #tpu.memory_space<vmem>>) target_semaphore(%run_scoped3A_64 : memref<!tpu.dma_semaphore, #tpu.memory_space<semaphore_mem>>)
      %dma_wait3A = arith.constant 0 : i32
      %dma_wait3A_72 = tpu.memref_slice %arg6[%dma_wait3A] : memref<4096xi32, #tpu.memory_space<vmem>> -> memref<512xi32, #tpu.memory_space<vmem>>
      %dma_wait3A_73 = tpu.memref_slice %arg3[%select_n3A, %run_scoped3A, %mul3A_32] : memref<4x8x4096xi32, #tpu.memory_space<hbm>> -> memref<1x1x512xi32, #tpu.memory_space<hbm>>
      %dma_wait3A_74 = tpu.memref_squeeze %dma_wait3A_73 : memref<1x1x512xi32, #tpu.memory_space<hbm>> -> memref<512xi32, #tpu.memory_space<hbm>>
      %dma_wait3A_75 = arith.constant 0 : i32
      %dma_wait3A_76 = tpu.memref_slice %arg6[%dma_wait3A_75] : memref<4096xi32, #tpu.memory_space<vmem>> -> memref<512xi32, #tpu.memory_space<vmem>>
      %dma_wait3A_77 = tpu.memref_slice %arg3[%select_n3A, %run_scoped3A, %mul3A_32] : memref<4x8x4096xi32, #tpu.memory_space<hbm>> -> memref<1x1x512xi32, #tpu.memory_space<hbm>>
      %dma_wait3A_78 = tpu.memref_squeeze %dma_wait3A_77 : memref<1x1x512xi32, #tpu.memory_space<hbm>> -> memref<512xi32, #tpu.memory_space<hbm>>
      tpu.wait_dma2 semaphore(%run_scoped3A_64 : memref<!tpu.dma_semaphore, #tpu.memory_space<semaphore_mem>>) src(%dma_wait3A_78 : memref<512xi32, #tpu.memory_space<hbm>>) dst(%dma_wait3A_76 : memref<512xi32, #tpu.memory_space<vmem>>)
      tpu.yield
    }) : () -> ()
    %mul3A_33 = arith.constant 512 : i32
    %mul3A_34 = arith.muli %select_n3A_30, %mul3A_33 : i32
    %run_scoped3A_35 = arith.constant 1 : i32
    "tpu.region"() ({
      %run_scoped3A_64 = tpu.sem_alloc : memref<!tpu.dma_semaphore, #tpu.memory_space<semaphore_mem>>
      %dma_start3A = arith.constant 512 : i32
      %dma_start3A_65 = tpu.memref_slice %arg6[%dma_start3A] : memref<4096xi32, #tpu.memory_space<vmem>> -> memref<512xi32, #tpu.memory_space<vmem>>
      %dma_start3A_66 = tpu.memref_slice %arg3[%select_n3A, %run_scoped3A_35, %mul3A_34] : memref<4x8x4096xi32, #tpu.memory_space<hbm>> -> memref<1x1x512xi32, #tpu.memory_space<hbm>>
      %dma_start3A_67 = tpu.memref_squeeze %dma_start3A_66 : memref<1x1x512xi32, #tpu.memory_space<hbm>> -> memref<512xi32, #tpu.memory_space<hbm>>
      %dma_start3A_68 = arith.constant 512 : i32
      %dma_start3A_69 = tpu.memref_slice %arg6[%dma_start3A_68] : memref<4096xi32, #tpu.memory_space<vmem>> -> memref<512xi32, #tpu.memory_space<vmem>>
      %dma_start3A_70 = tpu.memref_slice %arg3[%select_n3A, %run_scoped3A_35, %mul3A_34] : memref<4x8x4096xi32, #tpu.memory_space<hbm>> -> memref<1x1x512xi32, #tpu.memory_space<hbm>>
      %dma_start3A_71 = tpu.memref_squeeze %dma_start3A_70 : memref<1x1x512xi32, #tpu.memory_space<hbm>> -> memref<512xi32, #tpu.memory_space<hbm>>
      tpu.enqueue_dma source(%dma_start3A_71 : memref<512xi32, #tpu.memory_space<hbm>>) target(%dma_start3A_69 : memref<512xi32, #tpu.memory_space<vmem>>) target_semaphore(%run_scoped3A_64 : memref<!tpu.dma_semaphore, #tpu.memory_space<semaphore_mem>>)
      %dma_wait3A = arith.constant 512 : i32
      %dma_wait3A_72 = tpu.memref_slice %arg6[%dma_wait3A] : memref<4096xi32, #tpu.memory_space<vmem>> -> memref<512xi32, #tpu.memory_space<vmem>>
      %dma_wait3A_73 = tpu.memref_slice %arg3[%select_n3A, %run_scoped3A_35, %mul3A_34] : memref<4x8x4096xi32, #tpu.memory_space<hbm>> -> memref<1x1x512xi32, #tpu.memory_space<hbm>>
      %dma_wait3A_74 = tpu.memref_squeeze %dma_wait3A_73 : memref<1x1x512xi32, #tpu.memory_space<hbm>> -> memref<512xi32, #tpu.memory_space<hbm>>
      %dma_wait3A_75 = arith.constant 512 : i32
      %dma_wait3A_76 = tpu.memref_slice %arg6[%dma_wait3A_75] : memref<4096xi32, #tpu.memory_space<vmem>> -> memref<512xi32, #tpu.memory_space<vmem>>
      %dma_wait3A_77 = tpu.memref_slice %arg3[%select_n3A, %run_scoped3A_35, %mul3A_34] : memref<4x8x4096xi32, #tpu.memory_space<hbm>> -> memref<1x1x512xi32, #tpu.memory_space<hbm>>
      %dma_wait3A_78 = tpu.memref_squeeze %dma_wait3A_77 : memref<1x1x512xi32, #tpu.memory_space<hbm>> -> memref<512xi32, #tpu.memory_space<hbm>>
      tpu.wait_dma2 semaphore(%run_scoped3A_64 : memref<!tpu.dma_semaphore, #tpu.memory_space<semaphore_mem>>) src(%dma_wait3A_78 : memref<512xi32, #tpu.memory_space<hbm>>) dst(%dma_wait3A_76 : memref<512xi32, #tpu.memory_space<vmem>>)
      tpu.yield
    }) : () -> ()
    %mul3A_36 = arith.constant 512 : i32
    %mul3A_37 = arith.muli %select_n3A_30, %mul3A_36 : i32
    %run_scoped3A_38 = arith.constant 2 : i32
    "tpu.region"() ({
      %run_scoped3A_64 = tpu.sem_alloc : memref<!tpu.dma_semaphore, #tpu.memory_space<semaphore_mem>>
      %dma_start3A = arith.constant 1024 : i32
      %dma_start3A_65 = tpu.memref_slice %arg6[%dma_start3A] : memref<4096xi32, #tpu.memory_space<vmem>> -> memref<512xi32, #tpu.memory_space<vmem>>
      %dma_start3A_66 = tpu.memref_slice %arg3[%select_n3A, %run_scoped3A_38, %mul3A_37] : memref<4x8x4096xi32, #tpu.memory_space<hbm>> -> memref<1x1x512xi32, #tpu.memory_space<hbm>>
      %dma_start3A_67 = tpu.memref_squeeze %dma_start3A_66 : memref<1x1x512xi32, #tpu.memory_space<hbm>> -> memref<512xi32, #tpu.memory_space<hbm>>
      %dma_start3A_68 = arith.constant 1024 : i32
      %dma_start3A_69 = tpu.memref_slice %arg6[%dma_start3A_68] : memref<4096xi32, #tpu.memory_space<vmem>> -> memref<512xi32, #tpu.memory_space<vmem>>
      %dma_start3A_70 = tpu.memref_slice %arg3[%select_n3A, %run_scoped3A_38, %mul3A_37] : memref<4x8x4096xi32, #tpu.memory_space<hbm>> -> memref<1x1x512xi32, #tpu.memory_space<hbm>>
      %dma_start3A_71 = tpu.memref_squeeze %dma_start3A_70 : memref<1x1x512xi32, #tpu.memory_space<hbm>> -> memref<512xi32, #tpu.memory_space<hbm>>
      tpu.enqueue_dma source(%dma_start3A_71 : memref<512xi32, #tpu.memory_space<hbm>>) target(%dma_start3A_69 : memref<512xi32, #tpu.memory_space<vmem>>) target_semaphore(%run_scoped3A_64 : memref<!tpu.dma_semaphore, #tpu.memory_space<semaphore_mem>>)
      %dma_wait3A = arith.constant 1024 : i32
      %dma_wait3A_72 = tpu.memref_slice %arg6[%dma_wait3A] : memref<4096xi32, #tpu.memory_space<vmem>> -> memref<512xi32, #tpu.memory_space<vmem>>
      %dma_wait3A_73 = tpu.memref_slice %arg3[%select_n3A, %run_scoped3A_38, %mul3A_37] : memref<4x8x4096xi32, #tpu.memory_space<hbm>> -> memref<1x1x512xi32, #tpu.memory_space<hbm>>
      %dma_wait3A_74 = tpu.memref_squeeze %dma_wait3A_73 : memref<1x1x512xi32, #tpu.memory_space<hbm>> -> memref<512xi32, #tpu.memory_space<hbm>>
      %dma_wait3A_75 = arith.constant 1024 : i32
      %dma_wait3A_76 = tpu.memref_slice %arg6[%dma_wait3A_75] : memref<4096xi32, #tpu.memory_space<vmem>> -> memref<512xi32, #tpu.memory_space<vmem>>
      %dma_wait3A_77 = tpu.memref_slice %arg3[%select_n3A, %run_scoped3A_38, %mul3A_37] : memref<4x8x4096xi32, #tpu.memory_space<hbm>> -> memref<1x1x512xi32, #tpu.memory_space<hbm>>
      %dma_wait3A_78 = tpu.memref_squeeze %dma_wait3A_77 : memref<1x1x512xi32, #tpu.memory_space<hbm>> -> memref<512xi32, #tpu.memory_space<hbm>>
      tpu.wait_dma2 semaphore(%run_scoped3A_64 : memref<!tpu.dma_semaphore, #tpu.memory_space<semaphore_mem>>) src(%dma_wait3A_78 : memref<512xi32, #tpu.memory_space<hbm>>) dst(%dma_wait3A_76 : memref<512xi32, #tpu.memory_space<vmem>>)
      tpu.yield
    }) : () -> ()
    %mul3A_39 = arith.constant 512 : i32
    %mul3A_40 = arith.muli %select_n3A_30, %mul3A_39 : i32
    %run_scoped3A_41 = arith.constant 3 : i32
    "tpu.region"() ({
      %run_scoped3A_64 = tpu.sem_alloc : memref<!tpu.dma_semaphore, #tpu.memory_space<semaphore_mem>>
      %dma_start3A = arith.constant 1536 : i32
      %dma_start3A_65 = tpu.memref_slice %arg6[%dma_start3A] : memref<4096xi32, #tpu.memory_space<vmem>> -> memref<512xi32, #tpu.memory_space<vmem>>
      %dma_start3A_66 = tpu.memref_slice %arg3[%select_n3A, %run_scoped3A_41, %mul3A_40] : memref<4x8x4096xi32, #tpu.memory_space<hbm>> -> memref<1x1x512xi32, #tpu.memory_space<hbm>>
      %dma_start3A_67 = tpu.memref_squeeze %dma_start3A_66 : memref<1x1x512xi32, #tpu.memory_space<hbm>> -> memref<512xi32, #tpu.memory_space<hbm>>
      %dma_start3A_68 = arith.constant 1536 : i32
      %dma_start3A_69 = tpu.memref_slice %arg6[%dma_start3A_68] : memref<4096xi32, #tpu.memory_space<vmem>> -> memref<512xi32, #tpu.memory_space<vmem>>
      %dma_start3A_70 = tpu.memref_slice %arg3[%select_n3A, %run_scoped3A_41, %mul3A_40] : memref<4x8x4096xi32, #tpu.memory_space<hbm>> -> memref<1x1x512xi32, #tpu.memory_space<hbm>>
      %dma_start3A_71 = tpu.memref_squeeze %dma_start3A_70 : memref<1x1x512xi32, #tpu.memory_space<hbm>> -> memref<512xi32, #tpu.memory_space<hbm>>
      tpu.enqueue_dma source(%dma_start3A_71 : memref<512xi32, #tpu.memory_space<hbm>>) target(%dma_start3A_69 : memref<512xi32, #tpu.memory_space<vmem>>) target_semaphore(%run_scoped3A_64 : memref<!tpu.dma_semaphore, #tpu.memory_space<semaphore_mem>>)
      %dma_wait3A = arith.constant 1536 : i32
      %dma_wait3A_72 = tpu.memref_slice %arg6[%dma_wait3A] : memref<4096xi32, #tpu.memory_space<vmem>> -> memref<512xi32, #tpu.memory_space<vmem>>
      %dma_wait3A_73 = tpu.memref_slice %arg3[%select_n3A, %run_scoped3A_41, %mul3A_40] : memref<4x8x4096xi32, #tpu.memory_space<hbm>> -> memref<1x1x512xi32, #tpu.memory_space<hbm>>
      %dma_wait3A_74 = tpu.memref_squeeze %dma_wait3A_73 : memref<1x1x512xi32, #tpu.memory_space<hbm>> -> memref<512xi32, #tpu.memory_space<hbm>>
      %dma_wait3A_75 = arith.constant 1536 : i32
      %dma_wait3A_76 = tpu.memref_slice %arg6[%dma_wait3A_75] : memref<4096xi32, #tpu.memory_space<vmem>> -> memref<512xi32, #tpu.memory_space<vmem>>
      %dma_wait3A_77 = tpu.memref_slice %arg3[%select_n3A, %run_scoped3A_41, %mul3A_40] : memref<4x8x4096xi32, #tpu.memory_space<hbm>> -> memref<1x1x512xi32, #tpu.memory_space<hbm>>
      %dma_wait3A_78 = tpu.memref_squeeze %dma_wait3A_77 : memref<1x1x512xi32, #tpu.memory_space<hbm>> -> memref<512xi32, #tpu.memory_space<hbm>>
      tpu.wait_dma2 semaphore(%run_scoped3A_64 : memref<!tpu.dma_semaphore, #tpu.memory_space<semaphore_mem>>) src(%dma_wait3A_78 : memref<512xi32, #tpu.memory_space<hbm>>) dst(%dma_wait3A_76 : memref<512xi32, #tpu.memory_space<vmem>>)
      tpu.yield
    }) : () -> ()
    %mul3A_42 = arith.constant 512 : i32
    %mul3A_43 = arith.muli %select_n3A_30, %mul3A_42 : i32
    %run_scoped3A_44 = arith.constant 4 : i32
    "tpu.region"() ({
      %run_scoped3A_64 = tpu.sem_alloc : memref<!tpu.dma_semaphore, #tpu.memory_space<semaphore_mem>>
      %dma_start3A = arith.constant 2048 : i32
      %dma_start3A_65 = tpu.memref_slice %arg6[%dma_start3A] : memref<4096xi32, #tpu.memory_space<vmem>> -> memref<512xi32, #tpu.memory_space<vmem>>
      %dma_start3A_66 = tpu.memref_slice %arg3[%select_n3A, %run_scoped3A_44, %mul3A_43] : memref<4x8x4096xi32, #tpu.memory_space<hbm>> -> memref<1x1x512xi32, #tpu.memory_space<hbm>>
      %dma_start3A_67 = tpu.memref_squeeze %dma_start3A_66 : memref<1x1x512xi32, #tpu.memory_space<hbm>> -> memref<512xi32, #tpu.memory_space<hbm>>
      %dma_start3A_68 = arith.constant 2048 : i32
      %dma_start3A_69 = tpu.memref_slice %arg6[%dma_start3A_68] : memref<4096xi32, #tpu.memory_space<vmem>> -> memref<512xi32, #tpu.memory_space<vmem>>
      %dma_start3A_70 = tpu.memref_slice %arg3[%select_n3A, %run_scoped3A_44, %mul3A_43] : memref<4x8x4096xi32, #tpu.memory_space<hbm>> -> memref<1x1x512xi32, #tpu.memory_space<hbm>>
      %dma_start3A_71 = tpu.memref_squeeze %dma_start3A_70 : memref<1x1x512xi32, #tpu.memory_space<hbm>> -> memref<512xi32, #tpu.memory_space<hbm>>
      tpu.enqueue_dma source(%dma_start3A_71 : memref<512xi32, #tpu.memory_space<hbm>>) target(%dma_start3A_69 : memref<512xi32, #tpu.memory_space<vmem>>) target_semaphore(%run_scoped3A_64 : memref<!tpu.dma_semaphore, #tpu.memory_space<semaphore_mem>>)
      %dma_wait3A = arith.constant 2048 : i32
      %dma_wait3A_72 = tpu.memref_slice %arg6[%dma_wait3A] : memref<4096xi32, #tpu.memory_space<vmem>> -> memref<512xi32, #tpu.memory_space<vmem>>
      %dma_wait3A_73 = tpu.memref_slice %arg3[%select_n3A, %run_scoped3A_44, %mul3A_43] : memref<4x8x4096xi32, #tpu.memory_space<hbm>> -> memref<1x1x512xi32, #tpu.memory_space<hbm>>
      %dma_wait3A_74 = tpu.memref_squeeze %dma_wait3A_73 : memref<1x1x512xi32, #tpu.memory_space<hbm>> -> memref<512xi32, #tpu.memory_space<hbm>>
      %dma_wait3A_75 = arith.constant 2048 : i32
      %dma_wait3A_76 = tpu.memref_slice %arg6[%dma_wait3A_75] : memref<4096xi32, #tpu.memory_space<vmem>> -> memref<512xi32, #tpu.memory_space<vmem>>
      %dma_wait3A_77 = tpu.memref_slice %arg3[%select_n3A, %run_scoped3A_44, %mul3A_43] : memref<4x8x4096xi32, #tpu.memory_space<hbm>> -> memref<1x1x512xi32, #tpu.memory_space<hbm>>
      %dma_wait3A_78 = tpu.memref_squeeze %dma_wait3A_77 : memref<1x1x512xi32, #tpu.memory_space<hbm>> -> memref<512xi32, #tpu.memory_space<hbm>>
      tpu.wait_dma2 semaphore(%run_scoped3A_64 : memref<!tpu.dma_semaphore, #tpu.memory_space<semaphore_mem>>) src(%dma_wait3A_78 : memref<512xi32, #tpu.memory_space<hbm>>) dst(%dma_wait3A_76 : memref<512xi32, #tpu.memory_space<vmem>>)
      tpu.yield
    }) : () -> ()
    %mul3A_45 = arith.constant 512 : i32
    %mul3A_46 = arith.muli %select_n3A_30, %mul3A_45 : i32
    %run_scoped3A_47 = arith.constant 5 : i32
    "tpu.region"() ({
      %run_scoped3A_64 = tpu.sem_alloc : memref<!tpu.dma_semaphore, #tpu.memory_space<semaphore_mem>>
      %dma_start3A = arith.constant 2560 : i32
      %dma_start3A_65 = tpu.memref_slice %arg6[%dma_start3A] : memref<4096xi32, #tpu.memory_space<vmem>> -> memref<512xi32, #tpu.memory_space<vmem>>
      %dma_start3A_66 = tpu.memref_slice %arg3[%select_n3A, %run_scoped3A_47, %mul3A_46] : memref<4x8x4096xi32, #tpu.memory_space<hbm>> -> memref<1x1x512xi32, #tpu.memory_space<hbm>>
      %dma_start3A_67 = tpu.memref_squeeze %dma_start3A_66 : memref<1x1x512xi32, #tpu.memory_space<hbm>> -> memref<512xi32, #tpu.memory_space<hbm>>
      %dma_start3A_68 = arith.constant 2560 : i32
      %dma_start3A_69 = tpu.memref_slice %arg6[%dma_start3A_68] : memref<4096xi32, #tpu.memory_space<vmem>> -> memref<512xi32, #tpu.memory_space<vmem>>
      %dma_start3A_70 = tpu.memref_slice %arg3[%select_n3A, %run_scoped3A_47, %mul3A_46] : memref<4x8x4096xi32, #tpu.memory_space<hbm>> -> memref<1x1x512xi32, #tpu.memory_space<hbm>>
      %dma_start3A_71 = tpu.memref_squeeze %dma_start3A_70 : memref<1x1x512xi32, #tpu.memory_space<hbm>> -> memref<512xi32, #tpu.memory_space<hbm>>
      tpu.enqueue_dma source(%dma_start3A_71 : memref<512xi32, #tpu.memory_space<hbm>>) target(%dma_start3A_69 : memref<512xi32, #tpu.memory_space<vmem>>) target_semaphore(%run_scoped3A_64 : memref<!tpu.dma_semaphore, #tpu.memory_space<semaphore_mem>>)
      %dma_wait3A = arith.constant 2560 : i32
      %dma_wait3A_72 = tpu.memref_slice %arg6[%dma_wait3A] : memref<4096xi32, #tpu.memory_space<vmem>> -> memref<512xi32, #tpu.memory_space<vmem>>
      %dma_wait3A_73 = tpu.memref_slice %arg3[%select_n3A, %run_scoped3A_47, %mul3A_46] : memref<4x8x4096xi32, #tpu.memory_space<hbm>> -> memref<1x1x512xi32, #tpu.memory_space<hbm>>
      %dma_wait3A_74 = tpu.memref_squeeze %dma_wait3A_73 : memref<1x1x512xi32, #tpu.memory_space<hbm>> -> memref<512xi32, #tpu.memory_space<hbm>>
      %dma_wait3A_75 = arith.constant 2560 : i32
      %dma_wait3A_76 = tpu.memref_slice %arg6[%dma_wait3A_75] : memref<4096xi32, #tpu.memory_space<vmem>> -> memref<512xi32, #tpu.memory_space<vmem>>
      %dma_wait3A_77 = tpu.memref_slice %arg3[%select_n3A, %run_scoped3A_47, %mul3A_46] : memref<4x8x4096xi32, #tpu.memory_space<hbm>> -> memref<1x1x512xi32, #tpu.memory_space<hbm>>
      %dma_wait3A_78 = tpu.memref_squeeze %dma_wait3A_77 : memref<1x1x512xi32, #tpu.memory_space<hbm>> -> memref<512xi32, #tpu.memory_space<hbm>>
      tpu.wait_dma2 semaphore(%run_scoped3A_64 : memref<!tpu.dma_semaphore, #tpu.memory_space<semaphore_mem>>) src(%dma_wait3A_78 : memref<512xi32, #tpu.memory_space<hbm>>) dst(%dma_wait3A_76 : memref<512xi32, #tpu.memory_space<vmem>>)
      tpu.yield
    }) : () -> ()
    %mul3A_48 = arith.constant 512 : i32
    %mul3A_49 = arith.muli %select_n3A_30, %mul3A_48 : i32
    %run_scoped3A_50 = arith.constant 6 : i32
    "tpu.region"() ({
      %run_scoped3A_64 = tpu.sem_alloc : memref<!tpu.dma_semaphore, #tpu.memory_space<semaphore_mem>>
      %dma_start3A = arith.constant 3072 : i32
      %dma_start3A_65 = tpu.memref_slice %arg6[%dma_start3A] : memref<4096xi32, #tpu.memory_space<vmem>> -> memref<512xi32, #tpu.memory_space<vmem>>
      %dma_start3A_66 = tpu.memref_slice %arg3[%select_n3A, %run_scoped3A_50, %mul3A_49] : memref<4x8x4096xi32, #tpu.memory_space<hbm>> -> memref<1x1x512xi32, #tpu.memory_space<hbm>>
      %dma_start3A_67 = tpu.memref_squeeze %dma_start3A_66 : memref<1x1x512xi32, #tpu.memory_space<hbm>> -> memref<512xi32, #tpu.memory_space<hbm>>
      %dma_start3A_68 = arith.constant 3072 : i32
      %dma_start3A_69 = tpu.memref_slice %arg6[%dma_start3A_68] : memref<4096xi32, #tpu.memory_space<vmem>> -> memref<512xi32, #tpu.memory_space<vmem>>
      %dma_start3A_70 = tpu.memref_slice %arg3[%select_n3A, %run_scoped3A_50, %mul3A_49] : memref<4x8x4096xi32, #tpu.memory_space<hbm>> -> memref<1x1x512xi32, #tpu.memory_space<hbm>>
      %dma_start3A_71 = tpu.memref_squeeze %dma_start3A_70 : memref<1x1x512xi32, #tpu.memory_space<hbm>> -> memref<512xi32, #tpu.memory_space<hbm>>
      tpu.enqueue_dma source(%dma_start3A_71 : memref<512xi32, #tpu.memory_space<hbm>>) target(%dma_start3A_69 : memref<512xi32, #tpu.memory_space<vmem>>) target_semaphore(%run_scoped3A_64 : memref<!tpu.dma_semaphore, #tpu.memory_space<semaphore_mem>>)
      %dma_wait3A = arith.constant 3072 : i32
      %dma_wait3A_72 = tpu.memref_slice %arg6[%dma_wait3A] : memref<4096xi32, #tpu.memory_space<vmem>> -> memref<512xi32, #tpu.memory_space<vmem>>
      %dma_wait3A_73 = tpu.memref_slice %arg3[%select_n3A, %run_scoped3A_50, %mul3A_49] : memref<4x8x4096xi32, #tpu.memory_space<hbm>> -> memref<1x1x512xi32, #tpu.memory_space<hbm>>
      %dma_wait3A_74 = tpu.memref_squeeze %dma_wait3A_73 : memref<1x1x512xi32, #tpu.memory_space<hbm>> -> memref<512xi32, #tpu.memory_space<hbm>>
      %dma_wait3A_75 = arith.constant 3072 : i32
      %dma_wait3A_76 = tpu.memref_slice %arg6[%dma_wait3A_75] : memref<4096xi32, #tpu.memory_space<vmem>> -> memref<512xi32, #tpu.memory_space<vmem>>
      %dma_wait3A_77 = tpu.memref_slice %arg3[%select_n3A, %run_scoped3A_50, %mul3A_49] : memref<4x8x4096xi32, #tpu.memory_space<hbm>> -> memref<1x1x512xi32, #tpu.memory_space<hbm>>
      %dma_wait3A_78 = tpu.memref_squeeze %dma_wait3A_77 : memref<1x1x512xi32, #tpu.memory_space<hbm>> -> memref<512xi32, #tpu.memory_space<hbm>>
      tpu.wait_dma2 semaphore(%run_scoped3A_64 : memref<!tpu.dma_semaphore, #tpu.memory_space<semaphore_mem>>) src(%dma_wait3A_78 : memref<512xi32, #tpu.memory_space<hbm>>) dst(%dma_wait3A_76 : memref<512xi32, #tpu.memory_space<vmem>>)
      tpu.yield
    }) : () -> ()
    %mul3A_51 = arith.constant 512 : i32
    %mul3A_52 = arith.muli %select_n3A_30, %mul3A_51 : i32
    %run_scoped3A_53 = arith.constant 7 : i32
    "tpu.region"() ({
      %run_scoped3A_64 = tpu.sem_alloc : memref<!tpu.dma_semaphore, #tpu.memory_space<semaphore_mem>>
      %dma_start3A = arith.constant 3584 : i32
      %dma_start3A_65 = tpu.memref_slice %arg6[%dma_start3A] : memref<4096xi32, #tpu.memory_space<vmem>> -> memref<512xi32, #tpu.memory_space<vmem>>
      %dma_start3A_66 = tpu.memref_slice %arg3[%select_n3A, %run_scoped3A_53, %mul3A_52] : memref<4x8x4096xi32, #tpu.memory_space<hbm>> -> memref<1x1x512xi32, #tpu.memory_space<hbm>>
      %dma_start3A_67 = tpu.memref_squeeze %dma_start3A_66 : memref<1x1x512xi32, #tpu.memory_space<hbm>> -> memref<512xi32, #tpu.memory_space<hbm>>
      %dma_start3A_68 = arith.constant 3584 : i32
      %dma_start3A_69 = tpu.memref_slice %arg6[%dma_start3A_68] : memref<4096xi32, #tpu.memory_space<vmem>> -> memref<512xi32, #tpu.memory_space<vmem>>
      %dma_start3A_70 = tpu.memref_slice %arg3[%select_n3A, %run_scoped3A_53, %mul3A_52] : memref<4x8x4096xi32, #tpu.memory_space<hbm>> -> memref<1x1x512xi32, #tpu.memory_space<hbm>>
      %dma_start3A_71 = tpu.memref_squeeze %dma_start3A_70 : memref<1x1x512xi32, #tpu.memory_space<hbm>> -> memref<512xi32, #tpu.memory_space<hbm>>
      tpu.enqueue_dma source(%dma_start3A_71 : memref<512xi32, #tpu.memory_space<hbm>>) target(%dma_start3A_69 : memref<512xi32, #tpu.memory_space<vmem>>) target_semaphore(%run_scoped3A_64 : memref<!tpu.dma_semaphore, #tpu.memory_space<semaphore_mem>>)
      %dma_wait3A = arith.constant 3584 : i32
      %dma_wait3A_72 = tpu.memref_slice %arg6[%dma_wait3A] : memref<4096xi32, #tpu.memory_space<vmem>> -> memref<512xi32, #tpu.memory_space<vmem>>
      %dma_wait3A_73 = tpu.memref_slice %arg3[%select_n3A, %run_scoped3A_53, %mul3A_52] : memref<4x8x4096xi32, #tpu.memory_space<hbm>> -> memref<1x1x512xi32, #tpu.memory_space<hbm>>
      %dma_wait3A_74 = tpu.memref_squeeze %dma_wait3A_73 : memref<1x1x512xi32, #tpu.memory_space<hbm>> -> memref<512xi32, #tpu.memory_space<hbm>>
      %dma_wait3A_75 = arith.constant 3584 : i32
      %dma_wait3A_76 = tpu.memref_slice %arg6[%dma_wait3A_75] : memref<4096xi32, #tpu.memory_space<vmem>> -> memref<512xi32, #tpu.memory_space<vmem>>
      %dma_wait3A_77 = tpu.memref_slice %arg3[%select_n3A, %run_scoped3A_53, %mul3A_52] : memref<4x8x4096xi32, #tpu.memory_space<hbm>> -> memref<1x1x512xi32, #tpu.memory_space<hbm>>
      %dma_wait3A_78 = tpu.memref_squeeze %dma_wait3A_77 : memref<1x1x512xi32, #tpu.memory_space<hbm>> -> memref<512xi32, #tpu.memory_space<hbm>>
      tpu.wait_dma2 semaphore(%run_scoped3A_64 : memref<!tpu.dma_semaphore, #tpu.memory_space<semaphore_mem>>) src(%dma_wait3A_78 : memref<512xi32, #tpu.memory_space<hbm>>) dst(%dma_wait3A_76 : memref<512xi32, #tpu.memory_space<vmem>>)
      tpu.yield
    }) : () -> ()
    %scan3A = arith.constant 0 : i32
    %scan3A_54 = arith.constant 0 : i32
    %scan3A_55 = arith.constant 32 : i32
    %scan3A_56 = arith.addi %scan3A_54, %scan3A_55 : i32
    %scan3A_57 = arith.constant 1 : i32
    %scan3A_58 = scf.for %scan3A_64 = %scan3A_54 to %scan3A_56 step %scan3A_57 iter_args(%scan3A_65 = %scan3A) -> (i32)  : i32 {
      %mul3A_66 = arith.constant 16 : i32
      %mul3A_67 = arith.muli %scan3A_64, %mul3A_66 : i32
      %iota3A = tpu.iota {dimensions = array<i32: 0>} : vector<16xi32>
      %add3A_68 = vector.broadcast %mul3A_67 : i32 to vector<16xi32>
      %add3A_69 = arith.addi %add3A_68, %iota3A : vector<16xi32>
      %mul3A_70 = arith.constant 512 : i32
      %mul3A_71 = arith.muli %select_n3A_30, %mul3A_70 : i32
      %add3A_72 = vector.broadcast %mul3A_71 : i32 to vector<16xi32>
      %add3A_73 = arith.addi %add3A_72, %add3A_69 : vector<16xi32>
      %mul3A_74 = arith.constant 24 : i32
      %mul3A_75 = vector.broadcast %mul3A_74 : i32 to vector<16xi32>
      %mul3A_76 = arith.muli %add3A_73, %mul3A_75 : vector<16xi32>
      %add3A_77 = arith.constant 20 : i32
      %add3A_78 = vector.broadcast %add3A_77 : i32 to vector<16xi32>
      %add3A_79 = arith.addi %mul3A_76, %add3A_78 : vector<16xi32>
      %gather3A = tpu.vector_load_idx %arg5[%add3A_79] : memref<98304xf32, #tpu.memory_space<vmem>>[vector<16xi32>], vector<16xf32>,
      %add3A_80 = arith.constant 21 : i32
      %add3A_81 = vector.broadcast %add3A_80 : i32 to vector<16xi32>
      %add3A_82 = arith.addi %mul3A_76, %add3A_81 : vector<16xi32>
      %gather3A_83 = tpu.vector_load_idx %arg5[%add3A_82] : memref<98304xf32, #tpu.memory_space<vmem>>[vector<16xi32>], vector<16xf32>,
      %add3A_84 = arith.constant 22 : i32
      %add3A_85 = vector.broadcast %add3A_84 : i32 to vector<16xi32>
      %add3A_86 = arith.addi %mul3A_76, %add3A_85 : vector<16xi32>
      %gather3A_87 = tpu.vector_load_idx %arg5[%add3A_86] : memref<98304xf32, #tpu.memory_space<vmem>>[vector<16xi32>], vector<16xf32>,
      %add3A_88 = arith.constant 23 : i32
      %add3A_89 = vector.broadcast %add3A_88 : i32 to vector<16xi32>
      %add3A_90 = arith.addi %mul3A_76, %add3A_89 : vector<16xi32>
      %gather3A_91 = tpu.vector_load_idx %arg5[%add3A_90] : memref<98304xf32, #tpu.memory_space<vmem>>[vector<16xi32>], vector<16xf32>,
      %broadcast_in_dim3A = arith.constant -3.400000e+38 : f32
      %broadcast_in_dim3A_92 = vector.broadcast %broadcast_in_dim3A : f32 to vector<16xf32>
      %broadcast_in_dim3A_93 = arith.constant -3.400000e+38 : f32
      %broadcast_in_dim3A_94 = vector.broadcast %broadcast_in_dim3A_93 : f32 to vector<16xf32>
      %broadcast_in_dim3A_95 = arith.constant -3.400000e+38 : f32
      %broadcast_in_dim3A_96 = vector.broadcast %broadcast_in_dim3A_95 : f32 to vector<16xf32>
      %broadcast_in_dim3A_97 = arith.constant -3.400000e+38 : f32
      %broadcast_in_dim3A_98 = vector.broadcast %broadcast_in_dim3A_97 : f32 to vector<16xf32>
      %mul3A_99 = arith.constant 16 : i32
      %mul3A_100 = arith.muli %scan3A_64, %mul3A_99 : i32
      %add3A_101 = arith.constant 0 : i32
      %add3A_102 = arith.addi %add3A_101, %mul3A_100 : i32
      %get3A = arith.index_cast %add3A_102 : i32 to index
      %get3A_103 = tpu.vector_load %arg6[%get3A] {strides = array<i32>} : memref<4096xi32, #tpu.memory_space<vmem>>, vector<16xi32>,
      %mul3A_104 = arith.constant 24 : i32
      %mul3A_105 = vector.broadcast %mul3A_104 : i32 to vector<16xi32>
      %mul3A_106 = arith.muli %get3A_103, %mul3A_105 : vector<16xi32>
      %add3A_107 = arith.constant 16 : i32
      %add3A_108 = vector.broadcast %add3A_107 : i32 to vector<16xi32>
      %add3A_109 = arith.addi %mul3A_106, %add3A_108 : vector<16xi32>
      %gather3A_110 = tpu.vector_load_idx %arg5[%add3A_109] : memref<98304xf32, #tpu.memory_space<vmem>>[vector<16xi32>], vector<16xf32>,
      %add3A_111 = arith.addf %gather3A_110, %gather3A : vector<16xf32>
      %ge3A = arith.constant 0.000000e+00 : f32
      %ge3A_112 = vector.broadcast %ge3A : f32 to vector<16xf32>
      %ge3A_113 = arith.cmpf oge, %add3A_111, %ge3A_112 : vector<16xf32>
      %mul3A_114 = arith.constant 2.000000e-01 : f32
      %mul3A_115 = vector.broadcast %mul3A_114 : f32 to vector<16xf32>
      %mul3A_116 = arith.mulf %mul3A_115, %add3A_111 : vector<16xf32>
      %select_n3A_117 = arith.select %ge3A_113, %add3A_111, %mul3A_116 : vector<16xi1>, vector<16xf32>
      %max3A = arith.maximumf %broadcast_in_dim3A_92, %select_n3A_117 : vector<16xf32>
      %add3A_118 = arith.constant 17 : i32
      %add3A_119 = vector.broadcast %add3A_118 : i32 to vector<16xi32>
      %add3A_120 = arith.addi %mul3A_106, %add3A_119 : vector<16xi32>
      %gather3A_121 = tpu.vector_load_idx %arg5[%add3A_120] : memref<98304xf32, #tpu.memory_space<vmem>>[vector<16xi32>], vector<16xf32>,
      %add3A_122 = arith.addf %gather3A_121, %gather3A_83 : vector<16xf32>
      %ge3A_123 = arith.constant 0.000000e+00 : f32
      %ge3A_124 = vector.broadcast %ge3A_123 : f32 to vector<16xf32>
      %ge3A_125 = arith.cmpf oge, %add3A_122, %ge3A_124 : vector<16xf32>
      %mul3A_126 = arith.constant 2.000000e-01 : f32
      %mul3A_127 = vector.broadcast %mul3A_126 : f32 to vector<16xf32>
      %mul3A_128 = arith.mulf %mul3A_127, %add3A_122 : vector<16xf32>
      %select_n3A_129 = arith.select %ge3A_125, %add3A_122, %mul3A_128 : vector<16xi1>, vector<16xf32>
      %max3A_130 = arith.maximumf %broadcast_in_dim3A_94, %select_n3A_129 : vector<16xf32>
      %add3A_131 = arith.constant 18 : i32
      %add3A_132 = vector.broadcast %add3A_131 : i32 to vector<16xi32>
      %add3A_133 = arith.addi %mul3A_106, %add3A_132 : vector<16xi32>
      %gather3A_134 = tpu.vector_load_idx %arg5[%add3A_133] : memref<98304xf32, #tpu.memory_space<vmem>>[vector<16xi32>], vector<16xf32>,
      %add3A_135 = arith.addf %gather3A_134, %gather3A_87 : vector<16xf32>
      %ge3A_136 = arith.constant 0.000000e+00 : f32
      %ge3A_137 = vector.broadcast %ge3A_136 : f32 to vector<16xf32>
      %ge3A_138 = arith.cmpf oge, %add3A_135, %ge3A_137 : vector<16xf32>
      %mul3A_139 = arith.constant 2.000000e-01 : f32
      %mul3A_140 = vector.broadcast %mul3A_139 : f32 to vector<16xf32>
      %mul3A_141 = arith.mulf %mul3A_140, %add3A_135 : vector<16xf32>
      %select_n3A_142 = arith.select %ge3A_138, %add3A_135, %mul3A_141 : vector<16xi1>, vector<16xf32>
      %max3A_143 = arith.maximumf %broadcast_in_dim3A_96, %select_n3A_142 : vector<16xf32>
      %add3A_144 = arith.constant 19 : i32
      %add3A_145 = vector.broadcast %add3A_144 : i32 to vector<16xi32>
      %add3A_146 = arith.addi %mul3A_106, %add3A_145 : vector<16xi32>
      %gather3A_147 = tpu.vector_load_idx %arg5[%add3A_146] : memref<98304xf32, #tpu.memory_space<vmem>>[vector<16xi32>], vector<16xf32>,
      %add3A_148 = arith.addf %gather3A_147, %gather3A_91 : vector<16xf32>
      %ge3A_149 = arith.constant 0.000000e+00 : f32
      %ge3A_150 = vector.broadcast %ge3A_149 : f32 to vector<16xf32>
      %ge3A_151 = arith.cmpf oge, %add3A_148, %ge3A_150 : vector<16xf32>
      %mul3A_152 = arith.constant 2.000000e-01 : f32
      %mul3A_153 = vector.broadcast %mul3A_152 : f32 to vector<16xf32>
      %mul3A_154 = arith.mulf %mul3A_153, %add3A_148 : vector<16xf32>
      %select_n3A_155 = arith.select %ge3A_151, %add3A_148, %mul3A_154 : vector<16xi1>, vector<16xf32>
      %max3A_156 = arith.maximumf %broadcast_in_dim3A_98, %select_n3A_155 : vector<16xf32>
      %mul3A_157 = arith.constant 16 : i32
      %mul3A_158 = arith.muli %scan3A_64, %mul3A_157 : i32
      %add3A_159 = arith.constant 512 : i32
      %add3A_160 = arith.addi %add3A_159, %mul3A_158 : i32
      %get3A_161 = arith.index_cast %add3A_160 : i32 to index
      %get3A_162 = tpu.vector_load %arg6[%get3A_161] {strides = array<i32>} : memref<4096xi32, #tpu.memory_space<vmem>>, vector<16xi32>,
      %mul3A_163 = arith.constant 24 : i32
      %mul3A_164 = vector.broadcast %mul3A_163 : i32 to vector<16xi32>
      %mul3A_165 = arith.muli %get3A_162, %mul3A_164 : vector<16xi32>
      %add3A_166 = arith.constant 16 : i32
      %add3A_167 = vector.broadcast %add3A_166 : i32 to vector<16xi32>
      %add3A_168 = arith.addi %mul3A_165, %add3A_167 : vector<16xi32>
      %gather3A_169 = tpu.vector_load_idx %arg5[%add3A_168] : memref<98304xf32, #tpu.memory_space<vmem>>[vector<16xi32>], vector<16xf32>,
      %add3A_170 = arith.addf %gather3A_169, %gather3A : vector<16xf32>
      %ge3A_171 = arith.constant 0.000000e+00 : f32
      %ge3A_172 = vector.broadcast %ge3A_171 : f32 to vector<16xf32>
      %ge3A_173 = arith.cmpf oge, %add3A_170, %ge3A_172 : vector<16xf32>
      %mul3A_174 = arith.constant 2.000000e-01 : f32
      %mul3A_175 = vector.broadcast %mul3A_174 : f32 to vector<16xf32>
      %mul3A_176 = arith.mulf %mul3A_175, %add3A_170 : vector<16xf32>
      %select_n3A_177 = arith.select %ge3A_173, %add3A_170, %mul3A_176 : vector<16xi1>, vector<16xf32>
      %max3A_178 = arith.maximumf %max3A, %select_n3A_177 : vector<16xf32>
      %add3A_179 = arith.constant 17 : i32
      %add3A_180 = vector.broadcast %add3A_179 : i32 to vector<16xi32>
      %add3A_181 = arith.addi %mul3A_165, %add3A_180 : vector<16xi32>
      %gather3A_182 = tpu.vector_load_idx %arg5[%add3A_181] : memref<98304xf32, #tpu.memory_space<vmem>>[vector<16xi32>], vector<16xf32>,
      %add3A_183 = arith.addf %gather3A_182, %gather3A_83 : vector<16xf32>
      %ge3A_184 = arith.constant 0.000000e+00 : f32
      %ge3A_185 = vector.broadcast %ge3A_184 : f32 to vector<16xf32>
      %ge3A_186 = arith.cmpf oge, %add3A_183, %ge3A_185 : vector<16xf32>
      %mul3A_187 = arith.constant 2.000000e-01 : f32
      %mul3A_188 = vector.broadcast %mul3A_187 : f32 to vector<16xf32>
      %mul3A_189 = arith.mulf %mul3A_188, %add3A_183 : vector<16xf32>
      %select_n3A_190 = arith.select %ge3A_186, %add3A_183, %mul3A_189 : vector<16xi1>, vector<16xf32>
      %max3A_191 = arith.maximumf %max3A_130, %select_n3A_190 : vector<16xf32>
      %add3A_192 = arith.constant 18 : i32
      %add3A_193 = vector.broadcast %add3A_192 : i32 to vector<16xi32>
      %add3A_194 = arith.addi %mul3A_165, %add3A_193 : vector<16xi32>
      %gather3A_195 = tpu.vector_load_idx %arg5[%add3A_194] : memref<98304xf32, #tpu.memory_space<vmem>>[vector<16xi32>], vector<16xf32>,
      %add3A_196 = arith.addf %gather3A_195, %gather3A_87 : vector<16xf32>
      %ge3A_197 = arith.constant 0.000000e+00 : f32
      %ge3A_198 = vector.broadcast %ge3A_197 : f32 to vector<16xf32>
      %ge3A_199 = arith.cmpf oge, %add3A_196, %ge3A_198 : vector<16xf32>
      %mul3A_200 = arith.constant 2.000000e-01 : f32
      %mul3A_201 = vector.broadcast %mul3A_200 : f32 to vector<16xf32>
      %mul3A_202 = arith.mulf %mul3A_201, %add3A_196 : vector<16xf32>
      %select_n3A_203 = arith.select %ge3A_199, %add3A_196, %mul3A_202 : vector<16xi1>, vector<16xf32>
      %max3A_204 = arith.maximumf %max3A_143, %select_n3A_203 : vector<16xf32>
      %add3A_205 = arith.constant 19 : i32
      %add3A_206 = vector.broadcast %add3A_205 : i32 to vector<16xi32>
      %add3A_207 = arith.addi %mul3A_165, %add3A_206 : vector<16xi32>
      %gather3A_208 = tpu.vector_load_idx %arg5[%add3A_207] : memref<98304xf32, #tpu.memory_space<vmem>>[vector<16xi32>], vector<16xf32>,
      %add3A_209 = arith.addf %gather3A_208, %gather3A_91 : vector<16xf32>
      %ge3A_210 = arith.constant 0.000000e+00 : f32
      %ge3A_211 = vector.broadcast %ge3A_210 : f32 to vector<16xf32>
      %ge3A_212 = arith.cmpf oge, %add3A_209, %ge3A_211 : vector<16xf32>
      %mul3A_213 = arith.constant 2.000000e-01 : f32
      %mul3A_214 = vector.broadcast %mul3A_213 : f32 to vector<16xf32>
      %mul3A_215 = arith.mulf %mul3A_214, %add3A_209 : vector<16xf32>
      %select_n3A_216 = arith.select %ge3A_212, %add3A_209, %mul3A_215 : vector<16xi1>, vector<16xf32>
      %max3A_217 = arith.maximumf %max3A_156, %select_n3A_216 : vector<16xf32>
      %mul3A_218 = arith.constant 16 : i32
      %mul3A_219 = arith.muli %scan3A_64, %mul3A_218 : i32
      %add3A_220 = arith.constant 1024 : i32
      %add3A_221 = arith.addi %add3A_220, %mul3A_219 : i32
      %get3A_222 = arith.index_cast %add3A_221 : i32 to index
      %get3A_223 = tpu.vector_load %arg6[%get3A_222] {strides = array<i32>} : memref<4096xi32, #tpu.memory_space<vmem>>, vector<16xi32>,
      %mul3A_224 = arith.constant 24 : i32
      %mul3A_225 = vector.broadcast %mul3A_224 : i32 to vector<16xi32>
      %mul3A_226 = arith.muli %get3A_223, %mul3A_225 : vector<16xi32>
      %add3A_227 = arith.constant 16 : i32
      %add3A_228 = vector.broadcast %add3A_227 : i32 to vector<16xi32>
      %add3A_229 = arith.addi %mul3A_226, %add3A_228 : vector<16xi32>
      %gather3A_230 = tpu.vector_load_idx %arg5[%add3A_229] : memref<98304xf32, #tpu.memory_space<vmem>>[vector<16xi32>], vector<16xf32>,
      %add3A_231 = arith.addf %gather3A_230, %gather3A : vector<16xf32>
      %ge3A_232 = arith.constant 0.000000e+00 : f32
      %ge3A_233 = vector.broadcast %ge3A_232 : f32 to vector<16xf32>
      %ge3A_234 = arith.cmpf oge, %add3A_231, %ge3A_233 : vector<16xf32>
      %mul3A_235 = arith.constant 2.000000e-01 : f32
      %mul3A_236 = vector.broadcast %mul3A_235 : f32 to vector<16xf32>
      %mul3A_237 = arith.mulf %mul3A_236, %add3A_231 : vector<16xf32>
      %select_n3A_238 = arith.select %ge3A_234, %add3A_231, %mul3A_237 : vector<16xi1>, vector<16xf32>
      %max3A_239 = arith.maximumf %max3A_178, %select_n3A_238 : vector<16xf32>
      %add3A_240 = arith.constant 17 : i32
      %add3A_241 = vector.broadcast %add3A_240 : i32 to vector<16xi32>
      %add3A_242 = arith.addi %mul3A_226, %add3A_241 : vector<16xi32>
      %gather3A_243 = tpu.vector_load_idx %arg5[%add3A_242] : memref<98304xf32, #tpu.memory_space<vmem>>[vector<16xi32>], vector<16xf32>,
      %add3A_244 = arith.addf %gather3A_243, %gather3A_83 : vector<16xf32>
      %ge3A_245 = arith.constant 0.000000e+00 : f32
      %ge3A_246 = vector.broadcast %ge3A_245 : f32 to vector<16xf32>
      %ge3A_247 = arith.cmpf oge, %add3A_244, %ge3A_246 : vector<16xf32>
      %mul3A_248 = arith.constant 2.000000e-01 : f32
      %mul3A_249 = vector.broadcast %mul3A_248 : f32 to vector<16xf32>
      %mul3A_250 = arith.mulf %mul3A_249, %add3A_244 : vector<16xf32>
      %select_n3A_251 = arith.select %ge3A_247, %add3A_244, %mul3A_250 : vector<16xi1>, vector<16xf32>
      %max3A_252 = arith.maximumf %max3A_191, %select_n3A_251 : vector<16xf32>
      %add3A_253 = arith.constant 18 : i32
      %add3A_254 = vector.broadcast %add3A_253 : i32 to vector<16xi32>
      %add3A_255 = arith.addi %mul3A_226, %add3A_254 : vector<16xi32>
      %gather3A_256 = tpu.vector_load_idx %arg5[%add3A_255] : memref<98304xf32, #tpu.memory_space<vmem>>[vector<16xi32>], vector<16xf32>,
      %add3A_257 = arith.addf %gather3A_256, %gather3A_87 : vector<16xf32>
      %ge3A_258 = arith.constant 0.000000e+00 : f32
      %ge3A_259 = vector.broadcast %ge3A_258 : f32 to vector<16xf32>
      %ge3A_260 = arith.cmpf oge, %add3A_257, %ge3A_259 : vector<16xf32>
      %mul3A_261 = arith.constant 2.000000e-01 : f32
      %mul3A_262 = vector.broadcast %mul3A_261 : f32 to vector<16xf32>
      %mul3A_263 = arith.mulf %mul3A_262, %add3A_257 : vector<16xf32>
      %select_n3A_264 = arith.select %ge3A_260, %add3A_257, %mul3A_263 : vector<16xi1>, vector<16xf32>
      %max3A_265 = arith.maximumf %max3A_204, %select_n3A_264 : vector<16xf32>
      %add3A_266 = arith.constant 19 : i32
      %add3A_267 = vector.broadcast %add3A_266 : i32 to vector<16xi32>
      %add3A_268 = arith.addi %mul3A_226, %add3A_267 : vector<16xi32>
      %gather3A_269 = tpu.vector_load_idx %arg5[%add3A_268] : memref<98304xf32, #tpu.memory_space<vmem>>[vector<16xi32>], vector<16xf32>,
      %add3A_270 = arith.addf %gather3A_269, %gather3A_91 : vector<16xf32>
      %ge3A_271 = arith.constant 0.000000e+00 : f32
      %ge3A_272 = vector.broadcast %ge3A_271 : f32 to vector<16xf32>
      %ge3A_273 = arith.cmpf oge, %add3A_270, %ge3A_272 : vector<16xf32>
      %mul3A_274 = arith.constant 2.000000e-01 : f32
      %mul3A_275 = vector.broadcast %mul3A_274 : f32 to vector<16xf32>
      %mul3A_276 = arith.mulf %mul3A_275, %add3A_270 : vector<16xf32>
      %select_n3A_277 = arith.select %ge3A_273, %add3A_270, %mul3A_276 : vector<16xi1>, vector<16xf32>
      %max3A_278 = arith.maximumf %max3A_217, %select_n3A_277 : vector<16xf32>
      %mul3A_279 = arith.constant 16 : i32
      %mul3A_280 = arith.muli %scan3A_64, %mul3A_279 : i32
      %add3A_281 = arith.constant 1536 : i32
      %add3A_282 = arith.addi %add3A_281, %mul3A_280 : i32
      %get3A_283 = arith.index_cast %add3A_282 : i32 to index
      %get3A_284 = tpu.vector_load %arg6[%get3A_283] {strides = array<i32>} : memref<4096xi32, #tpu.memory_space<vmem>>, vector<16xi32>,
      %mul3A_285 = arith.constant 24 : i32
      %mul3A_286 = vector.broadcast %mul3A_285 : i32 to vector<16xi32>
      %mul3A_287 = arith.muli %get3A_284, %mul3A_286 : vector<16xi32>
      %add3A_288 = arith.constant 16 : i32
      %add3A_289 = vector.broadcast %add3A_288 : i32 to vector<16xi32>
      %add3A_290 = arith.addi %mul3A_287, %add3A_289 : vector<16xi32>
      %gather3A_291 = tpu.vector_load_idx %arg5[%add3A_290] : memref<98304xf32, #tpu.memory_space<vmem>>[vector<16xi32>], vector<16xf32>,
      %add3A_292 = arith.addf %gather3A_291, %gather3A : vector<16xf32>
      %ge3A_293 = arith.constant 0.000000e+00 : f32
      %ge3A_294 = vector.broadcast %ge3A_293 : f32 to vector<16xf32>
      %ge3A_295 = arith.cmpf oge, %add3A_292, %ge3A_294 : vector<16xf32>
      %mul3A_296 = arith.constant 2.000000e-01 : f32
      %mul3A_297 = vector.broadcast %mul3A_296 : f32 to vector<16xf32>
      %mul3A_298 = arith.mulf %mul3A_297, %add3A_292 : vector<16xf32>
      %select_n3A_299 = arith.select %ge3A_295, %add3A_292, %mul3A_298 : vector<16xi1>, vector<16xf32>
      %max3A_300 = arith.maximumf %max3A_239, %select_n3A_299 : vector<16xf32>
      %add3A_301 = arith.constant 17 : i32
      %add3A_302 = vector.broadcast %add3A_301 : i32 to vector<16xi32>
      %add3A_303 = arith.addi %mul3A_287, %add3A_302 : vector<16xi32>
      %gather3A_304 = tpu.vector_load_idx %arg5[%add3A_303] : memref<98304xf32, #tpu.memory_space<vmem>>[vector<16xi32>], vector<16xf32>,
      %add3A_305 = arith.addf %gather3A_304, %gather3A_83 : vector<16xf32>
      %ge3A_306 = arith.constant 0.000000e+00 : f32
      %ge3A_307 = vector.broadcast %ge3A_306 : f32 to vector<16xf32>
      %ge3A_308 = arith.cmpf oge, %add3A_305, %ge3A_307 : vector<16xf32>
      %mul3A_309 = arith.constant 2.000000e-01 : f32
      %mul3A_310 = vector.broadcast %mul3A_309 : f32 to vector<16xf32>
      %mul3A_311 = arith.mulf %mul3A_310, %add3A_305 : vector<16xf32>
      %select_n3A_312 = arith.select %ge3A_308, %add3A_305, %mul3A_311 : vector<16xi1>, vector<16xf32>
      %max3A_313 = arith.maximumf %max3A_252, %select_n3A_312 : vector<16xf32>
      %add3A_314 = arith.constant 18 : i32
      %add3A_315 = vector.broadcast %add3A_314 : i32 to vector<16xi32>
      %add3A_316 = arith.addi %mul3A_287, %add3A_315 : vector<16xi32>
      %gather3A_317 = tpu.vector_load_idx %arg5[%add3A_316] : memref<98304xf32, #tpu.memory_space<vmem>>[vector<16xi32>], vector<16xf32>,
      %add3A_318 = arith.addf %gather3A_317, %gather3A_87 : vector<16xf32>
      %ge3A_319 = arith.constant 0.000000e+00 : f32
      %ge3A_320 = vector.broadcast %ge3A_319 : f32 to vector<16xf32>
      %ge3A_321 = arith.cmpf oge, %add3A_318, %ge3A_320 : vector<16xf32>
      %mul3A_322 = arith.constant 2.000000e-01 : f32
      %mul3A_323 = vector.broadcast %mul3A_322 : f32 to vector<16xf32>
      %mul3A_324 = arith.mulf %mul3A_323, %add3A_318 : vector<16xf32>
      %select_n3A_325 = arith.select %ge3A_321, %add3A_318, %mul3A_324 : vector<16xi1>, vector<16xf32>
      %max3A_326 = arith.maximumf %max3A_265, %select_n3A_325 : vector<16xf32>
      %add3A_327 = arith.constant 19 : i32
      %add3A_328 = vector.broadcast %add3A_327 : i32 to vector<16xi32>
      %add3A_329 = arith.addi %mul3A_287, %add3A_328 : vector<16xi32>
      %gather3A_330 = tpu.vector_load_idx %arg5[%add3A_329] : memref<98304xf32, #tpu.memory_space<vmem>>[vector<16xi32>], vector<16xf32>,
      %add3A_331 = arith.addf %gather3A_330, %gather3A_91 : vector<16xf32>
      %ge3A_332 = arith.constant 0.000000e+00 : f32
      %ge3A_333 = vector.broadcast %ge3A_332 : f32 to vector<16xf32>
      %ge3A_334 = arith.cmpf oge, %add3A_331, %ge3A_333 : vector<16xf32>
      %mul3A_335 = arith.constant 2.000000e-01 : f32
      %mul3A_336 = vector.broadcast %mul3A_335 : f32 to vector<16xf32>
      %mul3A_337 = arith.mulf %mul3A_336, %add3A_331 : vector<16xf32>
      %select_n3A_338 = arith.select %ge3A_334, %add3A_331, %mul3A_337 : vector<16xi1>, vector<16xf32>
      %max3A_339 = arith.maximumf %max3A_278, %select_n3A_338 : vector<16xf32>
      %mul3A_340 = arith.constant 16 : i32
      %mul3A_341 = arith.muli %scan3A_64, %mul3A_340 : i32
      %add3A_342 = arith.constant 2048 : i32
      %add3A_343 = arith.addi %add3A_342, %mul3A_341 : i32
      %get3A_344 = arith.index_cast %add3A_343 : i32 to index
      %get3A_345 = tpu.vector_load %arg6[%get3A_344] {strides = array<i32>} : memref<4096xi32, #tpu.memory_space<vmem>>, vector<16xi32>,
      %mul3A_346 = arith.constant 24 : i32
      %mul3A_347 = vector.broadcast %mul3A_346 : i32 to vector<16xi32>
      %mul3A_348 = arith.muli %get3A_345, %mul3A_347 : vector<16xi32>
      %add3A_349 = arith.constant 16 : i32
      %add3A_350 = vector.broadcast %add3A_349 : i32 to vector<16xi32>
      %add3A_351 = arith.addi %mul3A_348, %add3A_350 : vector<16xi32>
      %gather3A_352 = tpu.vector_load_idx %arg5[%add3A_351] : memref<98304xf32, #tpu.memory_space<vmem>>[vector<16xi32>], vector<16xf32>,
      %add3A_353 = arith.addf %gather3A_352, %gather3A : vector<16xf32>
      %ge3A_354 = arith.constant 0.000000e+00 : f32
      %ge3A_355 = vector.broadcast %ge3A_354 : f32 to vector<16xf32>
      %ge3A_356 = arith.cmpf oge, %add3A_353, %ge3A_355 : vector<16xf32>
      %mul3A_357 = arith.constant 2.000000e-01 : f32
      %mul3A_358 = vector.broadcast %mul3A_357 : f32 to vector<16xf32>
      %mul3A_359 = arith.mulf %mul3A_358, %add3A_353 : vector<16xf32>
      %select_n3A_360 = arith.select %ge3A_356, %add3A_353, %mul3A_359 : vector<16xi1>, vector<16xf32>
      %max3A_361 = arith.maximumf %max3A_300, %select_n3A_360 : vector<16xf32>
      %add3A_362 = arith.constant 17 : i32
      %add3A_363 = vector.broadcast %add3A_362 : i32 to vector<16xi32>
      %add3A_364 = arith.addi %mul3A_348, %add3A_363 : vector<16xi32>
      %gather3A_365 = tpu.vector_load_idx %arg5[%add3A_364] : memref<98304xf32, #tpu.memory_space<vmem>>[vector<16xi32>], vector<16xf32>,
      %add3A_366 = arith.addf %gather3A_365, %gather3A_83 : vector<16xf32>
      %ge3A_367 = arith.constant 0.000000e+00 : f32
      %ge3A_368 = vector.broadcast %ge3A_367 : f32 to vector<16xf32>
      %ge3A_369 = arith.cmpf oge, %add3A_366, %ge3A_368 : vector<16xf32>
      %mul3A_370 = arith.constant 2.000000e-01 : f32
      %mul3A_371 = vector.broadcast %mul3A_370 : f32 to vector<16xf32>
      %mul3A_372 = arith.mulf %mul3A_371, %add3A_366 : vector<16xf32>
      %select_n3A_373 = arith.select %ge3A_369, %add3A_366, %mul3A_372 : vector<16xi1>, vector<16xf32>
      %max3A_374 = arith.maximumf %max3A_313, %select_n3A_373 : vector<16xf32>
      %add3A_375 = arith.constant 18 : i32
      %add3A_376 = vector.broadcast %add3A_375 : i32 to vector<16xi32>
      %add3A_377 = arith.addi %mul3A_348, %add3A_376 : vector<16xi32>
      %gather3A_378 = tpu.vector_load_idx %arg5[%add3A_377] : memref<98304xf32, #tpu.memory_space<vmem>>[vector<16xi32>], vector<16xf32>,
      %add3A_379 = arith.addf %gather3A_378, %gather3A_87 : vector<16xf32>
      %ge3A_380 = arith.constant 0.000000e+00 : f32
      %ge3A_381 = vector.broadcast %ge3A_380 : f32 to vector<16xf32>
      %ge3A_382 = arith.cmpf oge, %add3A_379, %ge3A_381 : vector<16xf32>
      %mul3A_383 = arith.constant 2.000000e-01 : f32
      %mul3A_384 = vector.broadcast %mul3A_383 : f32 to vector<16xf32>
      %mul3A_385 = arith.mulf %mul3A_384, %add3A_379 : vector<16xf32>
      %select_n3A_386 = arith.select %ge3A_382, %add3A_379, %mul3A_385 : vector<16xi1>, vector<16xf32>
      %max3A_387 = arith.maximumf %max3A_326, %select_n3A_386 : vector<16xf32>
      %add3A_388 = arith.constant 19 : i32
      %add3A_389 = vector.broadcast %add3A_388 : i32 to vector<16xi32>
      %add3A_390 = arith.addi %mul3A_348, %add3A_389 : vector<16xi32>
      %gather3A_391 = tpu.vector_load_idx %arg5[%add3A_390] : memref<98304xf32, #tpu.memory_space<vmem>>[vector<16xi32>], vector<16xf32>,
      %add3A_392 = arith.addf %gather3A_391, %gather3A_91 : vector<16xf32>
      %ge3A_393 = arith.constant 0.000000e+00 : f32
      %ge3A_394 = vector.broadcast %ge3A_393 : f32 to vector<16xf32>
      %ge3A_395 = arith.cmpf oge, %add3A_392, %ge3A_394 : vector<16xf32>
      %mul3A_396 = arith.constant 2.000000e-01 : f32
      %mul3A_397 = vector.broadcast %mul3A_396 : f32 to vector<16xf32>
      %mul3A_398 = arith.mulf %mul3A_397, %add3A_392 : vector<16xf32>
      %select_n3A_399 = arith.select %ge3A_395, %add3A_392, %mul3A_398 : vector<16xi1>, vector<16xf32>
      %max3A_400 = arith.maximumf %max3A_339, %select_n3A_399 : vector<16xf32>
      %mul3A_401 = arith.constant 16 : i32
      %mul3A_402 = arith.muli %scan3A_64, %mul3A_401 : i32
      %add3A_403 = arith.constant 2560 : i32
      %add3A_404 = arith.addi %add3A_403, %mul3A_402 : i32
      %get3A_405 = arith.index_cast %add3A_404 : i32 to index
      %get3A_406 = tpu.vector_load %arg6[%get3A_405] {strides = array<i32>} : memref<4096xi32, #tpu.memory_space<vmem>>, vector<16xi32>,
      %mul3A_407 = arith.constant 24 : i32
      %mul3A_408 = vector.broadcast %mul3A_407 : i32 to vector<16xi32>
      %mul3A_409 = arith.muli %get3A_406, %mul3A_408 : vector<16xi32>
      %add3A_410 = arith.constant 16 : i32
      %add3A_411 = vector.broadcast %add3A_410 : i32 to vector<16xi32>
      %add3A_412 = arith.addi %mul3A_409, %add3A_411 : vector<16xi32>
      %gather3A_413 = tpu.vector_load_idx %arg5[%add3A_412] : memref<98304xf32, #tpu.memory_space<vmem>>[vector<16xi32>], vector<16xf32>,
      %add3A_414 = arith.addf %gather3A_413, %gather3A : vector<16xf32>
      %ge3A_415 = arith.constant 0.000000e+00 : f32
      %ge3A_416 = vector.broadcast %ge3A_415 : f32 to vector<16xf32>
      %ge3A_417 = arith.cmpf oge, %add3A_414, %ge3A_416 : vector<16xf32>
      %mul3A_418 = arith.constant 2.000000e-01 : f32
      %mul3A_419 = vector.broadcast %mul3A_418 : f32 to vector<16xf32>
      %mul3A_420 = arith.mulf %mul3A_419, %add3A_414 : vector<16xf32>
      %select_n3A_421 = arith.select %ge3A_417, %add3A_414, %mul3A_420 : vector<16xi1>, vector<16xf32>
      %max3A_422 = arith.maximumf %max3A_361, %select_n3A_421 : vector<16xf32>
      %add3A_423 = arith.constant 17 : i32
      %add3A_424 = vector.broadcast %add3A_423 : i32 to vector<16xi32>
      %add3A_425 = arith.addi %mul3A_409, %add3A_424 : vector<16xi32>
      %gather3A_426 = tpu.vector_load_idx %arg5[%add3A_425] : memref<98304xf32, #tpu.memory_space<vmem>>[vector<16xi32>], vector<16xf32>,
      %add3A_427 = arith.addf %gather3A_426, %gather3A_83 : vector<16xf32>
      %ge3A_428 = arith.constant 0.000000e+00 : f32
      %ge3A_429 = vector.broadcast %ge3A_428 : f32 to vector<16xf32>
      %ge3A_430 = arith.cmpf oge, %add3A_427, %ge3A_429 : vector<16xf32>
      %mul3A_431 = arith.constant 2.000000e-01 : f32
      %mul3A_432 = vector.broadcast %mul3A_431 : f32 to vector<16xf32>
      %mul3A_433 = arith.mulf %mul3A_432, %add3A_427 : vector<16xf32>
      %select_n3A_434 = arith.select %ge3A_430, %add3A_427, %mul3A_433 : vector<16xi1>, vector<16xf32>
      %max3A_435 = arith.maximumf %max3A_374, %select_n3A_434 : vector<16xf32>
      %add3A_436 = arith.constant 18 : i32
      %add3A_437 = vector.broadcast %add3A_436 : i32 to vector<16xi32>
      %add3A_438 = arith.addi %mul3A_409, %add3A_437 : vector<16xi32>
      %gather3A_439 = tpu.vector_load_idx %arg5[%add3A_438] : memref<98304xf32, #tpu.memory_space<vmem>>[vector<16xi32>], vector<16xf32>,
      %add3A_440 = arith.addf %gather3A_439, %gather3A_87 : vector<16xf32>
      %ge3A_441 = arith.constant 0.000000e+00 : f32
      %ge3A_442 = vector.broadcast %ge3A_441 : f32 to vector<16xf32>
      %ge3A_443 = arith.cmpf oge, %add3A_440, %ge3A_442 : vector<16xf32>
      %mul3A_444 = arith.constant 2.000000e-01 : f32
      %mul3A_445 = vector.broadcast %mul3A_444 : f32 to vector<16xf32>
      %mul3A_446 = arith.mulf %mul3A_445, %add3A_440 : vector<16xf32>
      %select_n3A_447 = arith.select %ge3A_443, %add3A_440, %mul3A_446 : vector<16xi1>, vector<16xf32>
      %max3A_448 = arith.maximumf %max3A_387, %select_n3A_447 : vector<16xf32>
      %add3A_449 = arith.constant 19 : i32
      %add3A_450 = vector.broadcast %add3A_449 : i32 to vector<16xi32>
      %add3A_451 = arith.addi %mul3A_409, %add3A_450 : vector<16xi32>
      %gather3A_452 = tpu.vector_load_idx %arg5[%add3A_451] : memref<98304xf32, #tpu.memory_space<vmem>>[vector<16xi32>], vector<16xf32>,
      %add3A_453 = arith.addf %gather3A_452, %gather3A_91 : vector<16xf32>
      %ge3A_454 = arith.constant 0.000000e+00 : f32
      %ge3A_455 = vector.broadcast %ge3A_454 : f32 to vector<16xf32>
      %ge3A_456 = arith.cmpf oge, %add3A_453, %ge3A_455 : vector<16xf32>
      %mul3A_457 = arith.constant 2.000000e-01 : f32
      %mul3A_458 = vector.broadcast %mul3A_457 : f32 to vector<16xf32>
      %mul3A_459 = arith.mulf %mul3A_458, %add3A_453 : vector<16xf32>
      %select_n3A_460 = arith.select %ge3A_456, %add3A_453, %mul3A_459 : vector<16xi1>, vector<16xf32>
      %max3A_461 = arith.maximumf %max3A_400, %select_n3A_460 : vector<16xf32>
      %mul3A_462 = arith.constant 16 : i32
      %mul3A_463 = arith.muli %scan3A_64, %mul3A_462 : i32
      %add3A_464 = arith.constant 3072 : i32
      %add3A_465 = arith.addi %add3A_464, %mul3A_463 : i32
      %get3A_466 = arith.index_cast %add3A_465 : i32 to index
      %get3A_467 = tpu.vector_load %arg6[%get3A_466] {strides = array<i32>} : memref<4096xi32, #tpu.memory_space<vmem>>, vector<16xi32>,
      %mul3A_468 = arith.constant 24 : i32
      %mul3A_469 = vector.broadcast %mul3A_468 : i32 to vector<16xi32>
      %mul3A_470 = arith.muli %get3A_467, %mul3A_469 : vector<16xi32>
      %add3A_471 = arith.constant 16 : i32
      %add3A_472 = vector.broadcast %add3A_471 : i32 to vector<16xi32>
      %add3A_473 = arith.addi %mul3A_470, %add3A_472 : vector<16xi32>
      %gather3A_474 = tpu.vector_load_idx %arg5[%add3A_473] : memref<98304xf32, #tpu.memory_space<vmem>>[vector<16xi32>], vector<16xf32>,
      %add3A_475 = arith.addf %gather3A_474, %gather3A : vector<16xf32>
      %ge3A_476 = arith.constant 0.000000e+00 : f32
      %ge3A_477 = vector.broadcast %ge3A_476 : f32 to vector<16xf32>
      %ge3A_478 = arith.cmpf oge, %add3A_475, %ge3A_477 : vector<16xf32>
      %mul3A_479 = arith.constant 2.000000e-01 : f32
      %mul3A_480 = vector.broadcast %mul3A_479 : f32 to vector<16xf32>
      %mul3A_481 = arith.mulf %mul3A_480, %add3A_475 : vector<16xf32>
      %select_n3A_482 = arith.select %ge3A_478, %add3A_475, %mul3A_481 : vector<16xi1>, vector<16xf32>
      %max3A_483 = arith.maximumf %max3A_422, %select_n3A_482 : vector<16xf32>
      %add3A_484 = arith.constant 17 : i32
      %add3A_485 = vector.broadcast %add3A_484 : i32 to vector<16xi32>
      %add3A_486 = arith.addi %mul3A_470, %add3A_485 : vector<16xi32>
      %gather3A_487 = tpu.vector_load_idx %arg5[%add3A_486] : memref<98304xf32, #tpu.memory_space<vmem>>[vector<16xi32>], vector<16xf32>,
      %add3A_488 = arith.addf %gather3A_487, %gather3A_83 : vector<16xf32>
      %ge3A_489 = arith.constant 0.000000e+00 : f32
      %ge3A_490 = vector.broadcast %ge3A_489 : f32 to vector<16xf32>
      %ge3A_491 = arith.cmpf oge, %add3A_488, %ge3A_490 : vector<16xf32>
      %mul3A_492 = arith.constant 2.000000e-01 : f32
      %mul3A_493 = vector.broadcast %mul3A_492 : f32 to vector<16xf32>
      %mul3A_494 = arith.mulf %mul3A_493, %add3A_488 : vector<16xf32>
      %select_n3A_495 = arith.select %ge3A_491, %add3A_488, %mul3A_494 : vector<16xi1>, vector<16xf32>
      %max3A_496 = arith.maximumf %max3A_435, %select_n3A_495 : vector<16xf32>
      %add3A_497 = arith.constant 18 : i32
      %add3A_498 = vector.broadcast %add3A_497 : i32 to vector<16xi32>
      %add3A_499 = arith.addi %mul3A_470, %add3A_498 : vector<16xi32>
      %gather3A_500 = tpu.vector_load_idx %arg5[%add3A_499] : memref<98304xf32, #tpu.memory_space<vmem>>[vector<16xi32>], vector<16xf32>,
      %add3A_501 = arith.addf %gather3A_500, %gather3A_87 : vector<16xf32>
      %ge3A_502 = arith.constant 0.000000e+00 : f32
      %ge3A_503 = vector.broadcast %ge3A_502 : f32 to vector<16xf32>
      %ge3A_504 = arith.cmpf oge, %add3A_501, %ge3A_503 : vector<16xf32>
      %mul3A_505 = arith.constant 2.000000e-01 : f32
      %mul3A_506 = vector.broadcast %mul3A_505 : f32 to vector<16xf32>
      %mul3A_507 = arith.mulf %mul3A_506, %add3A_501 : vector<16xf32>
      %select_n3A_508 = arith.select %ge3A_504, %add3A_501, %mul3A_507 : vector<16xi1>, vector<16xf32>
      %max3A_509 = arith.maximumf %max3A_448, %select_n3A_508 : vector<16xf32>
      %add3A_510 = arith.constant 19 : i32
      %add3A_511 = vector.broadcast %add3A_510 : i32 to vector<16xi32>
      %add3A_512 = arith.addi %mul3A_470, %add3A_511 : vector<16xi32>
      %gather3A_513 = tpu.vector_load_idx %arg5[%add3A_512] : memref<98304xf32, #tpu.memory_space<vmem>>[vector<16xi32>], vector<16xf32>,
      %add3A_514 = arith.addf %gather3A_513, %gather3A_91 : vector<16xf32>
      %ge3A_515 = arith.constant 0.000000e+00 : f32
      %ge3A_516 = vector.broadcast %ge3A_515 : f32 to vector<16xf32>
      %ge3A_517 = arith.cmpf oge, %add3A_514, %ge3A_516 : vector<16xf32>
      %mul3A_518 = arith.constant 2.000000e-01 : f32
      %mul3A_519 = vector.broadcast %mul3A_518 : f32 to vector<16xf32>
      %mul3A_520 = arith.mulf %mul3A_519, %add3A_514 : vector<16xf32>
      %select_n3A_521 = arith.select %ge3A_517, %add3A_514, %mul3A_520 : vector<16xi1>, vector<16xf32>
      %max3A_522 = arith.maximumf %max3A_461, %select_n3A_521 : vector<16xf32>
      %mul3A_523 = arith.constant 16 : i32
      %mul3A_524 = arith.muli %scan3A_64, %mul3A_523 : i32
      %add3A_525 = arith.constant 3584 : i32
      %add3A_526 = arith.addi %add3A_525, %mul3A_524 : i32
      %get3A_527 = arith.index_cast %add3A_526 : i32 to index
      %get3A_528 = tpu.vector_load %arg6[%get3A_527] {strides = array<i32>} : memref<4096xi32, #tpu.memory_space<vmem>>, vector<16xi32>,
      %mul3A_529 = arith.constant 24 : i32
      %mul3A_530 = vector.broadcast %mul3A_529 : i32 to vector<16xi32>
      %mul3A_531 = arith.muli %get3A_528, %mul3A_530 : vector<16xi32>
      %add3A_532 = arith.constant 16 : i32
      %add3A_533 = vector.broadcast %add3A_532 : i32 to vector<16xi32>
      %add3A_534 = arith.addi %mul3A_531, %add3A_533 : vector<16xi32>
      %gather3A_535 = tpu.vector_load_idx %arg5[%add3A_534] : memref<98304xf32, #tpu.memory_space<vmem>>[vector<16xi32>], vector<16xf32>,
      %add3A_536 = arith.addf %gather3A_535, %gather3A : vector<16xf32>
      %ge3A_537 = arith.constant 0.000000e+00 : f32
      %ge3A_538 = vector.broadcast %ge3A_537 : f32 to vector<16xf32>
      %ge3A_539 = arith.cmpf oge, %add3A_536, %ge3A_538 : vector<16xf32>
      %mul3A_540 = arith.constant 2.000000e-01 : f32
      %mul3A_541 = vector.broadcast %mul3A_540 : f32 to vector<16xf32>
      %mul3A_542 = arith.mulf %mul3A_541, %add3A_536 : vector<16xf32>
      %select_n3A_543 = arith.select %ge3A_539, %add3A_536, %mul3A_542 : vector<16xi1>, vector<16xf32>
      %max3A_544 = arith.maximumf %max3A_483, %select_n3A_543 : vector<16xf32>
      %add3A_545 = arith.constant 17 : i32
      %add3A_546 = vector.broadcast %add3A_545 : i32 to vector<16xi32>
      %add3A_547 = arith.addi %mul3A_531, %add3A_546 : vector<16xi32>
      %gather3A_548 = tpu.vector_load_idx %arg5[%add3A_547] : memref<98304xf32, #tpu.memory_space<vmem>>[vector<16xi32>], vector<16xf32>,
      %add3A_549 = arith.addf %gather3A_548, %gather3A_83 : vector<16xf32>
      %ge3A_550 = arith.constant 0.000000e+00 : f32
      %ge3A_551 = vector.broadcast %ge3A_550 : f32 to vector<16xf32>
      %ge3A_552 = arith.cmpf oge, %add3A_549, %ge3A_551 : vector<16xf32>
      %mul3A_553 = arith.constant 2.000000e-01 : f32
      %mul3A_554 = vector.broadcast %mul3A_553 : f32 to vector<16xf32>
      %mul3A_555 = arith.mulf %mul3A_554, %add3A_549 : vector<16xf32>
      %select_n3A_556 = arith.select %ge3A_552, %add3A_549, %mul3A_555 : vector<16xi1>, vector<16xf32>
      %max3A_557 = arith.maximumf %max3A_496, %select_n3A_556 : vector<16xf32>
      %add3A_558 = arith.constant 18 : i32
      %add3A_559 = vector.broadcast %add3A_558 : i32 to vector<16xi32>
      %add3A_560 = arith.addi %mul3A_531, %add3A_559 : vector<16xi32>
      %gather3A_561 = tpu.vector_load_idx %arg5[%add3A_560] : memref<98304xf32, #tpu.memory_space<vmem>>[vector<16xi32>], vector<16xf32>,
      %add3A_562 = arith.addf %gather3A_561, %gather3A_87 : vector<16xf32>
      %ge3A_563 = arith.constant 0.000000e+00 : f32
      %ge3A_564 = vector.broadcast %ge3A_563 : f32 to vector<16xf32>
      %ge3A_565 = arith.cmpf oge, %add3A_562, %ge3A_564 : vector<16xf32>
      %mul3A_566 = arith.constant 2.000000e-01 : f32
      %mul3A_567 = vector.broadcast %mul3A_566 : f32 to vector<16xf32>
      %mul3A_568 = arith.mulf %mul3A_567, %add3A_562 : vector<16xf32>
      %select_n3A_569 = arith.select %ge3A_565, %add3A_562, %mul3A_568 : vector<16xi1>, vector<16xf32>
      %max3A_570 = arith.maximumf %max3A_509, %select_n3A_569 : vector<16xf32>
      %add3A_571 = arith.constant 19 : i32
      %add3A_572 = vector.broadcast %add3A_571 : i32 to vector<16xi32>
      %add3A_573 = arith.addi %mul3A_531, %add3A_572 : vector<16xi32>
      %gather3A_574 = tpu.vector_load_idx %arg5[%add3A_573] : memref<98304xf32, #tpu.memory_space<vmem>>[vector<16xi32>], vector<16xf32>,
      %add3A_575 = arith.addf %gather3A_574, %gather3A_91 : vector<16xf32>
      %ge3A_576 = arith.constant 0.000000e+00 : f32
      %ge3A_577 = vector.broadcast %ge3A_576 : f32 to vector<16xf32>
      %ge3A_578 = arith.cmpf oge, %add3A_575, %ge3A_577 : vector<16xf32>
      %mul3A_579 = arith.constant 2.000000e-01 : f32
      %mul3A_580 = vector.broadcast %mul3A_579 : f32 to vector<16xf32>
      %mul3A_581 = arith.mulf %mul3A_580, %add3A_575 : vector<16xf32>
      %select_n3A_582 = arith.select %ge3A_578, %add3A_575, %mul3A_581 : vector<16xi1>, vector<16xf32>
      %max3A_583 = arith.maximumf %max3A_522, %select_n3A_582 : vector<16xf32>
      %broadcast_in_dim3A_584 = arith.constant 0.000000e+00 : f32
      %broadcast_in_dim3A_585 = vector.broadcast %broadcast_in_dim3A_584 : f32 to vector<16xf32>
      %broadcast_in_dim3A_586 = arith.constant 0.000000e+00 : f32
      %broadcast_in_dim3A_587 = vector.broadcast %broadcast_in_dim3A_586 : f32 to vector<16xf32>
      %broadcast_in_dim3A_588 = arith.constant 0.000000e+00 : f32
      %broadcast_in_dim3A_589 = vector.broadcast %broadcast_in_dim3A_588 : f32 to vector<16xf32>
      %broadcast_in_dim3A_590 = arith.constant 0.000000e+00 : f32
      %broadcast_in_dim3A_591 = vector.broadcast %broadcast_in_dim3A_590 : f32 to vector<16xf32>
      %broadcast_in_dim3A_592 = arith.constant 0.000000e+00 : f32
      %broadcast_in_dim3A_593 = vector.broadcast %broadcast_in_dim3A_592 : f32 to vector<16xf32>
      %broadcast_in_dim3A_594 = arith.constant 0.000000e+00 : f32
      %broadcast_in_dim3A_595 = vector.broadcast %broadcast_in_dim3A_594 : f32 to vector<16xf32>
      %broadcast_in_dim3A_596 = arith.constant 0.000000e+00 : f32
      %broadcast_in_dim3A_597 = vector.broadcast %broadcast_in_dim3A_596 : f32 to vector<16xf32>
      %broadcast_in_dim3A_598 = arith.constant 0.000000e+00 : f32
      %broadcast_in_dim3A_599 = vector.broadcast %broadcast_in_dim3A_598 : f32 to vector<16xf32>
      %broadcast_in_dim3A_600 = arith.constant 0.000000e+00 : f32
      %broadcast_in_dim3A_601 = vector.broadcast %broadcast_in_dim3A_600 : f32 to vector<16xf32>
      %broadcast_in_dim3A_602 = arith.constant 0.000000e+00 : f32
      %broadcast_in_dim3A_603 = vector.broadcast %broadcast_in_dim3A_602 : f32 to vector<16xf32>
      %broadcast_in_dim3A_604 = arith.constant 0.000000e+00 : f32
      %broadcast_in_dim3A_605 = vector.broadcast %broadcast_in_dim3A_604 : f32 to vector<16xf32>
      %broadcast_in_dim3A_606 = arith.constant 0.000000e+00 : f32
      %broadcast_in_dim3A_607 = vector.broadcast %broadcast_in_dim3A_606 : f32 to vector<16xf32>
      %broadcast_in_dim3A_608 = arith.constant 0.000000e+00 : f32
      %broadcast_in_dim3A_609 = vector.broadcast %broadcast_in_dim3A_608 : f32 to vector<16xf32>
      %broadcast_in_dim3A_610 = arith.constant 0.000000e+00 : f32
      %broadcast_in_dim3A_611 = vector.broadcast %broadcast_in_dim3A_610 : f32 to vector<16xf32>
      %broadcast_in_dim3A_612 = arith.constant 0.000000e+00 : f32
      %broadcast_in_dim3A_613 = vector.broadcast %broadcast_in_dim3A_612 : f32 to vector<16xf32>
      %broadcast_in_dim3A_614 = arith.constant 0.000000e+00 : f32
      %broadcast_in_dim3A_615 = vector.broadcast %broadcast_in_dim3A_614 : f32 to vector<16xf32>
      %broadcast_in_dim3A_616 = arith.constant 0.000000e+00 : f32
      %broadcast_in_dim3A_617 = vector.broadcast %broadcast_in_dim3A_616 : f32 to vector<16xf32>
      %broadcast_in_dim3A_618 = arith.constant 0.000000e+00 : f32
      %broadcast_in_dim3A_619 = vector.broadcast %broadcast_in_dim3A_618 : f32 to vector<16xf32>
      %broadcast_in_dim3A_620 = arith.constant 0.000000e+00 : f32
      %broadcast_in_dim3A_621 = vector.broadcast %broadcast_in_dim3A_620 : f32 to vector<16xf32>
      %broadcast_in_dim3A_622 = arith.constant 0.000000e+00 : f32
      %broadcast_in_dim3A_623 = vector.broadcast %broadcast_in_dim3A_622 : f32 to vector<16xf32>
      %add3A_624 = arith.constant 16 : i32
      %add3A_625 = vector.broadcast %add3A_624 : i32 to vector<16xi32>
      %add3A_626 = arith.addi %mul3A_106, %add3A_625 : vector<16xi32>
      %gather3A_627 = tpu.vector_load_idx %arg5[%add3A_626] : memref<98304xf32, #tpu.memory_space<vmem>>[vector<16xi32>], vector<16xf32>,
      %add3A_628 = arith.addf %gather3A_627, %gather3A : vector<16xf32>
      %ge3A_629 = arith.constant 0.000000e+00 : f32
      %ge3A_630 = vector.broadcast %ge3A_629 : f32 to vector<16xf32>
      %ge3A_631 = arith.cmpf oge, %add3A_628, %ge3A_630 : vector<16xf32>
      %mul3A_632 = arith.constant 2.000000e-01 : f32
      %mul3A_633 = vector.broadcast %mul3A_632 : f32 to vector<16xf32>
      %mul3A_634 = arith.mulf %mul3A_633, %add3A_628 : vector<16xf32>
      %select_n3A_635 = arith.select %ge3A_631, %add3A_628, %mul3A_634 : vector<16xi1>, vector<16xf32>
      %sub3A_636 = arith.subf %select_n3A_635, %max3A_544 : vector<16xf32>
      %exp3A = math.exp %sub3A_636 : vector<16xf32>
      %add3A_637 = arith.addf %broadcast_in_dim3A_585, %exp3A : vector<16xf32>
      %add3A_638 = arith.constant 0 : i32
      %add3A_639 = vector.broadcast %add3A_638 : i32 to vector<16xi32>
      %add3A_640 = arith.addi %mul3A_106, %add3A_639 : vector<16xi32>
      %gather3A_641 = tpu.vector_load_idx %arg5[%add3A_640] : memref<98304xf32, #tpu.memory_space<vmem>>[vector<16xi32>], vector<16xf32>,
      %mul3A_642 = arith.mulf %exp3A, %gather3A_641 : vector<16xf32>
      %add3A_643 = arith.addf %broadcast_in_dim3A_593, %mul3A_642 : vector<16xf32>
      %add3A_644 = arith.constant 1 : i32
      %add3A_645 = vector.broadcast %add3A_644 : i32 to vector<16xi32>
      %add3A_646 = arith.addi %mul3A_106, %add3A_645 : vector<16xi32>
      %gather3A_647 = tpu.vector_load_idx %arg5[%add3A_646] : memref<98304xf32, #tpu.memory_space<vmem>>[vector<16xi32>], vector<16xf32>,
      %mul3A_648 = arith.mulf %exp3A, %gather3A_647 : vector<16xf32>
      %add3A_649 = arith.addf %broadcast_in_dim3A_595, %mul3A_648 : vector<16xf32>
      %add3A_650 = arith.constant 2 : i32
      %add3A_651 = vector.broadcast %add3A_650 : i32 to vector<16xi32>
      %add3A_652 = arith.addi %mul3A_106, %add3A_651 : vector<16xi32>
      %gather3A_653 = tpu.vector_load_idx %arg5[%add3A_652] : memref<98304xf32, #tpu.memory_space<vmem>>[vector<16xi32>], vector<16xf32>,
      %mul3A_654 = arith.mulf %exp3A, %gather3A_653 : vector<16xf32>
      %add3A_655 = arith.addf %broadcast_in_dim3A_597, %mul3A_654 : vector<16xf32>
      %add3A_656 = arith.constant 3 : i32
      %add3A_657 = vector.broadcast %add3A_656 : i32 to vector<16xi32>
      %add3A_658 = arith.addi %mul3A_106, %add3A_657 : vector<16xi32>
      %gather3A_659 = tpu.vector_load_idx %arg5[%add3A_658] : memref<98304xf32, #tpu.memory_space<vmem>>[vector<16xi32>], vector<16xf32>,
      %mul3A_660 = arith.mulf %exp3A, %gather3A_659 : vector<16xf32>
      %add3A_661 = arith.addf %broadcast_in_dim3A_599, %mul3A_660 : vector<16xf32>
      %add3A_662 = arith.constant 17 : i32
      %add3A_663 = vector.broadcast %add3A_662 : i32 to vector<16xi32>
      %add3A_664 = arith.addi %mul3A_106, %add3A_663 : vector<16xi32>
      %gather3A_665 = tpu.vector_load_idx %arg5[%add3A_664] : memref<98304xf32, #tpu.memory_space<vmem>>[vector<16xi32>], vector<16xf32>,
      %add3A_666 = arith.addf %gather3A_665, %gather3A_83 : vector<16xf32>
      %ge3A_667 = arith.constant 0.000000e+00 : f32
      %ge3A_668 = vector.broadcast %ge3A_667 : f32 to vector<16xf32>
      %ge3A_669 = arith.cmpf oge, %add3A_666, %ge3A_668 : vector<16xf32>
      %mul3A_670 = arith.constant 2.000000e-01 : f32
      %mul3A_671 = vector.broadcast %mul3A_670 : f32 to vector<16xf32>
      %mul3A_672 = arith.mulf %mul3A_671, %add3A_666 : vector<16xf32>
      %select_n3A_673 = arith.select %ge3A_669, %add3A_666, %mul3A_672 : vector<16xi1>, vector<16xf32>
      %sub3A_674 = arith.subf %select_n3A_673, %max3A_557 : vector<16xf32>
      %exp3A_675 = math.exp %sub3A_674 : vector<16xf32>
      %add3A_676 = arith.addf %broadcast_in_dim3A_587, %exp3A_675 : vector<16xf32>
      %add3A_677 = arith.constant 4 : i32
      %add3A_678 = vector.broadcast %add3A_677 : i32 to vector<16xi32>
      %add3A_679 = arith.addi %mul3A_106, %add3A_678 : vector<16xi32>
      %gather3A_680 = tpu.vector_load_idx %arg5[%add3A_679] : memref<98304xf32, #tpu.memory_space<vmem>>[vector<16xi32>], vector<16xf32>,
      %mul3A_681 = arith.mulf %exp3A_675, %gather3A_680 : vector<16xf32>
      %add3A_682 = arith.addf %broadcast_in_dim3A_601, %mul3A_681 : vector<16xf32>
      %add3A_683 = arith.constant 5 : i32
      %add3A_684 = vector.broadcast %add3A_683 : i32 to vector<16xi32>
      %add3A_685 = arith.addi %mul3A_106, %add3A_684 : vector<16xi32>
      %gather3A_686 = tpu.vector_load_idx %arg5[%add3A_685] : memref<98304xf32, #tpu.memory_space<vmem>>[vector<16xi32>], vector<16xf32>,
      %mul3A_687 = arith.mulf %exp3A_675, %gather3A_686 : vector<16xf32>
      %add3A_688 = arith.addf %broadcast_in_dim3A_603, %mul3A_687 : vector<16xf32>
      %add3A_689 = arith.constant 6 : i32
      %add3A_690 = vector.broadcast %add3A_689 : i32 to vector<16xi32>
      %add3A_691 = arith.addi %mul3A_106, %add3A_690 : vector<16xi32>
      %gather3A_692 = tpu.vector_load_idx %arg5[%add3A_691] : memref<98304xf32, #tpu.memory_space<vmem>>[vector<16xi32>], vector<16xf32>,
      %mul3A_693 = arith.mulf %exp3A_675, %gather3A_692 : vector<16xf32>
      %add3A_694 = arith.addf %broadcast_in_dim3A_605, %mul3A_693 : vector<16xf32>
      %add3A_695 = arith.constant 7 : i32
      %add3A_696 = vector.broadcast %add3A_695 : i32 to vector<16xi32>
      %add3A_697 = arith.addi %mul3A_106, %add3A_696 : vector<16xi32>
      %gather3A_698 = tpu.vector_load_idx %arg5[%add3A_697] : memref<98304xf32, #tpu.memory_space<vmem>>[vector<16xi32>], vector<16xf32>,
      %mul3A_699 = arith.mulf %exp3A_675, %gather3A_698 : vector<16xf32>
      %add3A_700 = arith.addf %broadcast_in_dim3A_607, %mul3A_699 : vector<16xf32>
      %add3A_701 = arith.constant 18 : i32
      %add3A_702 = vector.broadcast %add3A_701 : i32 to vector<16xi32>
      %add3A_703 = arith.addi %mul3A_106, %add3A_702 : vector<16xi32>
      %gather3A_704 = tpu.vector_load_idx %arg5[%add3A_703] : memref<98304xf32, #tpu.memory_space<vmem>>[vector<16xi32>], vector<16xf32>,
      %add3A_705 = arith.addf %gather3A_704, %gather3A_87 : vector<16xf32>
      %ge3A_706 = arith.constant 0.000000e+00 : f32
      %ge3A_707 = vector.broadcast %ge3A_706 : f32 to vector<16xf32>
      %ge3A_708 = arith.cmpf oge, %add3A_705, %ge3A_707 : vector<16xf32>
      %mul3A_709 = arith.constant 2.000000e-01 : f32
      %mul3A_710 = vector.broadcast %mul3A_709 : f32 to vector<16xf32>
      %mul3A_711 = arith.mulf %mul3A_710, %add3A_705 : vector<16xf32>
      %select_n3A_712 = arith.select %ge3A_708, %add3A_705, %mul3A_711 : vector<16xi1>, vector<16xf32>
      %sub3A_713 = arith.subf %select_n3A_712, %max3A_570 : vector<16xf32>
      %exp3A_714 = math.exp %sub3A_713 : vector<16xf32>
      %add3A_715 = arith.addf %broadcast_in_dim3A_589, %exp3A_714 : vector<16xf32>
      %add3A_716 = arith.constant 8 : i32
      %add3A_717 = vector.broadcast %add3A_716 : i32 to vector<16xi32>
      %add3A_718 = arith.addi %mul3A_106, %add3A_717 : vector<16xi32>
      %gather3A_719 = tpu.vector_load_idx %arg5[%add3A_718] : memref<98304xf32, #tpu.memory_space<vmem>>[vector<16xi32>], vector<16xf32>,
      %mul3A_720 = arith.mulf %exp3A_714, %gather3A_719 : vector<16xf32>
      %add3A_721 = arith.addf %broadcast_in_dim3A_609, %mul3A_720 : vector<16xf32>
      %add3A_722 = arith.constant 9 : i32
      %add3A_723 = vector.broadcast %add3A_722 : i32 to vector<16xi32>
      %add3A_724 = arith.addi %mul3A_106, %add3A_723 : vector<16xi32>
      %gather3A_725 = tpu.vector_load_idx %arg5[%add3A_724] : memref<98304xf32, #tpu.memory_space<vmem>>[vector<16xi32>], vector<16xf32>,
      %mul3A_726 = arith.mulf %exp3A_714, %gather3A_725 : vector<16xf32>
      %add3A_727 = arith.addf %broadcast_in_dim3A_611, %mul3A_726 : vector<16xf32>
      %add3A_728 = arith.constant 10 : i32
      %add3A_729 = vector.broadcast %add3A_728 : i32 to vector<16xi32>
      %add3A_730 = arith.addi %mul3A_106, %add3A_729 : vector<16xi32>
      %gather3A_731 = tpu.vector_load_idx %arg5[%add3A_730] : memref<98304xf32, #tpu.memory_space<vmem>>[vector<16xi32>], vector<16xf32>,
      %mul3A_732 = arith.mulf %exp3A_714, %gather3A_731 : vector<16xf32>
      %add3A_733 = arith.addf %broadcast_in_dim3A_613, %mul3A_732 : vector<16xf32>
      %add3A_734 = arith.constant 11 : i32
      %add3A_735 = vector.broadcast %add3A_734 : i32 to vector<16xi32>
      %add3A_736 = arith.addi %mul3A_106, %add3A_735 : vector<16xi32>
      %gather3A_737 = tpu.vector_load_idx %arg5[%add3A_736] : memref<98304xf32, #tpu.memory_space<vmem>>[vector<16xi32>], vector<16xf32>,
      %mul3A_738 = arith.mulf %exp3A_714, %gather3A_737 : vector<16xf32>
      %add3A_739 = arith.addf %broadcast_in_dim3A_615, %mul3A_738 : vector<16xf32>
      %add3A_740 = arith.constant 19 : i32
      %add3A_741 = vector.broadcast %add3A_740 : i32 to vector<16xi32>
      %add3A_742 = arith.addi %mul3A_106, %add3A_741 : vector<16xi32>
      %gather3A_743 = tpu.vector_load_idx %arg5[%add3A_742] : memref<98304xf32, #tpu.memory_space<vmem>>[vector<16xi32>], vector<16xf32>,
      %add3A_744 = arith.addf %gather3A_743, %gather3A_91 : vector<16xf32>
      %ge3A_745 = arith.constant 0.000000e+00 : f32
      %ge3A_746 = vector.broadcast %ge3A_745 : f32 to vector<16xf32>
      %ge3A_747 = arith.cmpf oge, %add3A_744, %ge3A_746 : vector<16xf32>
      %mul3A_748 = arith.constant 2.000000e-01 : f32
      %mul3A_749 = vector.broadcast %mul3A_748 : f32 to vector<16xf32>
      %mul3A_750 = arith.mulf %mul3A_749, %add3A_744 : vector<16xf32>
      %select_n3A_751 = arith.select %ge3A_747, %add3A_744, %mul3A_750 : vector<16xi1>, vector<16xf32>
      %sub3A_752 = arith.subf %select_n3A_751, %max3A_583 : vector<16xf32>
      %exp3A_753 = math.exp %sub3A_752 : vector<16xf32>
      %add3A_754 = arith.addf %broadcast_in_dim3A_591, %exp3A_753 : vector<16xf32>
      %add3A_755 = arith.constant 12 : i32
      %add3A_756 = vector.broadcast %add3A_755 : i32 to vector<16xi32>
      %add3A_757 = arith.addi %mul3A_106, %add3A_756 : vector<16xi32>
      %gather3A_758 = tpu.vector_load_idx %arg5[%add3A_757] : memref<98304xf32, #tpu.memory_space<vmem>>[vector<16xi32>], vector<16xf32>,
      %mul3A_759 = arith.mulf %exp3A_753, %gather3A_758 : vector<16xf32>
      %add3A_760 = arith.addf %broadcast_in_dim3A_617, %mul3A_759 : vector<16xf32>
      %add3A_761 = arith.constant 13 : i32
      %add3A_762 = vector.broadcast %add3A_761 : i32 to vector<16xi32>
      %add3A_763 = arith.addi %mul3A_106, %add3A_762 : vector<16xi32>
      %gather3A_764 = tpu.vector_load_idx %arg5[%add3A_763] : memref<98304xf32, #tpu.memory_space<vmem>>[vector<16xi32>], vector<16xf32>,
      %mul3A_765 = arith.mulf %exp3A_753, %gather3A_764 : vector<16xf32>
      %add3A_766 = arith.addf %broadcast_in_dim3A_619, %mul3A_765 : vector<16xf32>
      %add3A_767 = arith.constant 14 : i32
      %add3A_768 = vector.broadcast %add3A_767 : i32 to vector<16xi32>
      %add3A_769 = arith.addi %mul3A_106, %add3A_768 : vector<16xi32>
      %gather3A_770 = tpu.vector_load_idx %arg5[%add3A_769] : memref<98304xf32, #tpu.memory_space<vmem>>[vector<16xi32>], vector<16xf32>,
      %mul3A_771 = arith.mulf %exp3A_753, %gather3A_770 : vector<16xf32>
      %add3A_772 = arith.addf %broadcast_in_dim3A_621, %mul3A_771 : vector<16xf32>
      %add3A_773 = arith.constant 15 : i32
      %add3A_774 = vector.broadcast %add3A_773 : i32 to vector<16xi32>
      %add3A_775 = arith.addi %mul3A_106, %add3A_774 : vector<16xi32>
      %gather3A_776 = tpu.vector_load_idx %arg5[%add3A_775] : memref<98304xf32, #tpu.memory_space<vmem>>[vector<16xi32>], vector<16xf32>,
      %mul3A_777 = arith.mulf %exp3A_753, %gather3A_776 : vector<16xf32>
      %add3A_778 = arith.addf %broadcast_in_dim3A_623, %mul3A_777 : vector<16xf32>
      %add3A_779 = arith.constant 16 : i32
      %add3A_780 = vector.broadcast %add3A_779 : i32 to vector<16xi32>
      %add3A_781 = arith.addi %mul3A_165, %add3A_780 : vector<16xi32>
      %gather3A_782 = tpu.vector_load_idx %arg5[%add3A_781] : memref<98304xf32, #tpu.memory_space<vmem>>[vector<16xi32>], vector<16xf32>,
      %add3A_783 = arith.addf %gather3A_782, %gather3A : vector<16xf32>
      %ge3A_784 = arith.constant 0.000000e+00 : f32
      %ge3A_785 = vector.broadcast %ge3A_784 : f32 to vector<16xf32>
      %ge3A_786 = arith.cmpf oge, %add3A_783, %ge3A_785 : vector<16xf32>
      %mul3A_787 = arith.constant 2.000000e-01 : f32
      %mul3A_788 = vector.broadcast %mul3A_787 : f32 to vector<16xf32>
      %mul3A_789 = arith.mulf %mul3A_788, %add3A_783 : vector<16xf32>
      %select_n3A_790 = arith.select %ge3A_786, %add3A_783, %mul3A_789 : vector<16xi1>, vector<16xf32>
      %sub3A_791 = arith.subf %select_n3A_790, %max3A_544 : vector<16xf32>
      %exp3A_792 = math.exp %sub3A_791 : vector<16xf32>
      %add3A_793 = arith.addf %add3A_637, %exp3A_792 : vector<16xf32>
      %add3A_794 = arith.constant 0 : i32
      %add3A_795 = vector.broadcast %add3A_794 : i32 to vector<16xi32>
      %add3A_796 = arith.addi %mul3A_165, %add3A_795 : vector<16xi32>
      %gather3A_797 = tpu.vector_load_idx %arg5[%add3A_796] : memref<98304xf32, #tpu.memory_space<vmem>>[vector<16xi32>], vector<16xf32>,
      %mul3A_798 = arith.mulf %exp3A_792, %gather3A_797 : vector<16xf32>
      %add3A_799 = arith.addf %add3A_643, %mul3A_798 : vector<16xf32>
      %add3A_800 = arith.constant 1 : i32
      %add3A_801 = vector.broadcast %add3A_800 : i32 to vector<16xi32>
      %add3A_802 = arith.addi %mul3A_165, %add3A_801 : vector<16xi32>
      %gather3A_803 = tpu.vector_load_idx %arg5[%add3A_802] : memref<98304xf32, #tpu.memory_space<vmem>>[vector<16xi32>], vector<16xf32>,
      %mul3A_804 = arith.mulf %exp3A_792, %gather3A_803 : vector<16xf32>
      %add3A_805 = arith.addf %add3A_649, %mul3A_804 : vector<16xf32>
      %add3A_806 = arith.constant 2 : i32
      %add3A_807 = vector.broadcast %add3A_806 : i32 to vector<16xi32>
      %add3A_808 = arith.addi %mul3A_165, %add3A_807 : vector<16xi32>
      %gather3A_809 = tpu.vector_load_idx %arg5[%add3A_808] : memref<98304xf32, #tpu.memory_space<vmem>>[vector<16xi32>], vector<16xf32>,
      %mul3A_810 = arith.mulf %exp3A_792, %gather3A_809 : vector<16xf32>
      %add3A_811 = arith.addf %add3A_655, %mul3A_810 : vector<16xf32>
      %add3A_812 = arith.constant 3 : i32
      %add3A_813 = vector.broadcast %add3A_812 : i32 to vector<16xi32>
      %add3A_814 = arith.addi %mul3A_165, %add3A_813 : vector<16xi32>
      %gather3A_815 = tpu.vector_load_idx %arg5[%add3A_814] : memref<98304xf32, #tpu.memory_space<vmem>>[vector<16xi32>], vector<16xf32>,
      %mul3A_816 = arith.mulf %exp3A_792, %gather3A_815 : vector<16xf32>
      %add3A_817 = arith.addf %add3A_661, %mul3A_816 : vector<16xf32>
      %add3A_818 = arith.constant 17 : i32
      %add3A_819 = vector.broadcast %add3A_818 : i32 to vector<16xi32>
      %add3A_820 = arith.addi %mul3A_165, %add3A_819 : vector<16xi32>
      %gather3A_821 = tpu.vector_load_idx %arg5[%add3A_820] : memref<98304xf32, #tpu.memory_space<vmem>>[vector<16xi32>], vector<16xf32>,
      %add3A_822 = arith.addf %gather3A_821, %gather3A_83 : vector<16xf32>
      %ge3A_823 = arith.constant 0.000000e+00 : f32
      %ge3A_824 = vector.broadcast %ge3A_823 : f32 to vector<16xf32>
      %ge3A_825 = arith.cmpf oge, %add3A_822, %ge3A_824 : vector<16xf32>
      %mul3A_826 = arith.constant 2.000000e-01 : f32
      %mul3A_827 = vector.broadcast %mul3A_826 : f32 to vector<16xf32>
      %mul3A_828 = arith.mulf %mul3A_827, %add3A_822 : vector<16xf32>
      %select_n3A_829 = arith.select %ge3A_825, %add3A_822, %mul3A_828 : vector<16xi1>, vector<16xf32>
      %sub3A_830 = arith.subf %select_n3A_829, %max3A_557 : vector<16xf32>
      %exp3A_831 = math.exp %sub3A_830 : vector<16xf32>
      %add3A_832 = arith.addf %add3A_676, %exp3A_831 : vector<16xf32>
      %add3A_833 = arith.constant 4 : i32
      %add3A_834 = vector.broadcast %add3A_833 : i32 to vector<16xi32>
      %add3A_835 = arith.addi %mul3A_165, %add3A_834 : vector<16xi32>
      %gather3A_836 = tpu.vector_load_idx %arg5[%add3A_835] : memref<98304xf32, #tpu.memory_space<vmem>>[vector<16xi32>], vector<16xf32>,
      %mul3A_837 = arith.mulf %exp3A_831, %gather3A_836 : vector<16xf32>
      %add3A_838 = arith.addf %add3A_682, %mul3A_837 : vector<16xf32>
      %add3A_839 = arith.constant 5 : i32
      %add3A_840 = vector.broadcast %add3A_839 : i32 to vector<16xi32>
      %add3A_841 = arith.addi %mul3A_165, %add3A_840 : vector<16xi32>
      %gather3A_842 = tpu.vector_load_idx %arg5[%add3A_841] : memref<98304xf32, #tpu.memory_space<vmem>>[vector<16xi32>], vector<16xf32>,
      %mul3A_843 = arith.mulf %exp3A_831, %gather3A_842 : vector<16xf32>
      %add3A_844 = arith.addf %add3A_688, %mul3A_843 : vector<16xf32>
      %add3A_845 = arith.constant 6 : i32
      %add3A_846 = vector.broadcast %add3A_845 : i32 to vector<16xi32>
      %add3A_847 = arith.addi %mul3A_165, %add3A_846 : vector<16xi32>
      %gather3A_848 = tpu.vector_load_idx %arg5[%add3A_847] : memref<98304xf32, #tpu.memory_space<vmem>>[vector<16xi32>], vector<16xf32>,
      %mul3A_849 = arith.mulf %exp3A_831, %gather3A_848 : vector<16xf32>
      %add3A_850 = arith.addf %add3A_694, %mul3A_849 : vector<16xf32>
      %add3A_851 = arith.constant 7 : i32
      %add3A_852 = vector.broadcast %add3A_851 : i32 to vector<16xi32>
      %add3A_853 = arith.addi %mul3A_165, %add3A_852 : vector<16xi32>
      %gather3A_854 = tpu.vector_load_idx %arg5[%add3A_853] : memref<98304xf32, #tpu.memory_space<vmem>>[vector<16xi32>], vector<16xf32>,
      %mul3A_855 = arith.mulf %exp3A_831, %gather3A_854 : vector<16xf32>
      %add3A_856 = arith.addf %add3A_700, %mul3A_855 : vector<16xf32>
      %add3A_857 = arith.constant 18 : i32
      %add3A_858 = vector.broadcast %add3A_857 : i32 to vector<16xi32>
      %add3A_859 = arith.addi %mul3A_165, %add3A_858 : vector<16xi32>
      %gather3A_860 = tpu.vector_load_idx %arg5[%add3A_859] : memref<98304xf32, #tpu.memory_space<vmem>>[vector<16xi32>], vector<16xf32>,
      %add3A_861 = arith.addf %gather3A_860, %gather3A_87 : vector<16xf32>
      %ge3A_862 = arith.constant 0.000000e+00 : f32
      %ge3A_863 = vector.broadcast %ge3A_862 : f32 to vector<16xf32>
      %ge3A_864 = arith.cmpf oge, %add3A_861, %ge3A_863 : vector<16xf32>
      %mul3A_865 = arith.constant 2.000000e-01 : f32
      %mul3A_866 = vector.broadcast %mul3A_865 : f32 to vector<16xf32>
      %mul3A_867 = arith.mulf %mul3A_866, %add3A_861 : vector<16xf32>
      %select_n3A_868 = arith.select %ge3A_864, %add3A_861, %mul3A_867 : vector<16xi1>, vector<16xf32>
      %sub3A_869 = arith.subf %select_n3A_868, %max3A_570 : vector<16xf32>
      %exp3A_870 = math.exp %sub3A_869 : vector<16xf32>
      %add3A_871 = arith.addf %add3A_715, %exp3A_870 : vector<16xf32>
      %add3A_872 = arith.constant 8 : i32
      %add3A_873 = vector.broadcast %add3A_872 : i32 to vector<16xi32>
      %add3A_874 = arith.addi %mul3A_165, %add3A_873 : vector<16xi32>
      %gather3A_875 = tpu.vector_load_idx %arg5[%add3A_874] : memref<98304xf32, #tpu.memory_space<vmem>>[vector<16xi32>], vector<16xf32>,
      %mul3A_876 = arith.mulf %exp3A_870, %gather3A_875 : vector<16xf32>
      %add3A_877 = arith.addf %add3A_721, %mul3A_876 : vector<16xf32>
      %add3A_878 = arith.constant 9 : i32
      %add3A_879 = vector.broadcast %add3A_878 : i32 to vector<16xi32>
      %add3A_880 = arith.addi %mul3A_165, %add3A_879 : vector<16xi32>
      %gather3A_881 = tpu.vector_load_idx %arg5[%add3A_880] : memref<98304xf32, #tpu.memory_space<vmem>>[vector<16xi32>], vector<16xf32>,
      %mul3A_882 = arith.mulf %exp3A_870, %gather3A_881 : vector<16xf32>
      %add3A_883 = arith.addf %add3A_727, %mul3A_882 : vector<16xf32>
      %add3A_884 = arith.constant 10 : i32
      %add3A_885 = vector.broadcast %add3A_884 : i32 to vector<16xi32>
      %add3A_886 = arith.addi %mul3A_165, %add3A_885 : vector<16xi32>
      %gather3A_887 = tpu.vector_load_idx %arg5[%add3A_886] : memref<98304xf32, #tpu.memory_space<vmem>>[vector<16xi32>], vector<16xf32>,
      %mul3A_888 = arith.mulf %exp3A_870, %gather3A_887 : vector<16xf32>
      %add3A_889 = arith.addf %add3A_733, %mul3A_888 : vector<16xf32>
      %add3A_890 = arith.constant 11 : i32
      %add3A_891 = vector.broadcast %add3A_890 : i32 to vector<16xi32>
      %add3A_892 = arith.addi %mul3A_165, %add3A_891 : vector<16xi32>
      %gather3A_893 = tpu.vector_load_idx %arg5[%add3A_892] : memref<98304xf32, #tpu.memory_space<vmem>>[vector<16xi32>], vector<16xf32>,
      %mul3A_894 = arith.mulf %exp3A_870, %gather3A_893 : vector<16xf32>
      %add3A_895 = arith.addf %add3A_739, %mul3A_894 : vector<16xf32>
      %add3A_896 = arith.constant 19 : i32
      %add3A_897 = vector.broadcast %add3A_896 : i32 to vector<16xi32>
      %add3A_898 = arith.addi %mul3A_165, %add3A_897 : vector<16xi32>
      %gather3A_899 = tpu.vector_load_idx %arg5[%add3A_898] : memref<98304xf32, #tpu.memory_space<vmem>>[vector<16xi32>], vector<16xf32>,
      %add3A_900 = arith.addf %gather3A_899, %gather3A_91 : vector<16xf32>
      %ge3A_901 = arith.constant 0.000000e+00 : f32
      %ge3A_902 = vector.broadcast %ge3A_901 : f32 to vector<16xf32>
      %ge3A_903 = arith.cmpf oge, %add3A_900, %ge3A_902 : vector<16xf32>
      %mul3A_904 = arith.constant 2.000000e-01 : f32
      %mul3A_905 = vector.broadcast %mul3A_904 : f32 to vector<16xf32>
      %mul3A_906 = arith.mulf %mul3A_905, %add3A_900 : vector<16xf32>
      %select_n3A_907 = arith.select %ge3A_903, %add3A_900, %mul3A_906 : vector<16xi1>, vector<16xf32>
      %sub3A_908 = arith.subf %select_n3A_907, %max3A_583 : vector<16xf32>
      %exp3A_909 = math.exp %sub3A_908 : vector<16xf32>
      %add3A_910 = arith.addf %add3A_754, %exp3A_909 : vector<16xf32>
      %add3A_911 = arith.constant 12 : i32
      %add3A_912 = vector.broadcast %add3A_911 : i32 to vector<16xi32>
      %add3A_913 = arith.addi %mul3A_165, %add3A_912 : vector<16xi32>
      %gather3A_914 = tpu.vector_load_idx %arg5[%add3A_913] : memref<98304xf32, #tpu.memory_space<vmem>>[vector<16xi32>], vector<16xf32>,
      %mul3A_915 = arith.mulf %exp3A_909, %gather3A_914 : vector<16xf32>
      %add3A_916 = arith.addf %add3A_760, %mul3A_915 : vector<16xf32>
      %add3A_917 = arith.constant 13 : i32
      %add3A_918 = vector.broadcast %add3A_917 : i32 to vector<16xi32>
      %add3A_919 = arith.addi %mul3A_165, %add3A_918 : vector<16xi32>
      %gather3A_920 = tpu.vector_load_idx %arg5[%add3A_919] : memref<98304xf32, #tpu.memory_space<vmem>>[vector<16xi32>], vector<16xf32>,
      %mul3A_921 = arith.mulf %exp3A_909, %gather3A_920 : vector<16xf32>
      %add3A_922 = arith.addf %add3A_766, %mul3A_921 : vector<16xf32>
      %add3A_923 = arith.constant 14 : i32
      %add3A_924 = vector.broadcast %add3A_923 : i32 to vector<16xi32>
      %add3A_925 = arith.addi %mul3A_165, %add3A_924 : vector<16xi32>
      %gather3A_926 = tpu.vector_load_idx %arg5[%add3A_925] : memref<98304xf32, #tpu.memory_space<vmem>>[vector<16xi32>], vector<16xf32>,
      %mul3A_927 = arith.mulf %exp3A_909, %gather3A_926 : vector<16xf32>
      %add3A_928 = arith.addf %add3A_772, %mul3A_927 : vector<16xf32>
      %add3A_929 = arith.constant 15 : i32
      %add3A_930 = vector.broadcast %add3A_929 : i32 to vector<16xi32>
      %add3A_931 = arith.addi %mul3A_165, %add3A_930 : vector<16xi32>
      %gather3A_932 = tpu.vector_load_idx %arg5[%add3A_931] : memref<98304xf32, #tpu.memory_space<vmem>>[vector<16xi32>], vector<16xf32>,
      %mul3A_933 = arith.mulf %exp3A_909, %gather3A_932 : vector<16xf32>
      %add3A_934 = arith.addf %add3A_778, %mul3A_933 : vector<16xf32>
      %add3A_935 = arith.constant 16 : i32
      %add3A_936 = vector.broadcast %add3A_935 : i32 to vector<16xi32>
      %add3A_937 = arith.addi %mul3A_226, %add3A_936 : vector<16xi32>
      %gather3A_938 = tpu.vector_load_idx %arg5[%add3A_937] : memref<98304xf32, #tpu.memory_space<vmem>>[vector<16xi32>], vector<16xf32>,
      %add3A_939 = arith.addf %gather3A_938, %gather3A : vector<16xf32>
      %ge3A_940 = arith.constant 0.000000e+00 : f32
      %ge3A_941 = vector.broadcast %ge3A_940 : f32 to vector<16xf32>
      %ge3A_942 = arith.cmpf oge, %add3A_939, %ge3A_941 : vector<16xf32>
      %mul3A_943 = arith.constant 2.000000e-01 : f32
      %mul3A_944 = vector.broadcast %mul3A_943 : f32 to vector<16xf32>
      %mul3A_945 = arith.mulf %mul3A_944, %add3A_939 : vector<16xf32>
      %select_n3A_946 = arith.select %ge3A_942, %add3A_939, %mul3A_945 : vector<16xi1>, vector<16xf32>
      %sub3A_947 = arith.subf %select_n3A_946, %max3A_544 : vector<16xf32>
      %exp3A_948 = math.exp %sub3A_947 : vector<16xf32>
      %add3A_949 = arith.addf %add3A_793, %exp3A_948 : vector<16xf32>
      %add3A_950 = arith.constant 0 : i32
      %add3A_951 = vector.broadcast %add3A_950 : i32 to vector<16xi32>
      %add3A_952 = arith.addi %mul3A_226, %add3A_951 : vector<16xi32>
      %gather3A_953 = tpu.vector_load_idx %arg5[%add3A_952] : memref<98304xf32, #tpu.memory_space<vmem>>[vector<16xi32>], vector<16xf32>,
      %mul3A_954 = arith.mulf %exp3A_948, %gather3A_953 : vector<16xf32>
      %add3A_955 = arith.addf %add3A_799, %mul3A_954 : vector<16xf32>
      %add3A_956 = arith.constant 1 : i32
      %add3A_957 = vector.broadcast %add3A_956 : i32 to vector<16xi32>
      %add3A_958 = arith.addi %mul3A_226, %add3A_957 : vector<16xi32>
      %gather3A_959 = tpu.vector_load_idx %arg5[%add3A_958] : memref<98304xf32, #tpu.memory_space<vmem>>[vector<16xi32>], vector<16xf32>,
      %mul3A_960 = arith.mulf %exp3A_948, %gather3A_959 : vector<16xf32>
      %add3A_961 = arith.addf %add3A_805, %mul3A_960 : vector<16xf32>
      %add3A_962 = arith.constant 2 : i32
      %add3A_963 = vector.broadcast %add3A_962 : i32 to vector<16xi32>
      %add3A_964 = arith.addi %mul3A_226, %add3A_963 : vector<16xi32>
      %gather3A_965 = tpu.vector_load_idx %arg5[%add3A_964] : memref<98304xf32, #tpu.memory_space<vmem>>[vector<16xi32>], vector<16xf32>,
      %mul3A_966 = arith.mulf %exp3A_948, %gather3A_965 : vector<16xf32>
      %add3A_967 = arith.addf %add3A_811, %mul3A_966 : vector<16xf32>
      %add3A_968 = arith.constant 3 : i32
      %add3A_969 = vector.broadcast %add3A_968 : i32 to vector<16xi32>
      %add3A_970 = arith.addi %mul3A_226, %add3A_969 : vector<16xi32>
      %gather3A_971 = tpu.vector_load_idx %arg5[%add3A_970] : memref<98304xf32, #tpu.memory_space<vmem>>[vector<16xi32>], vector<16xf32>,
      %mul3A_972 = arith.mulf %exp3A_948, %gather3A_971 : vector<16xf32>
      %add3A_973 = arith.addf %add3A_817, %mul3A_972 : vector<16xf32>
      %add3A_974 = arith.constant 17 : i32
      %add3A_975 = vector.broadcast %add3A_974 : i32 to vector<16xi32>
      %add3A_976 = arith.addi %mul3A_226, %add3A_975 : vector<16xi32>
      %gather3A_977 = tpu.vector_load_idx %arg5[%add3A_976] : memref<98304xf32, #tpu.memory_space<vmem>>[vector<16xi32>], vector<16xf32>,
      %add3A_978 = arith.addf %gather3A_977, %gather3A_83 : vector<16xf32>
      %ge3A_979 = arith.constant 0.000000e+00 : f32
      %ge3A_980 = vector.broadcast %ge3A_979 : f32 to vector<16xf32>
      %ge3A_981 = arith.cmpf oge, %add3A_978, %ge3A_980 : vector<16xf32>
      %mul3A_982 = arith.constant 2.000000e-01 : f32
      %mul3A_983 = vector.broadcast %mul3A_982 : f32 to vector<16xf32>
      %mul3A_984 = arith.mulf %mul3A_983, %add3A_978 : vector<16xf32>
      %select_n3A_985 = arith.select %ge3A_981, %add3A_978, %mul3A_984 : vector<16xi1>, vector<16xf32>
      %sub3A_986 = arith.subf %select_n3A_985, %max3A_557 : vector<16xf32>
      %exp3A_987 = math.exp %sub3A_986 : vector<16xf32>
      %add3A_988 = arith.addf %add3A_832, %exp3A_987 : vector<16xf32>
      %add3A_989 = arith.constant 4 : i32
      %add3A_990 = vector.broadcast %add3A_989 : i32 to vector<16xi32>
      %add3A_991 = arith.addi %mul3A_226, %add3A_990 : vector<16xi32>
      %gather3A_992 = tpu.vector_load_idx %arg5[%add3A_991] : memref<98304xf32, #tpu.memory_space<vmem>>[vector<16xi32>], vector<16xf32>,
      %mul3A_993 = arith.mulf %exp3A_987, %gather3A_992 : vector<16xf32>
      %add3A_994 = arith.addf %add3A_838, %mul3A_993 : vector<16xf32>
      %add3A_995 = arith.constant 5 : i32
      %add3A_996 = vector.broadcast %add3A_995 : i32 to vector<16xi32>
      %add3A_997 = arith.addi %mul3A_226, %add3A_996 : vector<16xi32>
      %gather3A_998 = tpu.vector_load_idx %arg5[%add3A_997] : memref<98304xf32, #tpu.memory_space<vmem>>[vector<16xi32>], vector<16xf32>,
      %mul3A_999 = arith.mulf %exp3A_987, %gather3A_998 : vector<16xf32>
      %add3A_1000 = arith.addf %add3A_844, %mul3A_999 : vector<16xf32>
      %add3A_1001 = arith.constant 6 : i32
      %add3A_1002 = vector.broadcast %add3A_1001 : i32 to vector<16xi32>
      %add3A_1003 = arith.addi %mul3A_226, %add3A_1002 : vector<16xi32>
      %gather3A_1004 = tpu.vector_load_idx %arg5[%add3A_1003] : memref<98304xf32, #tpu.memory_space<vmem>>[vector<16xi32>], vector<16xf32>,
      %mul3A_1005 = arith.mulf %exp3A_987, %gather3A_1004 : vector<16xf32>
      %add3A_1006 = arith.addf %add3A_850, %mul3A_1005 : vector<16xf32>
      %add3A_1007 = arith.constant 7 : i32
      %add3A_1008 = vector.broadcast %add3A_1007 : i32 to vector<16xi32>
      %add3A_1009 = arith.addi %mul3A_226, %add3A_1008 : vector<16xi32>
      %gather3A_1010 = tpu.vector_load_idx %arg5[%add3A_1009] : memref<98304xf32, #tpu.memory_space<vmem>>[vector<16xi32>], vector<16xf32>,
      %mul3A_1011 = arith.mulf %exp3A_987, %gather3A_1010 : vector<16xf32>
      %add3A_1012 = arith.addf %add3A_856, %mul3A_1011 : vector<16xf32>
      %add3A_1013 = arith.constant 18 : i32
      %add3A_1014 = vector.broadcast %add3A_1013 : i32 to vector<16xi32>
      %add3A_1015 = arith.addi %mul3A_226, %add3A_1014 : vector<16xi32>
      %gather3A_1016 = tpu.vector_load_idx %arg5[%add3A_1015] : memref<98304xf32, #tpu.memory_space<vmem>>[vector<16xi32>], vector<16xf32>,
      %add3A_1017 = arith.addf %gather3A_1016, %gather3A_87 : vector<16xf32>
      %ge3A_1018 = arith.constant 0.000000e+00 : f32
      %ge3A_1019 = vector.broadcast %ge3A_1018 : f32 to vector<16xf32>
      %ge3A_1020 = arith.cmpf oge, %add3A_1017, %ge3A_1019 : vector<16xf32>
      %mul3A_1021 = arith.constant 2.000000e-01 : f32
      %mul3A_1022 = vector.broadcast %mul3A_1021 : f32 to vector<16xf32>
      %mul3A_1023 = arith.mulf %mul3A_1022, %add3A_1017 : vector<16xf32>
      %select_n3A_1024 = arith.select %ge3A_1020, %add3A_1017, %mul3A_1023 : vector<16xi1>, vector<16xf32>
      %sub3A_1025 = arith.subf %select_n3A_1024, %max3A_570 : vector<16xf32>
      %exp3A_1026 = math.exp %sub3A_1025 : vector<16xf32>
      %add3A_1027 = arith.addf %add3A_871, %exp3A_1026 : vector<16xf32>
      %add3A_1028 = arith.constant 8 : i32
      %add3A_1029 = vector.broadcast %add3A_1028 : i32 to vector<16xi32>
      %add3A_1030 = arith.addi %mul3A_226, %add3A_1029 : vector<16xi32>
      %gather3A_1031 = tpu.vector_load_idx %arg5[%add3A_1030] : memref<98304xf32, #tpu.memory_space<vmem>>[vector<16xi32>], vector<16xf32>,
      %mul3A_1032 = arith.mulf %exp3A_1026, %gather3A_1031 : vector<16xf32>
      %add3A_1033 = arith.addf %add3A_877, %mul3A_1032 : vector<16xf32>
      %add3A_1034 = arith.constant 9 : i32
      %add3A_1035 = vector.broadcast %add3A_1034 : i32 to vector<16xi32>
      %add3A_1036 = arith.addi %mul3A_226, %add3A_1035 : vector<16xi32>
      %gather3A_1037 = tpu.vector_load_idx %arg5[%add3A_1036] : memref<98304xf32, #tpu.memory_space<vmem>>[vector<16xi32>], vector<16xf32>,
      %mul3A_1038 = arith.mulf %exp3A_1026, %gather3A_1037 : vector<16xf32>
      %add3A_1039 = arith.addf %add3A_883, %mul3A_1038 : vector<16xf32>
      %add3A_1040 = arith.constant 10 : i32
      %add3A_1041 = vector.broadcast %add3A_1040 : i32 to vector<16xi32>
      %add3A_1042 = arith.addi %mul3A_226, %add3A_1041 : vector<16xi32>
      %gather3A_1043 = tpu.vector_load_idx %arg5[%add3A_1042] : memref<98304xf32, #tpu.memory_space<vmem>>[vector<16xi32>], vector<16xf32>,
      %mul3A_1044 = arith.mulf %exp3A_1026, %gather3A_1043 : vector<16xf32>
      %add3A_1045 = arith.addf %add3A_889, %mul3A_1044 : vector<16xf32>
      %add3A_1046 = arith.constant 11 : i32
      %add3A_1047 = vector.broadcast %add3A_1046 : i32 to vector<16xi32>
      %add3A_1048 = arith.addi %mul3A_226, %add3A_1047 : vector<16xi32>
      %gather3A_1049 = tpu.vector_load_idx %arg5[%add3A_1048] : memref<98304xf32, #tpu.memory_space<vmem>>[vector<16xi32>], vector<16xf32>,
      %mul3A_1050 = arith.mulf %exp3A_1026, %gather3A_1049 : vector<16xf32>
      %add3A_1051 = arith.addf %add3A_895, %mul3A_1050 : vector<16xf32>
      %add3A_1052 = arith.constant 19 : i32
      %add3A_1053 = vector.broadcast %add3A_1052 : i32 to vector<16xi32>
      %add3A_1054 = arith.addi %mul3A_226, %add3A_1053 : vector<16xi32>
      %gather3A_1055 = tpu.vector_load_idx %arg5[%add3A_1054] : memref<98304xf32, #tpu.memory_space<vmem>>[vector<16xi32>], vector<16xf32>,
      %add3A_1056 = arith.addf %gather3A_1055, %gather3A_91 : vector<16xf32>
      %ge3A_1057 = arith.constant 0.000000e+00 : f32
      %ge3A_1058 = vector.broadcast %ge3A_1057 : f32 to vector<16xf32>
      %ge3A_1059 = arith.cmpf oge, %add3A_1056, %ge3A_1058 : vector<16xf32>
      %mul3A_1060 = arith.constant 2.000000e-01 : f32
      %mul3A_1061 = vector.broadcast %mul3A_1060 : f32 to vector<16xf32>
      %mul3A_1062 = arith.mulf %mul3A_1061, %add3A_1056 : vector<16xf32>
      %select_n3A_1063 = arith.select %ge3A_1059, %add3A_1056, %mul3A_1062 : vector<16xi1>, vector<16xf32>
      %sub3A_1064 = arith.subf %select_n3A_1063, %max3A_583 : vector<16xf32>
      %exp3A_1065 = math.exp %sub3A_1064 : vector<16xf32>
      %add3A_1066 = arith.addf %add3A_910, %exp3A_1065 : vector<16xf32>
      %add3A_1067 = arith.constant 12 : i32
      %add3A_1068 = vector.broadcast %add3A_1067 : i32 to vector<16xi32>
      %add3A_1069 = arith.addi %mul3A_226, %add3A_1068 : vector<16xi32>
      %gather3A_1070 = tpu.vector_load_idx %arg5[%add3A_1069] : memref<98304xf32, #tpu.memory_space<vmem>>[vector<16xi32>], vector<16xf32>,
      %mul3A_1071 = arith.mulf %exp3A_1065, %gather3A_1070 : vector<16xf32>
      %add3A_1072 = arith.addf %add3A_916, %mul3A_1071 : vector<16xf32>
      %add3A_1073 = arith.constant 13 : i32
      %add3A_1074 = vector.broadcast %add3A_1073 : i32 to vector<16xi32>
      %add3A_1075 = arith.addi %mul3A_226, %add3A_1074 : vector<16xi32>
      %gather3A_1076 = tpu.vector_load_idx %arg5[%add3A_1075] : memref<98304xf32, #tpu.memory_space<vmem>>[vector<16xi32>], vector<16xf32>,
      %mul3A_1077 = arith.mulf %exp3A_1065, %gather3A_1076 : vector<16xf32>
      %add3A_1078 = arith.addf %add3A_922, %mul3A_1077 : vector<16xf32>
      %add3A_1079 = arith.constant 14 : i32
      %add3A_1080 = vector.broadcast %add3A_1079 : i32 to vector<16xi32>
      %add3A_1081 = arith.addi %mul3A_226, %add3A_1080 : vector<16xi32>
      %gather3A_1082 = tpu.vector_load_idx %arg5[%add3A_1081] : memref<98304xf32, #tpu.memory_space<vmem>>[vector<16xi32>], vector<16xf32>,
      %mul3A_1083 = arith.mulf %exp3A_1065, %gather3A_1082 : vector<16xf32>
      %add3A_1084 = arith.addf %add3A_928, %mul3A_1083 : vector<16xf32>
      %add3A_1085 = arith.constant 15 : i32
      %add3A_1086 = vector.broadcast %add3A_1085 : i32 to vector<16xi32>
      %add3A_1087 = arith.addi %mul3A_226, %add3A_1086 : vector<16xi32>
      %gather3A_1088 = tpu.vector_load_idx %arg5[%add3A_1087] : memref<98304xf32, #tpu.memory_space<vmem>>[vector<16xi32>], vector<16xf32>,
      %mul3A_1089 = arith.mulf %exp3A_1065, %gather3A_1088 : vector<16xf32>
      %add3A_1090 = arith.addf %add3A_934, %mul3A_1089 : vector<16xf32>
      %add3A_1091 = arith.constant 16 : i32
      %add3A_1092 = vector.broadcast %add3A_1091 : i32 to vector<16xi32>
      %add3A_1093 = arith.addi %mul3A_287, %add3A_1092 : vector<16xi32>
      %gather3A_1094 = tpu.vector_load_idx %arg5[%add3A_1093] : memref<98304xf32, #tpu.memory_space<vmem>>[vector<16xi32>], vector<16xf32>,
      %add3A_1095 = arith.addf %gather3A_1094, %gather3A : vector<16xf32>
      %ge3A_1096 = arith.constant 0.000000e+00 : f32
      %ge3A_1097 = vector.broadcast %ge3A_1096 : f32 to vector<16xf32>
      %ge3A_1098 = arith.cmpf oge, %add3A_1095, %ge3A_1097 : vector<16xf32>
      %mul3A_1099 = arith.constant 2.000000e-01 : f32
      %mul3A_1100 = vector.broadcast %mul3A_1099 : f32 to vector<16xf32>
      %mul3A_1101 = arith.mulf %mul3A_1100, %add3A_1095 : vector<16xf32>
      %select_n3A_1102 = arith.select %ge3A_1098, %add3A_1095, %mul3A_1101 : vector<16xi1>, vector<16xf32>
      %sub3A_1103 = arith.subf %select_n3A_1102, %max3A_544 : vector<16xf32>
      %exp3A_1104 = math.exp %sub3A_1103 : vector<16xf32>
      %add3A_1105 = arith.addf %add3A_949, %exp3A_1104 : vector<16xf32>
      %add3A_1106 = arith.constant 0 : i32
      %add3A_1107 = vector.broadcast %add3A_1106 : i32 to vector<16xi32>
      %add3A_1108 = arith.addi %mul3A_287, %add3A_1107 : vector<16xi32>
      %gather3A_1109 = tpu.vector_load_idx %arg5[%add3A_1108] : memref<98304xf32, #tpu.memory_space<vmem>>[vector<16xi32>], vector<16xf32>,
      %mul3A_1110 = arith.mulf %exp3A_1104, %gather3A_1109 : vector<16xf32>
      %add3A_1111 = arith.addf %add3A_955, %mul3A_1110 : vector<16xf32>
      %add3A_1112 = arith.constant 1 : i32
      %add3A_1113 = vector.broadcast %add3A_1112 : i32 to vector<16xi32>
      %add3A_1114 = arith.addi %mul3A_287, %add3A_1113 : vector<16xi32>
      %gather3A_1115 = tpu.vector_load_idx %arg5[%add3A_1114] : memref<98304xf32, #tpu.memory_space<vmem>>[vector<16xi32>], vector<16xf32>,
      %mul3A_1116 = arith.mulf %exp3A_1104, %gather3A_1115 : vector<16xf32>
      %add3A_1117 = arith.addf %add3A_961, %mul3A_1116 : vector<16xf32>
      %add3A_1118 = arith.constant 2 : i32
      %add3A_1119 = vector.broadcast %add3A_1118 : i32 to vector<16xi32>
      %add3A_1120 = arith.addi %mul3A_287, %add3A_1119 : vector<16xi32>
      %gather3A_1121 = tpu.vector_load_idx %arg5[%add3A_1120] : memref<98304xf32, #tpu.memory_space<vmem>>[vector<16xi32>], vector<16xf32>,
      %mul3A_1122 = arith.mulf %exp3A_1104, %gather3A_1121 : vector<16xf32>
      %add3A_1123 = arith.addf %add3A_967, %mul3A_1122 : vector<16xf32>
      %add3A_1124 = arith.constant 3 : i32
      %add3A_1125 = vector.broadcast %add3A_1124 : i32 to vector<16xi32>
      %add3A_1126 = arith.addi %mul3A_287, %add3A_1125 : vector<16xi32>
      %gather3A_1127 = tpu.vector_load_idx %arg5[%add3A_1126] : memref<98304xf32, #tpu.memory_space<vmem>>[vector<16xi32>], vector<16xf32>,
      %mul3A_1128 = arith.mulf %exp3A_1104, %gather3A_1127 : vector<16xf32>
      %add3A_1129 = arith.addf %add3A_973, %mul3A_1128 : vector<16xf32>
      %add3A_1130 = arith.constant 17 : i32
      %add3A_1131 = vector.broadcast %add3A_1130 : i32 to vector<16xi32>
      %add3A_1132 = arith.addi %mul3A_287, %add3A_1131 : vector<16xi32>
      %gather3A_1133 = tpu.vector_load_idx %arg5[%add3A_1132] : memref<98304xf32, #tpu.memory_space<vmem>>[vector<16xi32>], vector<16xf32>,
      %add3A_1134 = arith.addf %gather3A_1133, %gather3A_83 : vector<16xf32>
      %ge3A_1135 = arith.constant 0.000000e+00 : f32
      %ge3A_1136 = vector.broadcast %ge3A_1135 : f32 to vector<16xf32>
      %ge3A_1137 = arith.cmpf oge, %add3A_1134, %ge3A_1136 : vector<16xf32>
      %mul3A_1138 = arith.constant 2.000000e-01 : f32
      %mul3A_1139 = vector.broadcast %mul3A_1138 : f32 to vector<16xf32>
      %mul3A_1140 = arith.mulf %mul3A_1139, %add3A_1134 : vector<16xf32>
      %select_n3A_1141 = arith.select %ge3A_1137, %add3A_1134, %mul3A_1140 : vector<16xi1>, vector<16xf32>
      %sub3A_1142 = arith.subf %select_n3A_1141, %max3A_557 : vector<16xf32>
      %exp3A_1143 = math.exp %sub3A_1142 : vector<16xf32>
      %add3A_1144 = arith.addf %add3A_988, %exp3A_1143 : vector<16xf32>
      %add3A_1145 = arith.constant 4 : i32
      %add3A_1146 = vector.broadcast %add3A_1145 : i32 to vector<16xi32>
      %add3A_1147 = arith.addi %mul3A_287, %add3A_1146 : vector<16xi32>
      %gather3A_1148 = tpu.vector_load_idx %arg5[%add3A_1147] : memref<98304xf32, #tpu.memory_space<vmem>>[vector<16xi32>], vector<16xf32>,
      %mul3A_1149 = arith.mulf %exp3A_1143, %gather3A_1148 : vector<16xf32>
      %add3A_1150 = arith.addf %add3A_994, %mul3A_1149 : vector<16xf32>
      %add3A_1151 = arith.constant 5 : i32
      %add3A_1152 = vector.broadcast %add3A_1151 : i32 to vector<16xi32>
      %add3A_1153 = arith.addi %mul3A_287, %add3A_1152 : vector<16xi32>
      %gather3A_1154 = tpu.vector_load_idx %arg5[%add3A_1153] : memref<98304xf32, #tpu.memory_space<vmem>>[vector<16xi32>], vector<16xf32>,
      %mul3A_1155 = arith.mulf %exp3A_1143, %gather3A_1154 : vector<16xf32>
      %add3A_1156 = arith.addf %add3A_1000, %mul3A_1155 : vector<16xf32>
      %add3A_1157 = arith.constant 6 : i32
      %add3A_1158 = vector.broadcast %add3A_1157 : i32 to vector<16xi32>
      %add3A_1159 = arith.addi %mul3A_287, %add3A_1158 : vector<16xi32>
      %gather3A_1160 = tpu.vector_load_idx %arg5[%add3A_1159] : memref<98304xf32, #tpu.memory_space<vmem>>[vector<16xi32>], vector<16xf32>,
      %mul3A_1161 = arith.mulf %exp3A_1143, %gather3A_1160 : vector<16xf32>
      %add3A_1162 = arith.addf %add3A_1006, %mul3A_1161 : vector<16xf32>
      %add3A_1163 = arith.constant 7 : i32
      %add3A_1164 = vector.broadcast %add3A_1163 : i32 to vector<16xi32>
      %add3A_1165 = arith.addi %mul3A_287, %add3A_1164 : vector<16xi32>
      %gather3A_1166 = tpu.vector_load_idx %arg5[%add3A_1165] : memref<98304xf32, #tpu.memory_space<vmem>>[vector<16xi32>], vector<16xf32>,
      %mul3A_1167 = arith.mulf %exp3A_1143, %gather3A_1166 : vector<16xf32>
      %add3A_1168 = arith.addf %add3A_1012, %mul3A_1167 : vector<16xf32>
      %add3A_1169 = arith.constant 18 : i32
      %add3A_1170 = vector.broadcast %add3A_1169 : i32 to vector<16xi32>
      %add3A_1171 = arith.addi %mul3A_287, %add3A_1170 : vector<16xi32>
      %gather3A_1172 = tpu.vector_load_idx %arg5[%add3A_1171] : memref<98304xf32, #tpu.memory_space<vmem>>[vector<16xi32>], vector<16xf32>,
      %add3A_1173 = arith.addf %gather3A_1172, %gather3A_87 : vector<16xf32>
      %ge3A_1174 = arith.constant 0.000000e+00 : f32
      %ge3A_1175 = vector.broadcast %ge3A_1174 : f32 to vector<16xf32>
      %ge3A_1176 = arith.cmpf oge, %add3A_1173, %ge3A_1175 : vector<16xf32>
      %mul3A_1177 = arith.constant 2.000000e-01 : f32
      %mul3A_1178 = vector.broadcast %mul3A_1177 : f32 to vector<16xf32>
      %mul3A_1179 = arith.mulf %mul3A_1178, %add3A_1173 : vector<16xf32>
      %select_n3A_1180 = arith.select %ge3A_1176, %add3A_1173, %mul3A_1179 : vector<16xi1>, vector<16xf32>
      %sub3A_1181 = arith.subf %select_n3A_1180, %max3A_570 : vector<16xf32>
      %exp3A_1182 = math.exp %sub3A_1181 : vector<16xf32>
      %add3A_1183 = arith.addf %add3A_1027, %exp3A_1182 : vector<16xf32>
      %add3A_1184 = arith.constant 8 : i32
      %add3A_1185 = vector.broadcast %add3A_1184 : i32 to vector<16xi32>
      %add3A_1186 = arith.addi %mul3A_287, %add3A_1185 : vector<16xi32>
      %gather3A_1187 = tpu.vector_load_idx %arg5[%add3A_1186] : memref<98304xf32, #tpu.memory_space<vmem>>[vector<16xi32>], vector<16xf32>,
      %mul3A_1188 = arith.mulf %exp3A_1182, %gather3A_1187 : vector<16xf32>
      %add3A_1189 = arith.addf %add3A_1033, %mul3A_1188 : vector<16xf32>
      %add3A_1190 = arith.constant 9 : i32
      %add3A_1191 = vector.broadcast %add3A_1190 : i32 to vector<16xi32>
      %add3A_1192 = arith.addi %mul3A_287, %add3A_1191 : vector<16xi32>
      %gather3A_1193 = tpu.vector_load_idx %arg5[%add3A_1192] : memref<98304xf32, #tpu.memory_space<vmem>>[vector<16xi32>], vector<16xf32>,
      %mul3A_1194 = arith.mulf %exp3A_1182, %gather3A_1193 : vector<16xf32>
      %add3A_1195 = arith.addf %add3A_1039, %mul3A_1194 : vector<16xf32>
      %add3A_1196 = arith.constant 10 : i32
      %add3A_1197 = vector.broadcast %add3A_1196 : i32 to vector<16xi32>
      %add3A_1198 = arith.addi %mul3A_287, %add3A_1197 : vector<16xi32>
      %gather3A_1199 = tpu.vector_load_idx %arg5[%add3A_1198] : memref<98304xf32, #tpu.memory_space<vmem>>[vector<16xi32>], vector<16xf32>,
      %mul3A_1200 = arith.mulf %exp3A_1182, %gather3A_1199 : vector<16xf32>
      %add3A_1201 = arith.addf %add3A_1045, %mul3A_1200 : vector<16xf32>
      %add3A_1202 = arith.constant 11 : i32
      %add3A_1203 = vector.broadcast %add3A_1202 : i32 to vector<16xi32>
      %add3A_1204 = arith.addi %mul3A_287, %add3A_1203 : vector<16xi32>
      %gather3A_1205 = tpu.vector_load_idx %arg5[%add3A_1204] : memref<98304xf32, #tpu.memory_space<vmem>>[vector<16xi32>], vector<16xf32>,
      %mul3A_1206 = arith.mulf %exp3A_1182, %gather3A_1205 : vector<16xf32>
      %add3A_1207 = arith.addf %add3A_1051, %mul3A_1206 : vector<16xf32>
      %add3A_1208 = arith.constant 19 : i32
      %add3A_1209 = vector.broadcast %add3A_1208 : i32 to vector<16xi32>
      %add3A_1210 = arith.addi %mul3A_287, %add3A_1209 : vector<16xi32>
      %gather3A_1211 = tpu.vector_load_idx %arg5[%add3A_1210] : memref<98304xf32, #tpu.memory_space<vmem>>[vector<16xi32>], vector<16xf32>,
      %add3A_1212 = arith.addf %gather3A_1211, %gather3A_91 : vector<16xf32>
      %ge3A_1213 = arith.constant 0.000000e+00 : f32
      %ge3A_1214 = vector.broadcast %ge3A_1213 : f32 to vector<16xf32>
      %ge3A_1215 = arith.cmpf oge, %add3A_1212, %ge3A_1214 : vector<16xf32>
      %mul3A_1216 = arith.constant 2.000000e-01 : f32
      %mul3A_1217 = vector.broadcast %mul3A_1216 : f32 to vector<16xf32>
      %mul3A_1218 = arith.mulf %mul3A_1217, %add3A_1212 : vector<16xf32>
      %select_n3A_1219 = arith.select %ge3A_1215, %add3A_1212, %mul3A_1218 : vector<16xi1>, vector<16xf32>
      %sub3A_1220 = arith.subf %select_n3A_1219, %max3A_583 : vector<16xf32>
      %exp3A_1221 = math.exp %sub3A_1220 : vector<16xf32>
      %add3A_1222 = arith.addf %add3A_1066, %exp3A_1221 : vector<16xf32>
      %add3A_1223 = arith.constant 12 : i32
      %add3A_1224 = vector.broadcast %add3A_1223 : i32 to vector<16xi32>
      %add3A_1225 = arith.addi %mul3A_287, %add3A_1224 : vector<16xi32>
      %gather3A_1226 = tpu.vector_load_idx %arg5[%add3A_1225] : memref<98304xf32, #tpu.memory_space<vmem>>[vector<16xi32>], vector<16xf32>,
      %mul3A_1227 = arith.mulf %exp3A_1221, %gather3A_1226 : vector<16xf32>
      %add3A_1228 = arith.addf %add3A_1072, %mul3A_1227 : vector<16xf32>
      %add3A_1229 = arith.constant 13 : i32
      %add3A_1230 = vector.broadcast %add3A_1229 : i32 to vector<16xi32>
      %add3A_1231 = arith.addi %mul3A_287, %add3A_1230 : vector<16xi32>
      %gather3A_1232 = tpu.vector_load_idx %arg5[%add3A_1231] : memref<98304xf32, #tpu.memory_space<vmem>>[vector<16xi32>], vector<16xf32>,
      %mul3A_1233 = arith.mulf %exp3A_1221, %gather3A_1232 : vector<16xf32>
      %add3A_1234 = arith.addf %add3A_1078, %mul3A_1233 : vector<16xf32>
      %add3A_1235 = arith.constant 14 : i32
      %add3A_1236 = vector.broadcast %add3A_1235 : i32 to vector<16xi32>
      %add3A_1237 = arith.addi %mul3A_287, %add3A_1236 : vector<16xi32>
      %gather3A_1238 = tpu.vector_load_idx %arg5[%add3A_1237] : memref<98304xf32, #tpu.memory_space<vmem>>[vector<16xi32>], vector<16xf32>,
      %mul3A_1239 = arith.mulf %exp3A_1221, %gather3A_1238 : vector<16xf32>
      %add3A_1240 = arith.addf %add3A_1084, %mul3A_1239 : vector<16xf32>
      %add3A_1241 = arith.constant 15 : i32
      %add3A_1242 = vector.broadcast %add3A_1241 : i32 to vector<16xi32>
      %add3A_1243 = arith.addi %mul3A_287, %add3A_1242 : vector<16xi32>
      %gather3A_1244 = tpu.vector_load_idx %arg5[%add3A_1243] : memref<98304xf32, #tpu.memory_space<vmem>>[vector<16xi32>], vector<16xf32>,
      %mul3A_1245 = arith.mulf %exp3A_1221, %gather3A_1244 : vector<16xf32>
      %add3A_1246 = arith.addf %add3A_1090, %mul3A_1245 : vector<16xf32>
      %add3A_1247 = arith.constant 16 : i32
      %add3A_1248 = vector.broadcast %add3A_1247 : i32 to vector<16xi32>
      %add3A_1249 = arith.addi %mul3A_348, %add3A_1248 : vector<16xi32>
      %gather3A_1250 = tpu.vector_load_idx %arg5[%add3A_1249] : memref<98304xf32, #tpu.memory_space<vmem>>[vector<16xi32>], vector<16xf32>,
      %add3A_1251 = arith.addf %gather3A_1250, %gather3A : vector<16xf32>
      %ge3A_1252 = arith.constant 0.000000e+00 : f32
      %ge3A_1253 = vector.broadcast %ge3A_1252 : f32 to vector<16xf32>
      %ge3A_1254 = arith.cmpf oge, %add3A_1251, %ge3A_1253 : vector<16xf32>
      %mul3A_1255 = arith.constant 2.000000e-01 : f32
      %mul3A_1256 = vector.broadcast %mul3A_1255 : f32 to vector<16xf32>
      %mul3A_1257 = arith.mulf %mul3A_1256, %add3A_1251 : vector<16xf32>
      %select_n3A_1258 = arith.select %ge3A_1254, %add3A_1251, %mul3A_1257 : vector<16xi1>, vector<16xf32>
      %sub3A_1259 = arith.subf %select_n3A_1258, %max3A_544 : vector<16xf32>
      %exp3A_1260 = math.exp %sub3A_1259 : vector<16xf32>
      %add3A_1261 = arith.addf %add3A_1105, %exp3A_1260 : vector<16xf32>
      %add3A_1262 = arith.constant 0 : i32
      %add3A_1263 = vector.broadcast %add3A_1262 : i32 to vector<16xi32>
      %add3A_1264 = arith.addi %mul3A_348, %add3A_1263 : vector<16xi32>
      %gather3A_1265 = tpu.vector_load_idx %arg5[%add3A_1264] : memref<98304xf32, #tpu.memory_space<vmem>>[vector<16xi32>], vector<16xf32>,
      %mul3A_1266 = arith.mulf %exp3A_1260, %gather3A_1265 : vector<16xf32>
      %add3A_1267 = arith.addf %add3A_1111, %mul3A_1266 : vector<16xf32>
      %add3A_1268 = arith.constant 1 : i32
      %add3A_1269 = vector.broadcast %add3A_1268 : i32 to vector<16xi32>
      %add3A_1270 = arith.addi %mul3A_348, %add3A_1269 : vector<16xi32>
      %gather3A_1271 = tpu.vector_load_idx %arg5[%add3A_1270] : memref<98304xf32, #tpu.memory_space<vmem>>[vector<16xi32>], vector<16xf32>,
      %mul3A_1272 = arith.mulf %exp3A_1260, %gather3A_1271 : vector<16xf32>
      %add3A_1273 = arith.addf %add3A_1117, %mul3A_1272 : vector<16xf32>
      %add3A_1274 = arith.constant 2 : i32
      %add3A_1275 = vector.broadcast %add3A_1274 : i32 to vector<16xi32>
      %add3A_1276 = arith.addi %mul3A_348, %add3A_1275 : vector<16xi32>
      %gather3A_1277 = tpu.vector_load_idx %arg5[%add3A_1276] : memref<98304xf32, #tpu.memory_space<vmem>>[vector<16xi32>], vector<16xf32>,
      %mul3A_1278 = arith.mulf %exp3A_1260, %gather3A_1277 : vector<16xf32>
      %add3A_1279 = arith.addf %add3A_1123, %mul3A_1278 : vector<16xf32>
      %add3A_1280 = arith.constant 3 : i32
      %add3A_1281 = vector.broadcast %add3A_1280 : i32 to vector<16xi32>
      %add3A_1282 = arith.addi %mul3A_348, %add3A_1281 : vector<16xi32>
      %gather3A_1283 = tpu.vector_load_idx %arg5[%add3A_1282] : memref<98304xf32, #tpu.memory_space<vmem>>[vector<16xi32>], vector<16xf32>,
      %mul3A_1284 = arith.mulf %exp3A_1260, %gather3A_1283 : vector<16xf32>
      %add3A_1285 = arith.addf %add3A_1129, %mul3A_1284 : vector<16xf32>
      %add3A_1286 = arith.constant 17 : i32
      %add3A_1287 = vector.broadcast %add3A_1286 : i32 to vector<16xi32>
      %add3A_1288 = arith.addi %mul3A_348, %add3A_1287 : vector<16xi32>
      %gather3A_1289 = tpu.vector_load_idx %arg5[%add3A_1288] : memref<98304xf32, #tpu.memory_space<vmem>>[vector<16xi32>], vector<16xf32>,
      %add3A_1290 = arith.addf %gather3A_1289, %gather3A_83 : vector<16xf32>
      %ge3A_1291 = arith.constant 0.000000e+00 : f32
      %ge3A_1292 = vector.broadcast %ge3A_1291 : f32 to vector<16xf32>
      %ge3A_1293 = arith.cmpf oge, %add3A_1290, %ge3A_1292 : vector<16xf32>
      %mul3A_1294 = arith.constant 2.000000e-01 : f32
      %mul3A_1295 = vector.broadcast %mul3A_1294 : f32 to vector<16xf32>
      %mul3A_1296 = arith.mulf %mul3A_1295, %add3A_1290 : vector<16xf32>
      %select_n3A_1297 = arith.select %ge3A_1293, %add3A_1290, %mul3A_1296 : vector<16xi1>, vector<16xf32>
      %sub3A_1298 = arith.subf %select_n3A_1297, %max3A_557 : vector<16xf32>
      %exp3A_1299 = math.exp %sub3A_1298 : vector<16xf32>
      %add3A_1300 = arith.addf %add3A_1144, %exp3A_1299 : vector<16xf32>
      %add3A_1301 = arith.constant 4 : i32
      %add3A_1302 = vector.broadcast %add3A_1301 : i32 to vector<16xi32>
      %add3A_1303 = arith.addi %mul3A_348, %add3A_1302 : vector<16xi32>
      %gather3A_1304 = tpu.vector_load_idx %arg5[%add3A_1303] : memref<98304xf32, #tpu.memory_space<vmem>>[vector<16xi32>], vector<16xf32>,
      %mul3A_1305 = arith.mulf %exp3A_1299, %gather3A_1304 : vector<16xf32>
      %add3A_1306 = arith.addf %add3A_1150, %mul3A_1305 : vector<16xf32>
      %add3A_1307 = arith.constant 5 : i32
      %add3A_1308 = vector.broadcast %add3A_1307 : i32 to vector<16xi32>
      %add3A_1309 = arith.addi %mul3A_348, %add3A_1308 : vector<16xi32>
      %gather3A_1310 = tpu.vector_load_idx %arg5[%add3A_1309] : memref<98304xf32, #tpu.memory_space<vmem>>[vector<16xi32>], vector<16xf32>,
      %mul3A_1311 = arith.mulf %exp3A_1299, %gather3A_1310 : vector<16xf32>
      %add3A_1312 = arith.addf %add3A_1156, %mul3A_1311 : vector<16xf32>
      %add3A_1313 = arith.constant 6 : i32
      %add3A_1314 = vector.broadcast %add3A_1313 : i32 to vector<16xi32>
      %add3A_1315 = arith.addi %mul3A_348, %add3A_1314 : vector<16xi32>
      %gather3A_1316 = tpu.vector_load_idx %arg5[%add3A_1315] : memref<98304xf32, #tpu.memory_space<vmem>>[vector<16xi32>], vector<16xf32>,
      %mul3A_1317 = arith.mulf %exp3A_1299, %gather3A_1316 : vector<16xf32>
      %add3A_1318 = arith.addf %add3A_1162, %mul3A_1317 : vector<16xf32>
      %add3A_1319 = arith.constant 7 : i32
      %add3A_1320 = vector.broadcast %add3A_1319 : i32 to vector<16xi32>
      %add3A_1321 = arith.addi %mul3A_348, %add3A_1320 : vector<16xi32>
      %gather3A_1322 = tpu.vector_load_idx %arg5[%add3A_1321] : memref<98304xf32, #tpu.memory_space<vmem>>[vector<16xi32>], vector<16xf32>,
      %mul3A_1323 = arith.mulf %exp3A_1299, %gather3A_1322 : vector<16xf32>
      %add3A_1324 = arith.addf %add3A_1168, %mul3A_1323 : vector<16xf32>
      %add3A_1325 = arith.constant 18 : i32
      %add3A_1326 = vector.broadcast %add3A_1325 : i32 to vector<16xi32>
      %add3A_1327 = arith.addi %mul3A_348, %add3A_1326 : vector<16xi32>
      %gather3A_1328 = tpu.vector_load_idx %arg5[%add3A_1327] : memref<98304xf32, #tpu.memory_space<vmem>>[vector<16xi32>], vector<16xf32>,
      %add3A_1329 = arith.addf %gather3A_1328, %gather3A_87 : vector<16xf32>
      %ge3A_1330 = arith.constant 0.000000e+00 : f32
      %ge3A_1331 = vector.broadcast %ge3A_1330 : f32 to vector<16xf32>
      %ge3A_1332 = arith.cmpf oge, %add3A_1329, %ge3A_1331 : vector<16xf32>
      %mul3A_1333 = arith.constant 2.000000e-01 : f32
      %mul3A_1334 = vector.broadcast %mul3A_1333 : f32 to vector<16xf32>
      %mul3A_1335 = arith.mulf %mul3A_1334, %add3A_1329 : vector<16xf32>
      %select_n3A_1336 = arith.select %ge3A_1332, %add3A_1329, %mul3A_1335 : vector<16xi1>, vector<16xf32>
      %sub3A_1337 = arith.subf %select_n3A_1336, %max3A_570 : vector<16xf32>
      %exp3A_1338 = math.exp %sub3A_1337 : vector<16xf32>
      %add3A_1339 = arith.addf %add3A_1183, %exp3A_1338 : vector<16xf32>
      %add3A_1340 = arith.constant 8 : i32
      %add3A_1341 = vector.broadcast %add3A_1340 : i32 to vector<16xi32>
      %add3A_1342 = arith.addi %mul3A_348, %add3A_1341 : vector<16xi32>
      %gather3A_1343 = tpu.vector_load_idx %arg5[%add3A_1342] : memref<98304xf32, #tpu.memory_space<vmem>>[vector<16xi32>], vector<16xf32>,
      %mul3A_1344 = arith.mulf %exp3A_1338, %gather3A_1343 : vector<16xf32>
      %add3A_1345 = arith.addf %add3A_1189, %mul3A_1344 : vector<16xf32>
      %add3A_1346 = arith.constant 9 : i32
      %add3A_1347 = vector.broadcast %add3A_1346 : i32 to vector<16xi32>
      %add3A_1348 = arith.addi %mul3A_348, %add3A_1347 : vector<16xi32>
      %gather3A_1349 = tpu.vector_load_idx %arg5[%add3A_1348] : memref<98304xf32, #tpu.memory_space<vmem>>[vector<16xi32>], vector<16xf32>,
      %mul3A_1350 = arith.mulf %exp3A_1338, %gather3A_1349 : vector<16xf32>
      %add3A_1351 = arith.addf %add3A_1195, %mul3A_1350 : vector<16xf32>
      %add3A_1352 = arith.constant 10 : i32
      %add3A_1353 = vector.broadcast %add3A_1352 : i32 to vector<16xi32>
      %add3A_1354 = arith.addi %mul3A_348, %add3A_1353 : vector<16xi32>
      %gather3A_1355 = tpu.vector_load_idx %arg5[%add3A_1354] : memref<98304xf32, #tpu.memory_space<vmem>>[vector<16xi32>], vector<16xf32>,
      %mul3A_1356 = arith.mulf %exp3A_1338, %gather3A_1355 : vector<16xf32>
      %add3A_1357 = arith.addf %add3A_1201, %mul3A_1356 : vector<16xf32>
      %add3A_1358 = arith.constant 11 : i32
      %add3A_1359 = vector.broadcast %add3A_1358 : i32 to vector<16xi32>
      %add3A_1360 = arith.addi %mul3A_348, %add3A_1359 : vector<16xi32>
      %gather3A_1361 = tpu.vector_load_idx %arg5[%add3A_1360] : memref<98304xf32, #tpu.memory_space<vmem>>[vector<16xi32>], vector<16xf32>,
      %mul3A_1362 = arith.mulf %exp3A_1338, %gather3A_1361 : vector<16xf32>
      %add3A_1363 = arith.addf %add3A_1207, %mul3A_1362 : vector<16xf32>
      %add3A_1364 = arith.constant 19 : i32
      %add3A_1365 = vector.broadcast %add3A_1364 : i32 to vector<16xi32>
      %add3A_1366 = arith.addi %mul3A_348, %add3A_1365 : vector<16xi32>
      %gather3A_1367 = tpu.vector_load_idx %arg5[%add3A_1366] : memref<98304xf32, #tpu.memory_space<vmem>>[vector<16xi32>], vector<16xf32>,
      %add3A_1368 = arith.addf %gather3A_1367, %gather3A_91 : vector<16xf32>
      %ge3A_1369 = arith.constant 0.000000e+00 : f32
      %ge3A_1370 = vector.broadcast %ge3A_1369 : f32 to vector<16xf32>
      %ge3A_1371 = arith.cmpf oge, %add3A_1368, %ge3A_1370 : vector<16xf32>
      %mul3A_1372 = arith.constant 2.000000e-01 : f32
      %mul3A_1373 = vector.broadcast %mul3A_1372 : f32 to vector<16xf32>
      %mul3A_1374 = arith.mulf %mul3A_1373, %add3A_1368 : vector<16xf32>
      %select_n3A_1375 = arith.select %ge3A_1371, %add3A_1368, %mul3A_1374 : vector<16xi1>, vector<16xf32>
      %sub3A_1376 = arith.subf %select_n3A_1375, %max3A_583 : vector<16xf32>
      %exp3A_1377 = math.exp %sub3A_1376 : vector<16xf32>
      %add3A_1378 = arith.addf %add3A_1222, %exp3A_1377 : vector<16xf32>
      %add3A_1379 = arith.constant 12 : i32
      %add3A_1380 = vector.broadcast %add3A_1379 : i32 to vector<16xi32>
      %add3A_1381 = arith.addi %mul3A_348, %add3A_1380 : vector<16xi32>
      %gather3A_1382 = tpu.vector_load_idx %arg5[%add3A_1381] : memref<98304xf32, #tpu.memory_space<vmem>>[vector<16xi32>], vector<16xf32>,
      %mul3A_1383 = arith.mulf %exp3A_1377, %gather3A_1382 : vector<16xf32>
      %add3A_1384 = arith.addf %add3A_1228, %mul3A_1383 : vector<16xf32>
      %add3A_1385 = arith.constant 13 : i32
      %add3A_1386 = vector.broadcast %add3A_1385 : i32 to vector<16xi32>
      %add3A_1387 = arith.addi %mul3A_348, %add3A_1386 : vector<16xi32>
      %gather3A_1388 = tpu.vector_load_idx %arg5[%add3A_1387] : memref<98304xf32, #tpu.memory_space<vmem>>[vector<16xi32>], vector<16xf32>,
      %mul3A_1389 = arith.mulf %exp3A_1377, %gather3A_1388 : vector<16xf32>
      %add3A_1390 = arith.addf %add3A_1234, %mul3A_1389 : vector<16xf32>
      %add3A_1391 = arith.constant 14 : i32
      %add3A_1392 = vector.broadcast %add3A_1391 : i32 to vector<16xi32>
      %add3A_1393 = arith.addi %mul3A_348, %add3A_1392 : vector<16xi32>
      %gather3A_1394 = tpu.vector_load_idx %arg5[%add3A_1393] : memref<98304xf32, #tpu.memory_space<vmem>>[vector<16xi32>], vector<16xf32>,
      %mul3A_1395 = arith.mulf %exp3A_1377, %gather3A_1394 : vector<16xf32>
      %add3A_1396 = arith.addf %add3A_1240, %mul3A_1395 : vector<16xf32>
      %add3A_1397 = arith.constant 15 : i32
      %add3A_1398 = vector.broadcast %add3A_1397 : i32 to vector<16xi32>
      %add3A_1399 = arith.addi %mul3A_348, %add3A_1398 : vector<16xi32>
      %gather3A_1400 = tpu.vector_load_idx %arg5[%add3A_1399] : memref<98304xf32, #tpu.memory_space<vmem>>[vector<16xi32>], vector<16xf32>,
      %mul3A_1401 = arith.mulf %exp3A_1377, %gather3A_1400 : vector<16xf32>
      %add3A_1402 = arith.addf %add3A_1246, %mul3A_1401 : vector<16xf32>
      %add3A_1403 = arith.constant 16 : i32
      %add3A_1404 = vector.broadcast %add3A_1403 : i32 to vector<16xi32>
      %add3A_1405 = arith.addi %mul3A_409, %add3A_1404 : vector<16xi32>
      %gather3A_1406 = tpu.vector_load_idx %arg5[%add3A_1405] : memref<98304xf32, #tpu.memory_space<vmem>>[vector<16xi32>], vector<16xf32>,
      %add3A_1407 = arith.addf %gather3A_1406, %gather3A : vector<16xf32>
      %ge3A_1408 = arith.constant 0.000000e+00 : f32
      %ge3A_1409 = vector.broadcast %ge3A_1408 : f32 to vector<16xf32>
      %ge3A_1410 = arith.cmpf oge, %add3A_1407, %ge3A_1409 : vector<16xf32>
      %mul3A_1411 = arith.constant 2.000000e-01 : f32
      %mul3A_1412 = vector.broadcast %mul3A_1411 : f32 to vector<16xf32>
      %mul3A_1413 = arith.mulf %mul3A_1412, %add3A_1407 : vector<16xf32>
      %select_n3A_1414 = arith.select %ge3A_1410, %add3A_1407, %mul3A_1413 : vector<16xi1>, vector<16xf32>
      %sub3A_1415 = arith.subf %select_n3A_1414, %max3A_544 : vector<16xf32>
      %exp3A_1416 = math.exp %sub3A_1415 : vector<16xf32>
      %add3A_1417 = arith.addf %add3A_1261, %exp3A_1416 : vector<16xf32>
      %add3A_1418 = arith.constant 0 : i32
      %add3A_1419 = vector.broadcast %add3A_1418 : i32 to vector<16xi32>
      %add3A_1420 = arith.addi %mul3A_409, %add3A_1419 : vector<16xi32>
      %gather3A_1421 = tpu.vector_load_idx %arg5[%add3A_1420] : memref<98304xf32, #tpu.memory_space<vmem>>[vector<16xi32>], vector<16xf32>,
      %mul3A_1422 = arith.mulf %exp3A_1416, %gather3A_1421 : vector<16xf32>
      %add3A_1423 = arith.addf %add3A_1267, %mul3A_1422 : vector<16xf32>
      %add3A_1424 = arith.constant 1 : i32
      %add3A_1425 = vector.broadcast %add3A_1424 : i32 to vector<16xi32>
      %add3A_1426 = arith.addi %mul3A_409, %add3A_1425 : vector<16xi32>
      %gather3A_1427 = tpu.vector_load_idx %arg5[%add3A_1426] : memref<98304xf32, #tpu.memory_space<vmem>>[vector<16xi32>], vector<16xf32>,
      %mul3A_1428 = arith.mulf %exp3A_1416, %gather3A_1427 : vector<16xf32>
      %add3A_1429 = arith.addf %add3A_1273, %mul3A_1428 : vector<16xf32>
      %add3A_1430 = arith.constant 2 : i32
      %add3A_1431 = vector.broadcast %add3A_1430 : i32 to vector<16xi32>
      %add3A_1432 = arith.addi %mul3A_409, %add3A_1431 : vector<16xi32>
      %gather3A_1433 = tpu.vector_load_idx %arg5[%add3A_1432] : memref<98304xf32, #tpu.memory_space<vmem>>[vector<16xi32>], vector<16xf32>,
      %mul3A_1434 = arith.mulf %exp3A_1416, %gather3A_1433 : vector<16xf32>
      %add3A_1435 = arith.addf %add3A_1279, %mul3A_1434 : vector<16xf32>
      %add3A_1436 = arith.constant 3 : i32
      %add3A_1437 = vector.broadcast %add3A_1436 : i32 to vector<16xi32>
      %add3A_1438 = arith.addi %mul3A_409, %add3A_1437 : vector<16xi32>
      %gather3A_1439 = tpu.vector_load_idx %arg5[%add3A_1438] : memref<98304xf32, #tpu.memory_space<vmem>>[vector<16xi32>], vector<16xf32>,
      %mul3A_1440 = arith.mulf %exp3A_1416, %gather3A_1439 : vector<16xf32>
      %add3A_1441 = arith.addf %add3A_1285, %mul3A_1440 : vector<16xf32>
      %add3A_1442 = arith.constant 17 : i32
      %add3A_1443 = vector.broadcast %add3A_1442 : i32 to vector<16xi32>
      %add3A_1444 = arith.addi %mul3A_409, %add3A_1443 : vector<16xi32>
      %gather3A_1445 = tpu.vector_load_idx %arg5[%add3A_1444] : memref<98304xf32, #tpu.memory_space<vmem>>[vector<16xi32>], vector<16xf32>,
      %add3A_1446 = arith.addf %gather3A_1445, %gather3A_83 : vector<16xf32>
      %ge3A_1447 = arith.constant 0.000000e+00 : f32
      %ge3A_1448 = vector.broadcast %ge3A_1447 : f32 to vector<16xf32>
      %ge3A_1449 = arith.cmpf oge, %add3A_1446, %ge3A_1448 : vector<16xf32>
      %mul3A_1450 = arith.constant 2.000000e-01 : f32
      %mul3A_1451 = vector.broadcast %mul3A_1450 : f32 to vector<16xf32>
      %mul3A_1452 = arith.mulf %mul3A_1451, %add3A_1446 : vector<16xf32>
      %select_n3A_1453 = arith.select %ge3A_1449, %add3A_1446, %mul3A_1452 : vector<16xi1>, vector<16xf32>
      %sub3A_1454 = arith.subf %select_n3A_1453, %max3A_557 : vector<16xf32>
      %exp3A_1455 = math.exp %sub3A_1454 : vector<16xf32>
      %add3A_1456 = arith.addf %add3A_1300, %exp3A_1455 : vector<16xf32>
      %add3A_1457 = arith.constant 4 : i32
      %add3A_1458 = vector.broadcast %add3A_1457 : i32 to vector<16xi32>
      %add3A_1459 = arith.addi %mul3A_409, %add3A_1458 : vector<16xi32>
      %gather3A_1460 = tpu.vector_load_idx %arg5[%add3A_1459] : memref<98304xf32, #tpu.memory_space<vmem>>[vector<16xi32>], vector<16xf32>,
      %mul3A_1461 = arith.mulf %exp3A_1455, %gather3A_1460 : vector<16xf32>
      %add3A_1462 = arith.addf %add3A_1306, %mul3A_1461 : vector<16xf32>
      %add3A_1463 = arith.constant 5 : i32
      %add3A_1464 = vector.broadcast %add3A_1463 : i32 to vector<16xi32>
      %add3A_1465 = arith.addi %mul3A_409, %add3A_1464 : vector<16xi32>
      %gather3A_1466 = tpu.vector_load_idx %arg5[%add3A_1465] : memref<98304xf32, #tpu.memory_space<vmem>>[vector<16xi32>], vector<16xf32>,
      %mul3A_1467 = arith.mulf %exp3A_1455, %gather3A_1466 : vector<16xf32>
      %add3A_1468 = arith.addf %add3A_1312, %mul3A_1467 : vector<16xf32>
      %add3A_1469 = arith.constant 6 : i32
      %add3A_1470 = vector.broadcast %add3A_1469 : i32 to vector<16xi32>
      %add3A_1471 = arith.addi %mul3A_409, %add3A_1470 : vector<16xi32>
      %gather3A_1472 = tpu.vector_load_idx %arg5[%add3A_1471] : memref<98304xf32, #tpu.memory_space<vmem>>[vector<16xi32>], vector<16xf32>,
      %mul3A_1473 = arith.mulf %exp3A_1455, %gather3A_1472 : vector<16xf32>
      %add3A_1474 = arith.addf %add3A_1318, %mul3A_1473 : vector<16xf32>
      %add3A_1475 = arith.constant 7 : i32
      %add3A_1476 = vector.broadcast %add3A_1475 : i32 to vector<16xi32>
      %add3A_1477 = arith.addi %mul3A_409, %add3A_1476 : vector<16xi32>
      %gather3A_1478 = tpu.vector_load_idx %arg5[%add3A_1477] : memref<98304xf32, #tpu.memory_space<vmem>>[vector<16xi32>], vector<16xf32>,
      %mul3A_1479 = arith.mulf %exp3A_1455, %gather3A_1478 : vector<16xf32>
      %add3A_1480 = arith.addf %add3A_1324, %mul3A_1479 : vector<16xf32>
      %add3A_1481 = arith.constant 18 : i32
      %add3A_1482 = vector.broadcast %add3A_1481 : i32 to vector<16xi32>
      %add3A_1483 = arith.addi %mul3A_409, %add3A_1482 : vector<16xi32>
      %gather3A_1484 = tpu.vector_load_idx %arg5[%add3A_1483] : memref<98304xf32, #tpu.memory_space<vmem>>[vector<16xi32>], vector<16xf32>,
      %add3A_1485 = arith.addf %gather3A_1484, %gather3A_87 : vector<16xf32>
      %ge3A_1486 = arith.constant 0.000000e+00 : f32
      %ge3A_1487 = vector.broadcast %ge3A_1486 : f32 to vector<16xf32>
      %ge3A_1488 = arith.cmpf oge, %add3A_1485, %ge3A_1487 : vector<16xf32>
      %mul3A_1489 = arith.constant 2.000000e-01 : f32
      %mul3A_1490 = vector.broadcast %mul3A_1489 : f32 to vector<16xf32>
      %mul3A_1491 = arith.mulf %mul3A_1490, %add3A_1485 : vector<16xf32>
      %select_n3A_1492 = arith.select %ge3A_1488, %add3A_1485, %mul3A_1491 : vector<16xi1>, vector<16xf32>
      %sub3A_1493 = arith.subf %select_n3A_1492, %max3A_570 : vector<16xf32>
      %exp3A_1494 = math.exp %sub3A_1493 : vector<16xf32>
      %add3A_1495 = arith.addf %add3A_1339, %exp3A_1494 : vector<16xf32>
      %add3A_1496 = arith.constant 8 : i32
      %add3A_1497 = vector.broadcast %add3A_1496 : i32 to vector<16xi32>
      %add3A_1498 = arith.addi %mul3A_409, %add3A_1497 : vector<16xi32>
      %gather3A_1499 = tpu.vector_load_idx %arg5[%add3A_1498] : memref<98304xf32, #tpu.memory_space<vmem>>[vector<16xi32>], vector<16xf32>,
      %mul3A_1500 = arith.mulf %exp3A_1494, %gather3A_1499 : vector<16xf32>
      %add3A_1501 = arith.addf %add3A_1345, %mul3A_1500 : vector<16xf32>
      %add3A_1502 = arith.constant 9 : i32
      %add3A_1503 = vector.broadcast %add3A_1502 : i32 to vector<16xi32>
      %add3A_1504 = arith.addi %mul3A_409, %add3A_1503 : vector<16xi32>
      %gather3A_1505 = tpu.vector_load_idx %arg5[%add3A_1504] : memref<98304xf32, #tpu.memory_space<vmem>>[vector<16xi32>], vector<16xf32>,
      %mul3A_1506 = arith.mulf %exp3A_1494, %gather3A_1505 : vector<16xf32>
      %add3A_1507 = arith.addf %add3A_1351, %mul3A_1506 : vector<16xf32>
      %add3A_1508 = arith.constant 10 : i32
      %add3A_1509 = vector.broadcast %add3A_1508 : i32 to vector<16xi32>
      %add3A_1510 = arith.addi %mul3A_409, %add3A_1509 : vector<16xi32>
      %gather3A_1511 = tpu.vector_load_idx %arg5[%add3A_1510] : memref<98304xf32, #tpu.memory_space<vmem>>[vector<16xi32>], vector<16xf32>,
      %mul3A_1512 = arith.mulf %exp3A_1494, %gather3A_1511 : vector<16xf32>
      %add3A_1513 = arith.addf %add3A_1357, %mul3A_1512 : vector<16xf32>
      %add3A_1514 = arith.constant 11 : i32
      %add3A_1515 = vector.broadcast %add3A_1514 : i32 to vector<16xi32>
      %add3A_1516 = arith.addi %mul3A_409, %add3A_1515 : vector<16xi32>
      %gather3A_1517 = tpu.vector_load_idx %arg5[%add3A_1516] : memref<98304xf32, #tpu.memory_space<vmem>>[vector<16xi32>], vector<16xf32>,
      %mul3A_1518 = arith.mulf %exp3A_1494, %gather3A_1517 : vector<16xf32>
      %add3A_1519 = arith.addf %add3A_1363, %mul3A_1518 : vector<16xf32>
      %add3A_1520 = arith.constant 19 : i32
      %add3A_1521 = vector.broadcast %add3A_1520 : i32 to vector<16xi32>
      %add3A_1522 = arith.addi %mul3A_409, %add3A_1521 : vector<16xi32>
      %gather3A_1523 = tpu.vector_load_idx %arg5[%add3A_1522] : memref<98304xf32, #tpu.memory_space<vmem>>[vector<16xi32>], vector<16xf32>,
      %add3A_1524 = arith.addf %gather3A_1523, %gather3A_91 : vector<16xf32>
      %ge3A_1525 = arith.constant 0.000000e+00 : f32
      %ge3A_1526 = vector.broadcast %ge3A_1525 : f32 to vector<16xf32>
      %ge3A_1527 = arith.cmpf oge, %add3A_1524, %ge3A_1526 : vector<16xf32>
      %mul3A_1528 = arith.constant 2.000000e-01 : f32
      %mul3A_1529 = vector.broadcast %mul3A_1528 : f32 to vector<16xf32>
      %mul3A_1530 = arith.mulf %mul3A_1529, %add3A_1524 : vector<16xf32>
      %select_n3A_1531 = arith.select %ge3A_1527, %add3A_1524, %mul3A_1530 : vector<16xi1>, vector<16xf32>
      %sub3A_1532 = arith.subf %select_n3A_1531, %max3A_583 : vector<16xf32>
      %exp3A_1533 = math.exp %sub3A_1532 : vector<16xf32>
      %add3A_1534 = arith.addf %add3A_1378, %exp3A_1533 : vector<16xf32>
      %add3A_1535 = arith.constant 12 : i32
      %add3A_1536 = vector.broadcast %add3A_1535 : i32 to vector<16xi32>
      %add3A_1537 = arith.addi %mul3A_409, %add3A_1536 : vector<16xi32>
      %gather3A_1538 = tpu.vector_load_idx %arg5[%add3A_1537] : memref<98304xf32, #tpu.memory_space<vmem>>[vector<16xi32>], vector<16xf32>,
      %mul3A_1539 = arith.mulf %exp3A_1533, %gather3A_1538 : vector<16xf32>
      %add3A_1540 = arith.addf %add3A_1384, %mul3A_1539 : vector<16xf32>
      %add3A_1541 = arith.constant 13 : i32
      %add3A_1542 = vector.broadcast %add3A_1541 : i32 to vector<16xi32>
      %add3A_1543 = arith.addi %mul3A_409, %add3A_1542 : vector<16xi32>
      %gather3A_1544 = tpu.vector_load_idx %arg5[%add3A_1543] : memref<98304xf32, #tpu.memory_space<vmem>>[vector<16xi32>], vector<16xf32>,
      %mul3A_1545 = arith.mulf %exp3A_1533, %gather3A_1544 : vector<16xf32>
      %add3A_1546 = arith.addf %add3A_1390, %mul3A_1545 : vector<16xf32>
      %add3A_1547 = arith.constant 14 : i32
      %add3A_1548 = vector.broadcast %add3A_1547 : i32 to vector<16xi32>
      %add3A_1549 = arith.addi %mul3A_409, %add3A_1548 : vector<16xi32>
      %gather3A_1550 = tpu.vector_load_idx %arg5[%add3A_1549] : memref<98304xf32, #tpu.memory_space<vmem>>[vector<16xi32>], vector<16xf32>,
      %mul3A_1551 = arith.mulf %exp3A_1533, %gather3A_1550 : vector<16xf32>
      %add3A_1552 = arith.addf %add3A_1396, %mul3A_1551 : vector<16xf32>
      %add3A_1553 = arith.constant 15 : i32
      %add3A_1554 = vector.broadcast %add3A_1553 : i32 to vector<16xi32>
      %add3A_1555 = arith.addi %mul3A_409, %add3A_1554 : vector<16xi32>
      %gather3A_1556 = tpu.vector_load_idx %arg5[%add3A_1555] : memref<98304xf32, #tpu.memory_space<vmem>>[vector<16xi32>], vector<16xf32>,
      %mul3A_1557 = arith.mulf %exp3A_1533, %gather3A_1556 : vector<16xf32>
      %add3A_1558 = arith.addf %add3A_1402, %mul3A_1557 : vector<16xf32>
      %add3A_1559 = arith.constant 16 : i32
      %add3A_1560 = vector.broadcast %add3A_1559 : i32 to vector<16xi32>
      %add3A_1561 = arith.addi %mul3A_470, %add3A_1560 : vector<16xi32>
      %gather3A_1562 = tpu.vector_load_idx %arg5[%add3A_1561] : memref<98304xf32, #tpu.memory_space<vmem>>[vector<16xi32>], vector<16xf32>,
      %add3A_1563 = arith.addf %gather3A_1562, %gather3A : vector<16xf32>
      %ge3A_1564 = arith.constant 0.000000e+00 : f32
      %ge3A_1565 = vector.broadcast %ge3A_1564 : f32 to vector<16xf32>
      %ge3A_1566 = arith.cmpf oge, %add3A_1563, %ge3A_1565 : vector<16xf32>
      %mul3A_1567 = arith.constant 2.000000e-01 : f32
      %mul3A_1568 = vector.broadcast %mul3A_1567 : f32 to vector<16xf32>
      %mul3A_1569 = arith.mulf %mul3A_1568, %add3A_1563 : vector<16xf32>
      %select_n3A_1570 = arith.select %ge3A_1566, %add3A_1563, %mul3A_1569 : vector<16xi1>, vector<16xf32>
      %sub3A_1571 = arith.subf %select_n3A_1570, %max3A_544 : vector<16xf32>
      %exp3A_1572 = math.exp %sub3A_1571 : vector<16xf32>
      %add3A_1573 = arith.addf %add3A_1417, %exp3A_1572 : vector<16xf32>
      %add3A_1574 = arith.constant 0 : i32
      %add3A_1575 = vector.broadcast %add3A_1574 : i32 to vector<16xi32>
      %add3A_1576 = arith.addi %mul3A_470, %add3A_1575 : vector<16xi32>
      %gather3A_1577 = tpu.vector_load_idx %arg5[%add3A_1576] : memref<98304xf32, #tpu.memory_space<vmem>>[vector<16xi32>], vector<16xf32>,
      %mul3A_1578 = arith.mulf %exp3A_1572, %gather3A_1577 : vector<16xf32>
      %add3A_1579 = arith.addf %add3A_1423, %mul3A_1578 : vector<16xf32>
      %add3A_1580 = arith.constant 1 : i32
      %add3A_1581 = vector.broadcast %add3A_1580 : i32 to vector<16xi32>
      %add3A_1582 = arith.addi %mul3A_470, %add3A_1581 : vector<16xi32>
      %gather3A_1583 = tpu.vector_load_idx %arg5[%add3A_1582] : memref<98304xf32, #tpu.memory_space<vmem>>[vector<16xi32>], vector<16xf32>,
      %mul3A_1584 = arith.mulf %exp3A_1572, %gather3A_1583 : vector<16xf32>
      %add3A_1585 = arith.addf %add3A_1429, %mul3A_1584 : vector<16xf32>
      %add3A_1586 = arith.constant 2 : i32
      %add3A_1587 = vector.broadcast %add3A_1586 : i32 to vector<16xi32>
      %add3A_1588 = arith.addi %mul3A_470, %add3A_1587 : vector<16xi32>
      %gather3A_1589 = tpu.vector_load_idx %arg5[%add3A_1588] : memref<98304xf32, #tpu.memory_space<vmem>>[vector<16xi32>], vector<16xf32>,
      %mul3A_1590 = arith.mulf %exp3A_1572, %gather3A_1589 : vector<16xf32>
      %add3A_1591 = arith.addf %add3A_1435, %mul3A_1590 : vector<16xf32>
      %add3A_1592 = arith.constant 3 : i32
      %add3A_1593 = vector.broadcast %add3A_1592 : i32 to vector<16xi32>
      %add3A_1594 = arith.addi %mul3A_470, %add3A_1593 : vector<16xi32>
      %gather3A_1595 = tpu.vector_load_idx %arg5[%add3A_1594] : memref<98304xf32, #tpu.memory_space<vmem>>[vector<16xi32>], vector<16xf32>,
      %mul3A_1596 = arith.mulf %exp3A_1572, %gather3A_1595 : vector<16xf32>
      %add3A_1597 = arith.addf %add3A_1441, %mul3A_1596 : vector<16xf32>
      %add3A_1598 = arith.constant 17 : i32
      %add3A_1599 = vector.broadcast %add3A_1598 : i32 to vector<16xi32>
      %add3A_1600 = arith.addi %mul3A_470, %add3A_1599 : vector<16xi32>
      %gather3A_1601 = tpu.vector_load_idx %arg5[%add3A_1600] : memref<98304xf32, #tpu.memory_space<vmem>>[vector<16xi32>], vector<16xf32>,
      %add3A_1602 = arith.addf %gather3A_1601, %gather3A_83 : vector<16xf32>
      %ge3A_1603 = arith.constant 0.000000e+00 : f32
      %ge3A_1604 = vector.broadcast %ge3A_1603 : f32 to vector<16xf32>
      %ge3A_1605 = arith.cmpf oge, %add3A_1602, %ge3A_1604 : vector<16xf32>
      %mul3A_1606 = arith.constant 2.000000e-01 : f32
      %mul3A_1607 = vector.broadcast %mul3A_1606 : f32 to vector<16xf32>
      %mul3A_1608 = arith.mulf %mul3A_1607, %add3A_1602 : vector<16xf32>
      %select_n3A_1609 = arith.select %ge3A_1605, %add3A_1602, %mul3A_1608 : vector<16xi1>, vector<16xf32>
      %sub3A_1610 = arith.subf %select_n3A_1609, %max3A_557 : vector<16xf32>
      %exp3A_1611 = math.exp %sub3A_1610 : vector<16xf32>
      %add3A_1612 = arith.addf %add3A_1456, %exp3A_1611 : vector<16xf32>
      %add3A_1613 = arith.constant 4 : i32
      %add3A_1614 = vector.broadcast %add3A_1613 : i32 to vector<16xi32>
      %add3A_1615 = arith.addi %mul3A_470, %add3A_1614 : vector<16xi32>
      %gather3A_1616 = tpu.vector_load_idx %arg5[%add3A_1615] : memref<98304xf32, #tpu.memory_space<vmem>>[vector<16xi32>], vector<16xf32>,
      %mul3A_1617 = arith.mulf %exp3A_1611, %gather3A_1616 : vector<16xf32>
      %add3A_1618 = arith.addf %add3A_1462, %mul3A_1617 : vector<16xf32>
      %add3A_1619 = arith.constant 5 : i32
      %add3A_1620 = vector.broadcast %add3A_1619 : i32 to vector<16xi32>
      %add3A_1621 = arith.addi %mul3A_470, %add3A_1620 : vector<16xi32>
      %gather3A_1622 = tpu.vector_load_idx %arg5[%add3A_1621] : memref<98304xf32, #tpu.memory_space<vmem>>[vector<16xi32>], vector<16xf32>,
      %mul3A_1623 = arith.mulf %exp3A_1611, %gather3A_1622 : vector<16xf32>
      %add3A_1624 = arith.addf %add3A_1468, %mul3A_1623 : vector<16xf32>
      %add3A_1625 = arith.constant 6 : i32
      %add3A_1626 = vector.broadcast %add3A_1625 : i32 to vector<16xi32>
      %add3A_1627 = arith.addi %mul3A_470, %add3A_1626 : vector<16xi32>
      %gather3A_1628 = tpu.vector_load_idx %arg5[%add3A_1627] : memref<98304xf32, #tpu.memory_space<vmem>>[vector<16xi32>], vector<16xf32>,
      %mul3A_1629 = arith.mulf %exp3A_1611, %gather3A_1628 : vector<16xf32>
      %add3A_1630 = arith.addf %add3A_1474, %mul3A_1629 : vector<16xf32>
      %add3A_1631 = arith.constant 7 : i32
      %add3A_1632 = vector.broadcast %add3A_1631 : i32 to vector<16xi32>
      %add3A_1633 = arith.addi %mul3A_470, %add3A_1632 : vector<16xi32>
      %gather3A_1634 = tpu.vector_load_idx %arg5[%add3A_1633] : memref<98304xf32, #tpu.memory_space<vmem>>[vector<16xi32>], vector<16xf32>,
      %mul3A_1635 = arith.mulf %exp3A_1611, %gather3A_1634 : vector<16xf32>
      %add3A_1636 = arith.addf %add3A_1480, %mul3A_1635 : vector<16xf32>
      %add3A_1637 = arith.constant 18 : i32
      %add3A_1638 = vector.broadcast %add3A_1637 : i32 to vector<16xi32>
      %add3A_1639 = arith.addi %mul3A_470, %add3A_1638 : vector<16xi32>
      %gather3A_1640 = tpu.vector_load_idx %arg5[%add3A_1639] : memref<98304xf32, #tpu.memory_space<vmem>>[vector<16xi32>], vector<16xf32>,
      %add3A_1641 = arith.addf %gather3A_1640, %gather3A_87 : vector<16xf32>
      %ge3A_1642 = arith.constant 0.000000e+00 : f32
      %ge3A_1643 = vector.broadcast %ge3A_1642 : f32 to vector<16xf32>
      %ge3A_1644 = arith.cmpf oge, %add3A_1641, %ge3A_1643 : vector<16xf32>
      %mul3A_1645 = arith.constant 2.000000e-01 : f32
      %mul3A_1646 = vector.broadcast %mul3A_1645 : f32 to vector<16xf32>
      %mul3A_1647 = arith.mulf %mul3A_1646, %add3A_1641 : vector<16xf32>
      %select_n3A_1648 = arith.select %ge3A_1644, %add3A_1641, %mul3A_1647 : vector<16xi1>, vector<16xf32>
      %sub3A_1649 = arith.subf %select_n3A_1648, %max3A_570 : vector<16xf32>
      %exp3A_1650 = math.exp %sub3A_1649 : vector<16xf32>
      %add3A_1651 = arith.addf %add3A_1495, %exp3A_1650 : vector<16xf32>
      %add3A_1652 = arith.constant 8 : i32
      %add3A_1653 = vector.broadcast %add3A_1652 : i32 to vector<16xi32>
      %add3A_1654 = arith.addi %mul3A_470, %add3A_1653 : vector<16xi32>
      %gather3A_1655 = tpu.vector_load_idx %arg5[%add3A_1654] : memref<98304xf32, #tpu.memory_space<vmem>>[vector<16xi32>], vector<16xf32>,
      %mul3A_1656 = arith.mulf %exp3A_1650, %gather3A_1655 : vector<16xf32>
      %add3A_1657 = arith.addf %add3A_1501, %mul3A_1656 : vector<16xf32>
      %add3A_1658 = arith.constant 9 : i32
      %add3A_1659 = vector.broadcast %add3A_1658 : i32 to vector<16xi32>
      %add3A_1660 = arith.addi %mul3A_470, %add3A_1659 : vector<16xi32>
      %gather3A_1661 = tpu.vector_load_idx %arg5[%add3A_1660] : memref<98304xf32, #tpu.memory_space<vmem>>[vector<16xi32>], vector<16xf32>,
      %mul3A_1662 = arith.mulf %exp3A_1650, %gather3A_1661 : vector<16xf32>
      %add3A_1663 = arith.addf %add3A_1507, %mul3A_1662 : vector<16xf32>
      %add3A_1664 = arith.constant 10 : i32
      %add3A_1665 = vector.broadcast %add3A_1664 : i32 to vector<16xi32>
      %add3A_1666 = arith.addi %mul3A_470, %add3A_1665 : vector<16xi32>
      %gather3A_1667 = tpu.vector_load_idx %arg5[%add3A_1666] : memref<98304xf32, #tpu.memory_space<vmem>>[vector<16xi32>], vector<16xf32>,
      %mul3A_1668 = arith.mulf %exp3A_1650, %gather3A_1667 : vector<16xf32>
      %add3A_1669 = arith.addf %add3A_1513, %mul3A_1668 : vector<16xf32>
      %add3A_1670 = arith.constant 11 : i32
      %add3A_1671 = vector.broadcast %add3A_1670 : i32 to vector<16xi32>
      %add3A_1672 = arith.addi %mul3A_470, %add3A_1671 : vector<16xi32>
      %gather3A_1673 = tpu.vector_load_idx %arg5[%add3A_1672] : memref<98304xf32, #tpu.memory_space<vmem>>[vector<16xi32>], vector<16xf32>,
      %mul3A_1674 = arith.mulf %exp3A_1650, %gather3A_1673 : vector<16xf32>
      %add3A_1675 = arith.addf %add3A_1519, %mul3A_1674 : vector<16xf32>
      %add3A_1676 = arith.constant 19 : i32
      %add3A_1677 = vector.broadcast %add3A_1676 : i32 to vector<16xi32>
      %add3A_1678 = arith.addi %mul3A_470, %add3A_1677 : vector<16xi32>
      %gather3A_1679 = tpu.vector_load_idx %arg5[%add3A_1678] : memref<98304xf32, #tpu.memory_space<vmem>>[vector<16xi32>], vector<16xf32>,
      %add3A_1680 = arith.addf %gather3A_1679, %gather3A_91 : vector<16xf32>
      %ge3A_1681 = arith.constant 0.000000e+00 : f32
      %ge3A_1682 = vector.broadcast %ge3A_1681 : f32 to vector<16xf32>
      %ge3A_1683 = arith.cmpf oge, %add3A_1680, %ge3A_1682 : vector<16xf32>
      %mul3A_1684 = arith.constant 2.000000e-01 : f32
      %mul3A_1685 = vector.broadcast %mul3A_1684 : f32 to vector<16xf32>
      %mul3A_1686 = arith.mulf %mul3A_1685, %add3A_1680 : vector<16xf32>
      %select_n3A_1687 = arith.select %ge3A_1683, %add3A_1680, %mul3A_1686 : vector<16xi1>, vector<16xf32>
      %sub3A_1688 = arith.subf %select_n3A_1687, %max3A_583 : vector<16xf32>
      %exp3A_1689 = math.exp %sub3A_1688 : vector<16xf32>
      %add3A_1690 = arith.addf %add3A_1534, %exp3A_1689 : vector<16xf32>
      %add3A_1691 = arith.constant 12 : i32
      %add3A_1692 = vector.broadcast %add3A_1691 : i32 to vector<16xi32>
      %add3A_1693 = arith.addi %mul3A_470, %add3A_1692 : vector<16xi32>
      %gather3A_1694 = tpu.vector_load_idx %arg5[%add3A_1693] : memref<98304xf32, #tpu.memory_space<vmem>>[vector<16xi32>], vector<16xf32>,
      %mul3A_1695 = arith.mulf %exp3A_1689, %gather3A_1694 : vector<16xf32>
      %add3A_1696 = arith.addf %add3A_1540, %mul3A_1695 : vector<16xf32>
      %add3A_1697 = arith.constant 13 : i32
      %add3A_1698 = vector.broadcast %add3A_1697 : i32 to vector<16xi32>
      %add3A_1699 = arith.addi %mul3A_470, %add3A_1698 : vector<16xi32>
      %gather3A_1700 = tpu.vector_load_idx %arg5[%add3A_1699] : memref<98304xf32, #tpu.memory_space<vmem>>[vector<16xi32>], vector<16xf32>,
      %mul3A_1701 = arith.mulf %exp3A_1689, %gather3A_1700 : vector<16xf32>
      %add3A_1702 = arith.addf %add3A_1546, %mul3A_1701 : vector<16xf32>
      %add3A_1703 = arith.constant 14 : i32
      %add3A_1704 = vector.broadcast %add3A_1703 : i32 to vector<16xi32>
      %add3A_1705 = arith.addi %mul3A_470, %add3A_1704 : vector<16xi32>
      %gather3A_1706 = tpu.vector_load_idx %arg5[%add3A_1705] : memref<98304xf32, #tpu.memory_space<vmem>>[vector<16xi32>], vector<16xf32>,
      %mul3A_1707 = arith.mulf %exp3A_1689, %gather3A_1706 : vector<16xf32>
      %add3A_1708 = arith.addf %add3A_1552, %mul3A_1707 : vector<16xf32>
      %add3A_1709 = arith.constant 15 : i32
      %add3A_1710 = vector.broadcast %add3A_1709 : i32 to vector<16xi32>
      %add3A_1711 = arith.addi %mul3A_470, %add3A_1710 : vector<16xi32>
      %gather3A_1712 = tpu.vector_load_idx %arg5[%add3A_1711] : memref<98304xf32, #tpu.memory_space<vmem>>[vector<16xi32>], vector<16xf32>,
      %mul3A_1713 = arith.mulf %exp3A_1689, %gather3A_1712 : vector<16xf32>
      %add3A_1714 = arith.addf %add3A_1558, %mul3A_1713 : vector<16xf32>
      %add3A_1715 = arith.constant 16 : i32
      %add3A_1716 = vector.broadcast %add3A_1715 : i32 to vector<16xi32>
      %add3A_1717 = arith.addi %mul3A_531, %add3A_1716 : vector<16xi32>
      %gather3A_1718 = tpu.vector_load_idx %arg5[%add3A_1717] : memref<98304xf32, #tpu.memory_space<vmem>>[vector<16xi32>], vector<16xf32>,
      %add3A_1719 = arith.addf %gather3A_1718, %gather3A : vector<16xf32>
      %ge3A_1720 = arith.constant 0.000000e+00 : f32
      %ge3A_1721 = vector.broadcast %ge3A_1720 : f32 to vector<16xf32>
      %ge3A_1722 = arith.cmpf oge, %add3A_1719, %ge3A_1721 : vector<16xf32>
      %mul3A_1723 = arith.constant 2.000000e-01 : f32
      %mul3A_1724 = vector.broadcast %mul3A_1723 : f32 to vector<16xf32>
      %mul3A_1725 = arith.mulf %mul3A_1724, %add3A_1719 : vector<16xf32>
      %select_n3A_1726 = arith.select %ge3A_1722, %add3A_1719, %mul3A_1725 : vector<16xi1>, vector<16xf32>
      %sub3A_1727 = arith.subf %select_n3A_1726, %max3A_544 : vector<16xf32>
      %exp3A_1728 = math.exp %sub3A_1727 : vector<16xf32>
      %add3A_1729 = arith.addf %add3A_1573, %exp3A_1728 : vector<16xf32>
      %add3A_1730 = arith.constant 0 : i32
      %add3A_1731 = vector.broadcast %add3A_1730 : i32 to vector<16xi32>
      %add3A_1732 = arith.addi %mul3A_531, %add3A_1731 : vector<16xi32>
      %gather3A_1733 = tpu.vector_load_idx %arg5[%add3A_1732] : memref<98304xf32, #tpu.memory_space<vmem>>[vector<16xi32>], vector<16xf32>,
      %mul3A_1734 = arith.mulf %exp3A_1728, %gather3A_1733 : vector<16xf32>
      %add3A_1735 = arith.addf %add3A_1579, %mul3A_1734 : vector<16xf32>
      %add3A_1736 = arith.constant 1 : i32
      %add3A_1737 = vector.broadcast %add3A_1736 : i32 to vector<16xi32>
      %add3A_1738 = arith.addi %mul3A_531, %add3A_1737 : vector<16xi32>
      %gather3A_1739 = tpu.vector_load_idx %arg5[%add3A_1738] : memref<98304xf32, #tpu.memory_space<vmem>>[vector<16xi32>], vector<16xf32>,
      %mul3A_1740 = arith.mulf %exp3A_1728, %gather3A_1739 : vector<16xf32>
      %add3A_1741 = arith.addf %add3A_1585, %mul3A_1740 : vector<16xf32>
      %add3A_1742 = arith.constant 2 : i32
      %add3A_1743 = vector.broadcast %add3A_1742 : i32 to vector<16xi32>
      %add3A_1744 = arith.addi %mul3A_531, %add3A_1743 : vector<16xi32>
      %gather3A_1745 = tpu.vector_load_idx %arg5[%add3A_1744] : memref<98304xf32, #tpu.memory_space<vmem>>[vector<16xi32>], vector<16xf32>,
      %mul3A_1746 = arith.mulf %exp3A_1728, %gather3A_1745 : vector<16xf32>
      %add3A_1747 = arith.addf %add3A_1591, %mul3A_1746 : vector<16xf32>
      %add3A_1748 = arith.constant 3 : i32
      %add3A_1749 = vector.broadcast %add3A_1748 : i32 to vector<16xi32>
      %add3A_1750 = arith.addi %mul3A_531, %add3A_1749 : vector<16xi32>
      %gather3A_1751 = tpu.vector_load_idx %arg5[%add3A_1750] : memref<98304xf32, #tpu.memory_space<vmem>>[vector<16xi32>], vector<16xf32>,
      %mul3A_1752 = arith.mulf %exp3A_1728, %gather3A_1751 : vector<16xf32>
      %add3A_1753 = arith.addf %add3A_1597, %mul3A_1752 : vector<16xf32>
      %add3A_1754 = arith.constant 17 : i32
      %add3A_1755 = vector.broadcast %add3A_1754 : i32 to vector<16xi32>
      %add3A_1756 = arith.addi %mul3A_531, %add3A_1755 : vector<16xi32>
      %gather3A_1757 = tpu.vector_load_idx %arg5[%add3A_1756] : memref<98304xf32, #tpu.memory_space<vmem>>[vector<16xi32>], vector<16xf32>,
      %add3A_1758 = arith.addf %gather3A_1757, %gather3A_83 : vector<16xf32>
      %ge3A_1759 = arith.constant 0.000000e+00 : f32
      %ge3A_1760 = vector.broadcast %ge3A_1759 : f32 to vector<16xf32>
      %ge3A_1761 = arith.cmpf oge, %add3A_1758, %ge3A_1760 : vector<16xf32>
      %mul3A_1762 = arith.constant 2.000000e-01 : f32
      %mul3A_1763 = vector.broadcast %mul3A_1762 : f32 to vector<16xf32>
      %mul3A_1764 = arith.mulf %mul3A_1763, %add3A_1758 : vector<16xf32>
      %select_n3A_1765 = arith.select %ge3A_1761, %add3A_1758, %mul3A_1764 : vector<16xi1>, vector<16xf32>
      %sub3A_1766 = arith.subf %select_n3A_1765, %max3A_557 : vector<16xf32>
      %exp3A_1767 = math.exp %sub3A_1766 : vector<16xf32>
      %add3A_1768 = arith.addf %add3A_1612, %exp3A_1767 : vector<16xf32>
      %add3A_1769 = arith.constant 4 : i32
      %add3A_1770 = vector.broadcast %add3A_1769 : i32 to vector<16xi32>
      %add3A_1771 = arith.addi %mul3A_531, %add3A_1770 : vector<16xi32>
      %gather3A_1772 = tpu.vector_load_idx %arg5[%add3A_1771] : memref<98304xf32, #tpu.memory_space<vmem>>[vector<16xi32>], vector<16xf32>,
      %mul3A_1773 = arith.mulf %exp3A_1767, %gather3A_1772 : vector<16xf32>
      %add3A_1774 = arith.addf %add3A_1618, %mul3A_1773 : vector<16xf32>
      %add3A_1775 = arith.constant 5 : i32
      %add3A_1776 = vector.broadcast %add3A_1775 : i32 to vector<16xi32>
      %add3A_1777 = arith.addi %mul3A_531, %add3A_1776 : vector<16xi32>
      %gather3A_1778 = tpu.vector_load_idx %arg5[%add3A_1777] : memref<98304xf32, #tpu.memory_space<vmem>>[vector<16xi32>], vector<16xf32>,
      %mul3A_1779 = arith.mulf %exp3A_1767, %gather3A_1778 : vector<16xf32>
      %add3A_1780 = arith.addf %add3A_1624, %mul3A_1779 : vector<16xf32>
      %add3A_1781 = arith.constant 6 : i32
      %add3A_1782 = vector.broadcast %add3A_1781 : i32 to vector<16xi32>
      %add3A_1783 = arith.addi %mul3A_531, %add3A_1782 : vector<16xi32>
      %gather3A_1784 = tpu.vector_load_idx %arg5[%add3A_1783] : memref<98304xf32, #tpu.memory_space<vmem>>[vector<16xi32>], vector<16xf32>,
      %mul3A_1785 = arith.mulf %exp3A_1767, %gather3A_1784 : vector<16xf32>
      %add3A_1786 = arith.addf %add3A_1630, %mul3A_1785 : vector<16xf32>
      %add3A_1787 = arith.constant 7 : i32
      %add3A_1788 = vector.broadcast %add3A_1787 : i32 to vector<16xi32>
      %add3A_1789 = arith.addi %mul3A_531, %add3A_1788 : vector<16xi32>
      %gather3A_1790 = tpu.vector_load_idx %arg5[%add3A_1789] : memref<98304xf32, #tpu.memory_space<vmem>>[vector<16xi32>], vector<16xf32>,
      %mul3A_1791 = arith.mulf %exp3A_1767, %gather3A_1790 : vector<16xf32>
      %add3A_1792 = arith.addf %add3A_1636, %mul3A_1791 : vector<16xf32>
      %add3A_1793 = arith.constant 18 : i32
      %add3A_1794 = vector.broadcast %add3A_1793 : i32 to vector<16xi32>
      %add3A_1795 = arith.addi %mul3A_531, %add3A_1794 : vector<16xi32>
      %gather3A_1796 = tpu.vector_load_idx %arg5[%add3A_1795] : memref<98304xf32, #tpu.memory_space<vmem>>[vector<16xi32>], vector<16xf32>,
      %add3A_1797 = arith.addf %gather3A_1796, %gather3A_87 : vector<16xf32>
      %ge3A_1798 = arith.constant 0.000000e+00 : f32
      %ge3A_1799 = vector.broadcast %ge3A_1798 : f32 to vector<16xf32>
      %ge3A_1800 = arith.cmpf oge, %add3A_1797, %ge3A_1799 : vector<16xf32>
      %mul3A_1801 = arith.constant 2.000000e-01 : f32
      %mul3A_1802 = vector.broadcast %mul3A_1801 : f32 to vector<16xf32>
      %mul3A_1803 = arith.mulf %mul3A_1802, %add3A_1797 : vector<16xf32>
      %select_n3A_1804 = arith.select %ge3A_1800, %add3A_1797, %mul3A_1803 : vector<16xi1>, vector<16xf32>
      %sub3A_1805 = arith.subf %select_n3A_1804, %max3A_570 : vector<16xf32>
      %exp3A_1806 = math.exp %sub3A_1805 : vector<16xf32>
      %add3A_1807 = arith.addf %add3A_1651, %exp3A_1806 : vector<16xf32>
      %add3A_1808 = arith.constant 8 : i32
      %add3A_1809 = vector.broadcast %add3A_1808 : i32 to vector<16xi32>
      %add3A_1810 = arith.addi %mul3A_531, %add3A_1809 : vector<16xi32>
      %gather3A_1811 = tpu.vector_load_idx %arg5[%add3A_1810] : memref<98304xf32, #tpu.memory_space<vmem>>[vector<16xi32>], vector<16xf32>,
      %mul3A_1812 = arith.mulf %exp3A_1806, %gather3A_1811 : vector<16xf32>
      %add3A_1813 = arith.addf %add3A_1657, %mul3A_1812 : vector<16xf32>
      %add3A_1814 = arith.constant 9 : i32
      %add3A_1815 = vector.broadcast %add3A_1814 : i32 to vector<16xi32>
      %add3A_1816 = arith.addi %mul3A_531, %add3A_1815 : vector<16xi32>
      %gather3A_1817 = tpu.vector_load_idx %arg5[%add3A_1816] : memref<98304xf32, #tpu.memory_space<vmem>>[vector<16xi32>], vector<16xf32>,
      %mul3A_1818 = arith.mulf %exp3A_1806, %gather3A_1817 : vector<16xf32>
      %add3A_1819 = arith.addf %add3A_1663, %mul3A_1818 : vector<16xf32>
      %add3A_1820 = arith.constant 10 : i32
      %add3A_1821 = vector.broadcast %add3A_1820 : i32 to vector<16xi32>
      %add3A_1822 = arith.addi %mul3A_531, %add3A_1821 : vector<16xi32>
      %gather3A_1823 = tpu.vector_load_idx %arg5[%add3A_1822] : memref<98304xf32, #tpu.memory_space<vmem>>[vector<16xi32>], vector<16xf32>,
      %mul3A_1824 = arith.mulf %exp3A_1806, %gather3A_1823 : vector<16xf32>
      %add3A_1825 = arith.addf %add3A_1669, %mul3A_1824 : vector<16xf32>
      %add3A_1826 = arith.constant 11 : i32
      %add3A_1827 = vector.broadcast %add3A_1826 : i32 to vector<16xi32>
      %add3A_1828 = arith.addi %mul3A_531, %add3A_1827 : vector<16xi32>
      %gather3A_1829 = tpu.vector_load_idx %arg5[%add3A_1828] : memref<98304xf32, #tpu.memory_space<vmem>>[vector<16xi32>], vector<16xf32>,
      %mul3A_1830 = arith.mulf %exp3A_1806, %gather3A_1829 : vector<16xf32>
      %add3A_1831 = arith.addf %add3A_1675, %mul3A_1830 : vector<16xf32>
      %add3A_1832 = arith.constant 19 : i32
      %add3A_1833 = vector.broadcast %add3A_1832 : i32 to vector<16xi32>
      %add3A_1834 = arith.addi %mul3A_531, %add3A_1833 : vector<16xi32>
      %gather3A_1835 = tpu.vector_load_idx %arg5[%add3A_1834] : memref<98304xf32, #tpu.memory_space<vmem>>[vector<16xi32>], vector<16xf32>,
      %add3A_1836 = arith.addf %gather3A_1835, %gather3A_91 : vector<16xf32>
      %ge3A_1837 = arith.constant 0.000000e+00 : f32
      %ge3A_1838 = vector.broadcast %ge3A_1837 : f32 to vector<16xf32>
      %ge3A_1839 = arith.cmpf oge, %add3A_1836, %ge3A_1838 : vector<16xf32>
      %mul3A_1840 = arith.constant 2.000000e-01 : f32
      %mul3A_1841 = vector.broadcast %mul3A_1840 : f32 to vector<16xf32>
      %mul3A_1842 = arith.mulf %mul3A_1841, %add3A_1836 : vector<16xf32>
      %select_n3A_1843 = arith.select %ge3A_1839, %add3A_1836, %mul3A_1842 : vector<16xi1>, vector<16xf32>
      %sub3A_1844 = arith.subf %select_n3A_1843, %max3A_583 : vector<16xf32>
      %exp3A_1845 = math.exp %sub3A_1844 : vector<16xf32>
      %add3A_1846 = arith.addf %add3A_1690, %exp3A_1845 : vector<16xf32>
      %add3A_1847 = arith.constant 12 : i32
      %add3A_1848 = vector.broadcast %add3A_1847 : i32 to vector<16xi32>
      %add3A_1849 = arith.addi %mul3A_531, %add3A_1848 : vector<16xi32>
      %gather3A_1850 = tpu.vector_load_idx %arg5[%add3A_1849] : memref<98304xf32, #tpu.memory_space<vmem>>[vector<16xi32>], vector<16xf32>,
      %mul3A_1851 = arith.mulf %exp3A_1845, %gather3A_1850 : vector<16xf32>
      %add3A_1852 = arith.addf %add3A_1696, %mul3A_1851 : vector<16xf32>
      %add3A_1853 = arith.constant 13 : i32
      %add3A_1854 = vector.broadcast %add3A_1853 : i32 to vector<16xi32>
      %add3A_1855 = arith.addi %mul3A_531, %add3A_1854 : vector<16xi32>
      %gather3A_1856 = tpu.vector_load_idx %arg5[%add3A_1855] : memref<98304xf32, #tpu.memory_space<vmem>>[vector<16xi32>], vector<16xf32>,
      %mul3A_1857 = arith.mulf %exp3A_1845, %gather3A_1856 : vector<16xf32>
      %add3A_1858 = arith.addf %add3A_1702, %mul3A_1857 : vector<16xf32>
      %add3A_1859 = arith.constant 14 : i32
      %add3A_1860 = vector.broadcast %add3A_1859 : i32 to vector<16xi32>
      %add3A_1861 = arith.addi %mul3A_531, %add3A_1860 : vector<16xi32>
      %gather3A_1862 = tpu.vector_load_idx %arg5[%add3A_1861] : memref<98304xf32, #tpu.memory_space<vmem>>[vector<16xi32>], vector<16xf32>,
      %mul3A_1863 = arith.mulf %exp3A_1845, %gather3A_1862 : vector<16xf32>
      %add3A_1864 = arith.addf %add3A_1708, %mul3A_1863 : vector<16xf32>
      %add3A_1865 = arith.constant 15 : i32
      %add3A_1866 = vector.broadcast %add3A_1865 : i32 to vector<16xi32>
      %add3A_1867 = arith.addi %mul3A_531, %add3A_1866 : vector<16xi32>
      %gather3A_1868 = tpu.vector_load_idx %arg5[%add3A_1867] : memref<98304xf32, #tpu.memory_space<vmem>>[vector<16xi32>], vector<16xf32>,
      %mul3A_1869 = arith.mulf %exp3A_1845, %gather3A_1868 : vector<16xf32>
      %add3A_1870 = arith.addf %add3A_1714, %mul3A_1869 : vector<16xf32>
      %div3A_1871 = arith.divf %add3A_1735, %add3A_1729 : vector<16xf32>
      %mul3A_1872 = arith.constant 16 : i32
      %mul3A_1873 = vector.broadcast %mul3A_1872 : i32 to vector<16xi32>
      %mul3A_1874 = arith.muli %add3A_69, %mul3A_1873 : vector<16xi32>
      %add3A_1875 = arith.constant 0 : i32
      %add3A_1876 = vector.broadcast %add3A_1875 : i32 to vector<16xi32>
      %add3A_1877 = arith.addi %mul3A_1874, %add3A_1876 : vector<16xi32>
      tpu.vector_store_idx %arg7[%add3A_1877], %div3A_1871 : memref<8192xf32, #tpu.memory_space<vmem>>[vector<16xi32>], vector<16xf32>,
      %div3A_1878 = arith.divf %add3A_1741, %add3A_1729 : vector<16xf32>
      %mul3A_1879 = arith.constant 16 : i32
      %mul3A_1880 = vector.broadcast %mul3A_1879 : i32 to vector<16xi32>
      %mul3A_1881 = arith.muli %add3A_69, %mul3A_1880 : vector<16xi32>
      %add3A_1882 = arith.constant 1 : i32
      %add3A_1883 = vector.broadcast %add3A_1882 : i32 to vector<16xi32>
      %add3A_1884 = arith.addi %mul3A_1881, %add3A_1883 : vector<16xi32>
      tpu.vector_store_idx %arg7[%add3A_1884], %div3A_1878 : memref<8192xf32, #tpu.memory_space<vmem>>[vector<16xi32>], vector<16xf32>,
      %div3A_1885 = arith.divf %add3A_1747, %add3A_1729 : vector<16xf32>
      %mul3A_1886 = arith.constant 16 : i32
      %mul3A_1887 = vector.broadcast %mul3A_1886 : i32 to vector<16xi32>
      %mul3A_1888 = arith.muli %add3A_69, %mul3A_1887 : vector<16xi32>
      %add3A_1889 = arith.constant 2 : i32
      %add3A_1890 = vector.broadcast %add3A_1889 : i32 to vector<16xi32>
      %add3A_1891 = arith.addi %mul3A_1888, %add3A_1890 : vector<16xi32>
      tpu.vector_store_idx %arg7[%add3A_1891], %div3A_1885 : memref<8192xf32, #tpu.memory_space<vmem>>[vector<16xi32>], vector<16xf32>,
      %div3A_1892 = arith.divf %add3A_1753, %add3A_1729 : vector<16xf32>
      %mul3A_1893 = arith.constant 16 : i32
      %mul3A_1894 = vector.broadcast %mul3A_1893 : i32 to vector<16xi32>
      %mul3A_1895 = arith.muli %add3A_69, %mul3A_1894 : vector<16xi32>
      %add3A_1896 = arith.constant 3 : i32
      %add3A_1897 = vector.broadcast %add3A_1896 : i32 to vector<16xi32>
      %add3A_1898 = arith.addi %mul3A_1895, %add3A_1897 : vector<16xi32>
      tpu.vector_store_idx %arg7[%add3A_1898], %div3A_1892 : memref<8192xf32, #tpu.memory_space<vmem>>[vector<16xi32>], vector<16xf32>,
      %div3A_1899 = arith.divf %add3A_1774, %add3A_1768 : vector<16xf32>
      %mul3A_1900 = arith.constant 16 : i32
      %mul3A_1901 = vector.broadcast %mul3A_1900 : i32 to vector<16xi32>
      %mul3A_1902 = arith.muli %add3A_69, %mul3A_1901 : vector<16xi32>
      %add3A_1903 = arith.constant 4 : i32
      %add3A_1904 = vector.broadcast %add3A_1903 : i32 to vector<16xi32>
      %add3A_1905 = arith.addi %mul3A_1902, %add3A_1904 : vector<16xi32>
      tpu.vector_store_idx %arg7[%add3A_1905], %div3A_1899 : memref<8192xf32, #tpu.memory_space<vmem>>[vector<16xi32>], vector<16xf32>,
      %div3A_1906 = arith.divf %add3A_1780, %add3A_1768 : vector<16xf32>
      %mul3A_1907 = arith.constant 16 : i32
      %mul3A_1908 = vector.broadcast %mul3A_1907 : i32 to vector<16xi32>
      %mul3A_1909 = arith.muli %add3A_69, %mul3A_1908 : vector<16xi32>
      %add3A_1910 = arith.constant 5 : i32
      %add3A_1911 = vector.broadcast %add3A_1910 : i32 to vector<16xi32>
      %add3A_1912 = arith.addi %mul3A_1909, %add3A_1911 : vector<16xi32>
      tpu.vector_store_idx %arg7[%add3A_1912], %div3A_1906 : memref<8192xf32, #tpu.memory_space<vmem>>[vector<16xi32>], vector<16xf32>,
      %div3A_1913 = arith.divf %add3A_1786, %add3A_1768 : vector<16xf32>
      %mul3A_1914 = arith.constant 16 : i32
      %mul3A_1915 = vector.broadcast %mul3A_1914 : i32 to vector<16xi32>
      %mul3A_1916 = arith.muli %add3A_69, %mul3A_1915 : vector<16xi32>
      %add3A_1917 = arith.constant 6 : i32
      %add3A_1918 = vector.broadcast %add3A_1917 : i32 to vector<16xi32>
      %add3A_1919 = arith.addi %mul3A_1916, %add3A_1918 : vector<16xi32>
      tpu.vector_store_idx %arg7[%add3A_1919], %div3A_1913 : memref<8192xf32, #tpu.memory_space<vmem>>[vector<16xi32>], vector<16xf32>,
      %div3A_1920 = arith.divf %add3A_1792, %add3A_1768 : vector<16xf32>
      %mul3A_1921 = arith.constant 16 : i32
      %mul3A_1922 = vector.broadcast %mul3A_1921 : i32 to vector<16xi32>
      %mul3A_1923 = arith.muli %add3A_69, %mul3A_1922 : vector<16xi32>
      %add3A_1924 = arith.constant 7 : i32
      %add3A_1925 = vector.broadcast %add3A_1924 : i32 to vector<16xi32>
      %add3A_1926 = arith.addi %mul3A_1923, %add3A_1925 : vector<16xi32>
      tpu.vector_store_idx %arg7[%add3A_1926], %div3A_1920 : memref<8192xf32, #tpu.memory_space<vmem>>[vector<16xi32>], vector<16xf32>,
      %div3A_1927 = arith.divf %add3A_1813, %add3A_1807 : vector<16xf32>
      %mul3A_1928 = arith.constant 16 : i32
      %mul3A_1929 = vector.broadcast %mul3A_1928 : i32 to vector<16xi32>
      %mul3A_1930 = arith.muli %add3A_69, %mul3A_1929 : vector<16xi32>
      %add3A_1931 = arith.constant 8 : i32
      %add3A_1932 = vector.broadcast %add3A_1931 : i32 to vector<16xi32>
      %add3A_1933 = arith.addi %mul3A_1930, %add3A_1932 : vector<16xi32>
      tpu.vector_store_idx %arg7[%add3A_1933], %div3A_1927 : memref<8192xf32, #tpu.memory_space<vmem>>[vector<16xi32>], vector<16xf32>,
      %div3A_1934 = arith.divf %add3A_1819, %add3A_1807 : vector<16xf32>
      %mul3A_1935 = arith.constant 16 : i32
      %mul3A_1936 = vector.broadcast %mul3A_1935 : i32 to vector<16xi32>
      %mul3A_1937 = arith.muli %add3A_69, %mul3A_1936 : vector<16xi32>
      %add3A_1938 = arith.constant 9 : i32
      %add3A_1939 = vector.broadcast %add3A_1938 : i32 to vector<16xi32>
      %add3A_1940 = arith.addi %mul3A_1937, %add3A_1939 : vector<16xi32>
      tpu.vector_store_idx %arg7[%add3A_1940], %div3A_1934 : memref<8192xf32, #tpu.memory_space<vmem>>[vector<16xi32>], vector<16xf32>,
      %div3A_1941 = arith.divf %add3A_1825, %add3A_1807 : vector<16xf32>
      %mul3A_1942 = arith.constant 16 : i32
      %mul3A_1943 = vector.broadcast %mul3A_1942 : i32 to vector<16xi32>
      %mul3A_1944 = arith.muli %add3A_69, %mul3A_1943 : vector<16xi32>
      %add3A_1945 = arith.constant 10 : i32
      %add3A_1946 = vector.broadcast %add3A_1945 : i32 to vector<16xi32>
      %add3A_1947 = arith.addi %mul3A_1944, %add3A_1946 : vector<16xi32>
      tpu.vector_store_idx %arg7[%add3A_1947], %div3A_1941 : memref<8192xf32, #tpu.memory_space<vmem>>[vector<16xi32>], vector<16xf32>,
      %div3A_1948 = arith.divf %add3A_1831, %add3A_1807 : vector<16xf32>
      %mul3A_1949 = arith.constant 16 : i32
      %mul3A_1950 = vector.broadcast %mul3A_1949 : i32 to vector<16xi32>
      %mul3A_1951 = arith.muli %add3A_69, %mul3A_1950 : vector<16xi32>
      %add3A_1952 = arith.constant 11 : i32
      %add3A_1953 = vector.broadcast %add3A_1952 : i32 to vector<16xi32>
      %add3A_1954 = arith.addi %mul3A_1951, %add3A_1953 : vector<16xi32>
      tpu.vector_store_idx %arg7[%add3A_1954], %div3A_1948 : memref<8192xf32, #tpu.memory_space<vmem>>[vector<16xi32>], vector<16xf32>,
      %div3A_1955 = arith.divf %add3A_1852, %add3A_1846 : vector<16xf32>
      %mul3A_1956 = arith.constant 16 : i32
      %mul3A_1957 = vector.broadcast %mul3A_1956 : i32 to vector<16xi32>
      %mul3A_1958 = arith.muli %add3A_69, %mul3A_1957 : vector<16xi32>
      %add3A_1959 = arith.constant 12 : i32
      %add3A_1960 = vector.broadcast %add3A_1959 : i32 to vector<16xi32>
      %add3A_1961 = arith.addi %mul3A_1958, %add3A_1960 : vector<16xi32>
      tpu.vector_store_idx %arg7[%add3A_1961], %div3A_1955 : memref<8192xf32, #tpu.memory_space<vmem>>[vector<16xi32>], vector<16xf32>,
      %div3A_1962 = arith.divf %add3A_1858, %add3A_1846 : vector<16xf32>
      %mul3A_1963 = arith.constant 16 : i32
      %mul3A_1964 = vector.broadcast %mul3A_1963 : i32 to vector<16xi32>
      %mul3A_1965 = arith.muli %add3A_69, %mul3A_1964 : vector<16xi32>
      %add3A_1966 = arith.constant 13 : i32
      %add3A_1967 = vector.broadcast %add3A_1966 : i32 to vector<16xi32>
      %add3A_1968 = arith.addi %mul3A_1965, %add3A_1967 : vector<16xi32>
      tpu.vector_store_idx %arg7[%add3A_1968], %div3A_1962 : memref<8192xf32, #tpu.memory_space<vmem>>[vector<16xi32>], vector<16xf32>,
      %div3A_1969 = arith.divf %add3A_1864, %add3A_1846 : vector<16xf32>
      %mul3A_1970 = arith.constant 16 : i32
      %mul3A_1971 = vector.broadcast %mul3A_1970 : i32 to vector<16xi32>
      %mul3A_1972 = arith.muli %add3A_69, %mul3A_1971 : vector<16xi32>
      %add3A_1973 = arith.constant 14 : i32
      %add3A_1974 = vector.broadcast %add3A_1973 : i32 to vector<16xi32>
      %add3A_1975 = arith.addi %mul3A_1972, %add3A_1974 : vector<16xi32>
      tpu.vector_store_idx %arg7[%add3A_1975], %div3A_1969 : memref<8192xf32, #tpu.memory_space<vmem>>[vector<16xi32>], vector<16xf32>,
      %div3A_1976 = arith.divf %add3A_1870, %add3A_1846 : vector<16xf32>
      %mul3A_1977 = arith.constant 16 : i32
      %mul3A_1978 = vector.broadcast %mul3A_1977 : i32 to vector<16xi32>
      %mul3A_1979 = arith.muli %add3A_69, %mul3A_1978 : vector<16xi32>
      %add3A_1980 = arith.constant 15 : i32
      %add3A_1981 = vector.broadcast %add3A_1980 : i32 to vector<16xi32>
      %add3A_1982 = arith.addi %mul3A_1979, %add3A_1981 : vector<16xi32>
      tpu.vector_store_idx %arg7[%add3A_1982], %div3A_1976 : memref<8192xf32, #tpu.memory_space<vmem>>[vector<16xi32>], vector<16xf32>,
      %scan3A_1983 = arith.constant 0 : i32
      scf.yield %scan3A_1983 : i32
    }
    %scan3A_59 = arith.constant 32 : i32
    %mul3A_60 = arith.constant 512 : i32
    %mul3A_61 = arith.muli %select_n3A_30, %mul3A_60 : i32
    %mul3A_62 = arith.constant 16 : i32
    %mul3A_63 = arith.muli %mul3A_61, %mul3A_62 : i32
    "tpu.region"() ({
      %run_scoped3A_64 = tpu.sem_alloc : memref<!tpu.dma_semaphore, #tpu.memory_space<semaphore_mem>>
      %dma_start3A = tpu.memref_slice %arg4[%select_n3A, %mul3A_63] : memref<4x65536xf32, #tpu.memory_space<hbm>> -> memref<1x8192xf32, #tpu.memory_space<hbm>>
      %dma_start3A_65 = tpu.memref_squeeze %dma_start3A : memref<1x8192xf32, #tpu.memory_space<hbm>> -> memref<8192xf32, #tpu.memory_space<hbm>>
      %dma_start3A_66 = tpu.memref_slice %arg4[%select_n3A, %mul3A_63] : memref<4x65536xf32, #tpu.memory_space<hbm>> -> memref<1x8192xf32, #tpu.memory_space<hbm>>
      %dma_start3A_67 = tpu.memref_squeeze %dma_start3A_66 : memref<1x8192xf32, #tpu.memory_space<hbm>> -> memref<8192xf32, #tpu.memory_space<hbm>>
      tpu.enqueue_dma source(%arg7 : memref<8192xf32, #tpu.memory_space<vmem>>) target(%dma_start3A_67 : memref<8192xf32, #tpu.memory_space<hbm>>) target_semaphore(%run_scoped3A_64 : memref<!tpu.dma_semaphore, #tpu.memory_space<semaphore_mem>>)
      %dma_wait3A = tpu.memref_slice %arg4[%select_n3A, %mul3A_63] : memref<4x65536xf32, #tpu.memory_space<hbm>> -> memref<1x8192xf32, #tpu.memory_space<hbm>>
      %dma_wait3A_68 = tpu.memref_squeeze %dma_wait3A : memref<1x8192xf32, #tpu.memory_space<hbm>> -> memref<8192xf32, #tpu.memory_space<hbm>>
      %dma_wait3A_69 = tpu.memref_slice %arg4[%select_n3A, %mul3A_63] : memref<4x65536xf32, #tpu.memory_space<hbm>> -> memref<1x8192xf32, #tpu.memory_space<hbm>>
      %dma_wait3A_70 = tpu.memref_squeeze %dma_wait3A_69 : memref<1x8192xf32, #tpu.memory_space<hbm>> -> memref<8192xf32, #tpu.memory_space<hbm>>
      tpu.wait_dma2 semaphore(%run_scoped3A_64 : memref<!tpu.dma_semaphore, #tpu.memory_space<semaphore_mem>>) src(%arg7 : memref<8192xf32, #tpu.memory_space<vmem>>) dst(%dma_wait3A_70 : memref<8192xf32, #tpu.memory_space<hbm>>)
      tpu.yield
    }) : () -> ()
    return
  }
}

module attributes {stable_mosaic.version = 14 : i64} {
  func.func @_knn_body(%arg0: i32, %arg1: i32, %arg2: memref<1x4096x16xf32, #tpu.memory_space<vmem>>, %arg3: memref<1x256x16xf32, #tpu.memory_space<vmem>>, %arg4: memref<16x16xf32, #tpu.memory_space<vmem>>, %arg5: memref<4x4xf32, #tpu.memory_space<vmem>>, %arg6: memref<4x4xf32, #tpu.memory_space<vmem>>, %arg7: memref<1x8x256xi32, #tpu.memory_space<vmem>>, %arg8: memref<1x256x24xf32, #tpu.memory_space<vmem>>) attributes {dimension_semantics = [#tpu.dimension_semantics<arbitrary>, #tpu.dimension_semantics<arbitrary>], iteration_bounds = array<i64: 4, 16>, scalar_prefetch = 0 : i64, scratch_operands = 0 : i64, tpu.core_type = #tpu.core_type<tc>, window_params = [{transform_indices = @transform_0, window_bounds = array<i64: 1, 4096, 16>}, {transform_indices = @transform_1, window_bounds = array<i64: 1, 256, 16>}, {pipeline_mode = #tpu.pipeline_mode<synchronous>, transform_indices = @transform_2, window_bounds = array<i64: 16, 16>}, {pipeline_mode = #tpu.pipeline_mode<synchronous>, transform_indices = @transform_3, window_bounds = array<i64: 4, 4>}, {pipeline_mode = #tpu.pipeline_mode<synchronous>, transform_indices = @transform_4, window_bounds = array<i64: 4, 4>}, {transform_indices = @transform_5, window_bounds = array<i64: 1, 8, 256>}, {transform_indices = @transform_6, window_bounds = array<i64: 1, 256, 24>}]} {
    %get3A = arith.constant 0 : index
    %get3A_0 = arith.constant 0 : index
    %get3A_1 = arith.constant 0 : index
    %get3A_2 = vector.load %arg2[%get3A, %get3A_0, %get3A_1] : memref<1x4096x16xf32, #tpu.memory_space<vmem>>, vector<1x4096x16xf32>
    %get3A_3 = vector.shape_cast %get3A_2 : vector<1x4096x16xf32> to vector<4096x16xf32>
    %get3A_4 = arith.constant 0 : index
    %get3A_5 = arith.constant 0 : index
    %get3A_6 = arith.constant 0 : index
    %get3A_7 = vector.load %arg3[%get3A_4, %get3A_5, %get3A_6] : memref<1x256x16xf32, #tpu.memory_space<vmem>>, vector<1x256x16xf32>
    %get3A_8 = vector.shape_cast %get3A_7 : vector<1x256x16xf32> to vector<256x16xf32>
    %mul3A = arith.mulf %get3A_3, %get3A_3 : vector<4096x16xf32>
    %reduce_sum3A = arith.constant dense<0.000000e+00> : vector<4096xf32>
    %reduce_sum3A_9 = vector.multi_reduction <add>, %mul3A, %reduce_sum3A [1] : vector<4096x16xf32> to vector<4096xf32>
    %mul3A_10 = arith.mulf %get3A_8, %get3A_8 : vector<256x16xf32>
    %reduce_sum3A_11 = arith.constant dense<0.000000e+00> : vector<256xf32>
    %reduce_sum3A_12 = vector.multi_reduction <add>, %mul3A_10, %reduce_sum3A_11 [1] : vector<256x16xf32> to vector<256xf32>
    %dot_general3A = arith.constant dense<0.000000e+00> : vector<256x4096xf32>
    %dot_general3A_13 = tpu.matmul %get3A_8, %get3A_3, %dot_general3A {dimension_numbers = #tpu.dot_dimension_numbers<[1], [1], [0], [0], [0, 0, 1, 0], [], []>, transpose_lhs_hint = false} : vector<256x16xf32>, vector<4096x16xf32>, vector<256x4096xf32> -> vector<256x4096xf32>
    %broadcast_in_dim3A = vector.shape_cast %reduce_sum3A_12 : vector<256xf32> to vector<256x1xf32>
    %broadcast_in_dim3A_14 = vector.shape_cast %reduce_sum3A_9 : vector<4096xf32> to vector<1x4096xf32>
    %add3A = vector.broadcast %broadcast_in_dim3A : vector<256x1xf32> to vector<256x4096xf32>
    %add3A_15 = vector.broadcast %broadcast_in_dim3A_14 : vector<1x4096xf32> to vector<256x4096xf32>
    %add3A_16 = arith.addf %add3A, %add3A_15 : vector<256x4096xf32>
    %mul3A_17 = arith.constant 2.000000e+00 : f32
    %mul3A_18 = vector.broadcast %mul3A_17 : f32 to vector<256x4096xf32>
    %mul3A_19 = arith.mulf %mul3A_18, %dot_general3A_13 : vector<256x4096xf32>
    %sub3A = arith.subf %add3A_16, %mul3A_19 : vector<256x4096xf32>
    %iota3A = tpu.iota {dimensions = array<i32: 1>} : vector<256x4096xi32>
    %mul3A_20 = arith.constant 256 : i32
    %mul3A_21 = arith.muli %arg1, %mul3A_20 : i32
    %iota3A_22 = tpu.iota {dimensions = array<i32: 0>} : vector<256x4096xi32>
    %add3A_23 = vector.broadcast %mul3A_21 : i32 to vector<256x4096xi32>
    %add3A_24 = arith.addi %add3A_23, %iota3A_22 : vector<256x4096xi32>
    %add3A_25 = arith.constant 1.000000e+00 : f32
    %add3A_26 = vector.broadcast %add3A_25 : f32 to vector<256x4096xf32>
    %add3A_27 = arith.addf %sub3A, %add3A_26 : vector<256x4096xf32>
    %bitcast_convert_type3A = tpu.bitcast %add3A_27 : vector<256x4096xf32> -> vector<256x4096xi32>
    %and3A = arith.constant -4096 : i32
    %and3A_28 = vector.broadcast %and3A : i32 to vector<256x4096xi32>
    %and3A_29 = arith.andi %bitcast_convert_type3A, %and3A_28 : vector<256x4096xi32>
    %or3A = arith.ori %and3A_29, %iota3A : vector<256x4096xi32>
    %bitcast_convert_type3A_30 = tpu.bitcast %or3A : vector<256x4096xi32> -> vector<256x4096xf32>
    %eq3A = arith.cmpi eq, %iota3A, %add3A_24 : vector<256x4096xi32>
    %jit3A = arith.constant 3.40282347E+38 : f32
    %broadcast_in_dim3A_31 = vector.broadcast %jit3A : f32 to vector<256x4096xf32>
    %select_n3A = arith.select %eq3A, %broadcast_in_dim3A_31, %bitcast_convert_type3A_30 : vector<256x4096xi1>, vector<256x4096xf32>
    %reduce_min3A = arith.constant dense<0x7F800000> : vector<256xf32>
    %reduce_min3A_32 = vector.multi_reduction <minimumf>, %select_n3A, %reduce_min3A [1] : vector<256x4096xf32> to vector<256xf32>
    %broadcast_in_dim3A_33 = vector.shape_cast %reduce_min3A_32 : vector<256xf32> to vector<256x1xf32>
    %squeeze3A = vector.shape_cast %broadcast_in_dim3A_33 : vector<256x1xf32> to vector<256xf32>
    %bitcast_convert_type3A_34 = tpu.bitcast %squeeze3A : vector<256xf32> -> vector<256xi32>
    %and3A_35 = arith.constant 4095 : i32
    %and3A_36 = vector.broadcast %and3A_35 : i32 to vector<256xi32>
    %and3A_37 = arith.andi %bitcast_convert_type3A_34, %and3A_36 : vector<256xi32>
    %swap3A = arith.constant 0 : index
    %swap3A_38 = arith.constant 0 : index
    %swap3A_39 = arith.constant 0 : index
    %swap3A_40 = vector.load %arg7[%swap3A, %swap3A_38, %swap3A_39] : memref<1x8x256xi32, #tpu.memory_space<vmem>>, vector<1x1x256xi32>
    %swap3A_41 = vector.shape_cast %swap3A_40 : vector<1x1x256xi32> to vector<256xi32>
    %swap3A_42 = vector.shape_cast %and3A_37 : vector<256xi32> to vector<1x1x256xi32>
    tpu.vector_store %arg7[%swap3A, %swap3A_38, %swap3A_39], %swap3A_42 {strides = array<i32>} : memref<1x8x256xi32, #tpu.memory_space<vmem>>, vector<1x1x256xi32>,
    %gt3A = vector.broadcast %broadcast_in_dim3A_33 : vector<256x1xf32> to vector<256x4096xf32>
    %gt3A_43 = arith.cmpf ogt, %select_n3A, %gt3A : vector<256x4096xf32>
    %jit3A_44 = arith.constant 3.40282347E+38 : f32
    %broadcast_in_dim3A_45 = vector.broadcast %jit3A_44 : f32 to vector<256x4096xf32>
    %select_n3A_46 = arith.select %gt3A_43, %select_n3A, %broadcast_in_dim3A_45 : vector<256x4096xi1>, vector<256x4096xf32>
    %reduce_min3A_47 = arith.constant dense<0x7F800000> : vector<256xf32>
    %reduce_min3A_48 = vector.multi_reduction <minimumf>, %select_n3A_46, %reduce_min3A_47 [1] : vector<256x4096xf32> to vector<256xf32>
    %broadcast_in_dim3A_49 = vector.shape_cast %reduce_min3A_48 : vector<256xf32> to vector<256x1xf32>
    %squeeze3A_50 = vector.shape_cast %broadcast_in_dim3A_49 : vector<256x1xf32> to vector<256xf32>
    %bitcast_convert_type3A_51 = tpu.bitcast %squeeze3A_50 : vector<256xf32> -> vector<256xi32>
    %and3A_52 = arith.constant 4095 : i32
    %and3A_53 = vector.broadcast %and3A_52 : i32 to vector<256xi32>
    %and3A_54 = arith.andi %bitcast_convert_type3A_51, %and3A_53 : vector<256xi32>
    %swap3A_55 = arith.constant 0 : index
    %swap3A_56 = arith.constant 1 : index
    %swap3A_57 = arith.constant 0 : index
    %swap3A_58 = vector.load %arg7[%swap3A_55, %swap3A_56, %swap3A_57] : memref<1x8x256xi32, #tpu.memory_space<vmem>>, vector<1x1x256xi32>
    %swap3A_59 = vector.shape_cast %swap3A_58 : vector<1x1x256xi32> to vector<256xi32>
    %swap3A_60 = vector.shape_cast %and3A_54 : vector<256xi32> to vector<1x1x256xi32>
    tpu.vector_store %arg7[%swap3A_55, %swap3A_56, %swap3A_57], %swap3A_60 {strides = array<i32>} : memref<1x8x256xi32, #tpu.memory_space<vmem>>, vector<1x1x256xi32>,
    %gt3A_61 = vector.broadcast %broadcast_in_dim3A_49 : vector<256x1xf32> to vector<256x4096xf32>
    %gt3A_62 = arith.cmpf ogt, %select_n3A, %gt3A_61 : vector<256x4096xf32>
    %jit3A_63 = arith.constant 3.40282347E+38 : f32
    %broadcast_in_dim3A_64 = vector.broadcast %jit3A_63 : f32 to vector<256x4096xf32>
    %select_n3A_65 = arith.select %gt3A_62, %select_n3A, %broadcast_in_dim3A_64 : vector<256x4096xi1>, vector<256x4096xf32>
    %reduce_min3A_66 = arith.constant dense<0x7F800000> : vector<256xf32>
    %reduce_min3A_67 = vector.multi_reduction <minimumf>, %select_n3A_65, %reduce_min3A_66 [1] : vector<256x4096xf32> to vector<256xf32>
    %broadcast_in_dim3A_68 = vector.shape_cast %reduce_min3A_67 : vector<256xf32> to vector<256x1xf32>
    %squeeze3A_69 = vector.shape_cast %broadcast_in_dim3A_68 : vector<256x1xf32> to vector<256xf32>
    %bitcast_convert_type3A_70 = tpu.bitcast %squeeze3A_69 : vector<256xf32> -> vector<256xi32>
    %and3A_71 = arith.constant 4095 : i32
    %and3A_72 = vector.broadcast %and3A_71 : i32 to vector<256xi32>
    %and3A_73 = arith.andi %bitcast_convert_type3A_70, %and3A_72 : vector<256xi32>
    %swap3A_74 = arith.constant 0 : index
    %swap3A_75 = arith.constant 2 : index
    %swap3A_76 = arith.constant 0 : index
    %swap3A_77 = vector.load %arg7[%swap3A_74, %swap3A_75, %swap3A_76] : memref<1x8x256xi32, #tpu.memory_space<vmem>>, vector<1x1x256xi32>
    %swap3A_78 = vector.shape_cast %swap3A_77 : vector<1x1x256xi32> to vector<256xi32>
    %swap3A_79 = vector.shape_cast %and3A_73 : vector<256xi32> to vector<1x1x256xi32>
    tpu.vector_store %arg7[%swap3A_74, %swap3A_75, %swap3A_76], %swap3A_79 {strides = array<i32>} : memref<1x8x256xi32, #tpu.memory_space<vmem>>, vector<1x1x256xi32>,
    %gt3A_80 = vector.broadcast %broadcast_in_dim3A_68 : vector<256x1xf32> to vector<256x4096xf32>
    %gt3A_81 = arith.cmpf ogt, %select_n3A, %gt3A_80 : vector<256x4096xf32>
    %jit3A_82 = arith.constant 3.40282347E+38 : f32
    %broadcast_in_dim3A_83 = vector.broadcast %jit3A_82 : f32 to vector<256x4096xf32>
    %select_n3A_84 = arith.select %gt3A_81, %select_n3A, %broadcast_in_dim3A_83 : vector<256x4096xi1>, vector<256x4096xf32>
    %reduce_min3A_85 = arith.constant dense<0x7F800000> : vector<256xf32>
    %reduce_min3A_86 = vector.multi_reduction <minimumf>, %select_n3A_84, %reduce_min3A_85 [1] : vector<256x4096xf32> to vector<256xf32>
    %broadcast_in_dim3A_87 = vector.shape_cast %reduce_min3A_86 : vector<256xf32> to vector<256x1xf32>
    %squeeze3A_88 = vector.shape_cast %broadcast_in_dim3A_87 : vector<256x1xf32> to vector<256xf32>
    %bitcast_convert_type3A_89 = tpu.bitcast %squeeze3A_88 : vector<256xf32> -> vector<256xi32>
    %and3A_90 = arith.constant 4095 : i32
    %and3A_91 = vector.broadcast %and3A_90 : i32 to vector<256xi32>
    %and3A_92 = arith.andi %bitcast_convert_type3A_89, %and3A_91 : vector<256xi32>
    %swap3A_93 = arith.constant 0 : index
    %swap3A_94 = arith.constant 3 : index
    %swap3A_95 = arith.constant 0 : index
    %swap3A_96 = vector.load %arg7[%swap3A_93, %swap3A_94, %swap3A_95] : memref<1x8x256xi32, #tpu.memory_space<vmem>>, vector<1x1x256xi32>
    %swap3A_97 = vector.shape_cast %swap3A_96 : vector<1x1x256xi32> to vector<256xi32>
    %swap3A_98 = vector.shape_cast %and3A_92 : vector<256xi32> to vector<1x1x256xi32>
    tpu.vector_store %arg7[%swap3A_93, %swap3A_94, %swap3A_95], %swap3A_98 {strides = array<i32>} : memref<1x8x256xi32, #tpu.memory_space<vmem>>, vector<1x1x256xi32>,
    %gt3A_99 = vector.broadcast %broadcast_in_dim3A_87 : vector<256x1xf32> to vector<256x4096xf32>
    %gt3A_100 = arith.cmpf ogt, %select_n3A, %gt3A_99 : vector<256x4096xf32>
    %jit3A_101 = arith.constant 3.40282347E+38 : f32
    %broadcast_in_dim3A_102 = vector.broadcast %jit3A_101 : f32 to vector<256x4096xf32>
    %select_n3A_103 = arith.select %gt3A_100, %select_n3A, %broadcast_in_dim3A_102 : vector<256x4096xi1>, vector<256x4096xf32>
    %reduce_min3A_104 = arith.constant dense<0x7F800000> : vector<256xf32>
    %reduce_min3A_105 = vector.multi_reduction <minimumf>, %select_n3A_103, %reduce_min3A_104 [1] : vector<256x4096xf32> to vector<256xf32>
    %broadcast_in_dim3A_106 = vector.shape_cast %reduce_min3A_105 : vector<256xf32> to vector<256x1xf32>
    %squeeze3A_107 = vector.shape_cast %broadcast_in_dim3A_106 : vector<256x1xf32> to vector<256xf32>
    %bitcast_convert_type3A_108 = tpu.bitcast %squeeze3A_107 : vector<256xf32> -> vector<256xi32>
    %and3A_109 = arith.constant 4095 : i32
    %and3A_110 = vector.broadcast %and3A_109 : i32 to vector<256xi32>
    %and3A_111 = arith.andi %bitcast_convert_type3A_108, %and3A_110 : vector<256xi32>
    %swap3A_112 = arith.constant 0 : index
    %swap3A_113 = arith.constant 4 : index
    %swap3A_114 = arith.constant 0 : index
    %swap3A_115 = vector.load %arg7[%swap3A_112, %swap3A_113, %swap3A_114] : memref<1x8x256xi32, #tpu.memory_space<vmem>>, vector<1x1x256xi32>
    %swap3A_116 = vector.shape_cast %swap3A_115 : vector<1x1x256xi32> to vector<256xi32>
    %swap3A_117 = vector.shape_cast %and3A_111 : vector<256xi32> to vector<1x1x256xi32>
    tpu.vector_store %arg7[%swap3A_112, %swap3A_113, %swap3A_114], %swap3A_117 {strides = array<i32>} : memref<1x8x256xi32, #tpu.memory_space<vmem>>, vector<1x1x256xi32>,
    %gt3A_118 = vector.broadcast %broadcast_in_dim3A_106 : vector<256x1xf32> to vector<256x4096xf32>
    %gt3A_119 = arith.cmpf ogt, %select_n3A, %gt3A_118 : vector<256x4096xf32>
    %jit3A_120 = arith.constant 3.40282347E+38 : f32
    %broadcast_in_dim3A_121 = vector.broadcast %jit3A_120 : f32 to vector<256x4096xf32>
    %select_n3A_122 = arith.select %gt3A_119, %select_n3A, %broadcast_in_dim3A_121 : vector<256x4096xi1>, vector<256x4096xf32>
    %reduce_min3A_123 = arith.constant dense<0x7F800000> : vector<256xf32>
    %reduce_min3A_124 = vector.multi_reduction <minimumf>, %select_n3A_122, %reduce_min3A_123 [1] : vector<256x4096xf32> to vector<256xf32>
    %broadcast_in_dim3A_125 = vector.shape_cast %reduce_min3A_124 : vector<256xf32> to vector<256x1xf32>
    %squeeze3A_126 = vector.shape_cast %broadcast_in_dim3A_125 : vector<256x1xf32> to vector<256xf32>
    %bitcast_convert_type3A_127 = tpu.bitcast %squeeze3A_126 : vector<256xf32> -> vector<256xi32>
    %and3A_128 = arith.constant 4095 : i32
    %and3A_129 = vector.broadcast %and3A_128 : i32 to vector<256xi32>
    %and3A_130 = arith.andi %bitcast_convert_type3A_127, %and3A_129 : vector<256xi32>
    %swap3A_131 = arith.constant 0 : index
    %swap3A_132 = arith.constant 5 : index
    %swap3A_133 = arith.constant 0 : index
    %swap3A_134 = vector.load %arg7[%swap3A_131, %swap3A_132, %swap3A_133] : memref<1x8x256xi32, #tpu.memory_space<vmem>>, vector<1x1x256xi32>
    %swap3A_135 = vector.shape_cast %swap3A_134 : vector<1x1x256xi32> to vector<256xi32>
    %swap3A_136 = vector.shape_cast %and3A_130 : vector<256xi32> to vector<1x1x256xi32>
    tpu.vector_store %arg7[%swap3A_131, %swap3A_132, %swap3A_133], %swap3A_136 {strides = array<i32>} : memref<1x8x256xi32, #tpu.memory_space<vmem>>, vector<1x1x256xi32>,
    %gt3A_137 = vector.broadcast %broadcast_in_dim3A_125 : vector<256x1xf32> to vector<256x4096xf32>
    %gt3A_138 = arith.cmpf ogt, %select_n3A, %gt3A_137 : vector<256x4096xf32>
    %jit3A_139 = arith.constant 3.40282347E+38 : f32
    %broadcast_in_dim3A_140 = vector.broadcast %jit3A_139 : f32 to vector<256x4096xf32>
    %select_n3A_141 = arith.select %gt3A_138, %select_n3A, %broadcast_in_dim3A_140 : vector<256x4096xi1>, vector<256x4096xf32>
    %reduce_min3A_142 = arith.constant dense<0x7F800000> : vector<256xf32>
    %reduce_min3A_143 = vector.multi_reduction <minimumf>, %select_n3A_141, %reduce_min3A_142 [1] : vector<256x4096xf32> to vector<256xf32>
    %broadcast_in_dim3A_144 = vector.shape_cast %reduce_min3A_143 : vector<256xf32> to vector<256x1xf32>
    %squeeze3A_145 = vector.shape_cast %broadcast_in_dim3A_144 : vector<256x1xf32> to vector<256xf32>
    %bitcast_convert_type3A_146 = tpu.bitcast %squeeze3A_145 : vector<256xf32> -> vector<256xi32>
    %and3A_147 = arith.constant 4095 : i32
    %and3A_148 = vector.broadcast %and3A_147 : i32 to vector<256xi32>
    %and3A_149 = arith.andi %bitcast_convert_type3A_146, %and3A_148 : vector<256xi32>
    %swap3A_150 = arith.constant 0 : index
    %swap3A_151 = arith.constant 6 : index
    %swap3A_152 = arith.constant 0 : index
    %swap3A_153 = vector.load %arg7[%swap3A_150, %swap3A_151, %swap3A_152] : memref<1x8x256xi32, #tpu.memory_space<vmem>>, vector<1x1x256xi32>
    %swap3A_154 = vector.shape_cast %swap3A_153 : vector<1x1x256xi32> to vector<256xi32>
    %swap3A_155 = vector.shape_cast %and3A_149 : vector<256xi32> to vector<1x1x256xi32>
    tpu.vector_store %arg7[%swap3A_150, %swap3A_151, %swap3A_152], %swap3A_155 {strides = array<i32>} : memref<1x8x256xi32, #tpu.memory_space<vmem>>, vector<1x1x256xi32>,
    %gt3A_156 = vector.broadcast %broadcast_in_dim3A_144 : vector<256x1xf32> to vector<256x4096xf32>
    %gt3A_157 = arith.cmpf ogt, %select_n3A, %gt3A_156 : vector<256x4096xf32>
    %jit3A_158 = arith.constant 3.40282347E+38 : f32
    %broadcast_in_dim3A_159 = vector.broadcast %jit3A_158 : f32 to vector<256x4096xf32>
    %select_n3A_160 = arith.select %gt3A_157, %select_n3A, %broadcast_in_dim3A_159 : vector<256x4096xi1>, vector<256x4096xf32>
    %reduce_min3A_161 = arith.constant dense<0x7F800000> : vector<256xf32>
    %reduce_min3A_162 = vector.multi_reduction <minimumf>, %select_n3A_160, %reduce_min3A_161 [1] : vector<256x4096xf32> to vector<256xf32>
    %broadcast_in_dim3A_163 = vector.shape_cast %reduce_min3A_162 : vector<256xf32> to vector<256x1xf32>
    %squeeze3A_164 = vector.shape_cast %broadcast_in_dim3A_163 : vector<256x1xf32> to vector<256xf32>
    %bitcast_convert_type3A_165 = tpu.bitcast %squeeze3A_164 : vector<256xf32> -> vector<256xi32>
    %and3A_166 = arith.constant 4095 : i32
    %and3A_167 = vector.broadcast %and3A_166 : i32 to vector<256xi32>
    %and3A_168 = arith.andi %bitcast_convert_type3A_165, %and3A_167 : vector<256xi32>
    %swap3A_169 = arith.constant 0 : index
    %swap3A_170 = arith.constant 7 : index
    %swap3A_171 = arith.constant 0 : index
    %swap3A_172 = vector.load %arg7[%swap3A_169, %swap3A_170, %swap3A_171] : memref<1x8x256xi32, #tpu.memory_space<vmem>>, vector<1x1x256xi32>
    %swap3A_173 = vector.shape_cast %swap3A_172 : vector<1x1x256xi32> to vector<256xi32>
    %swap3A_174 = vector.shape_cast %and3A_168 : vector<256xi32> to vector<1x1x256xi32>
    tpu.vector_store %arg7[%swap3A_169, %swap3A_170, %swap3A_171], %swap3A_174 {strides = array<i32>} : memref<1x8x256xi32, #tpu.memory_space<vmem>>, vector<1x1x256xi32>,
    %get3A_175 = arith.constant 0 : index
    %get3A_176 = arith.constant 0 : index
    %get3A_177 = vector.load %arg4[%get3A_175, %get3A_176] : memref<16x16xf32, #tpu.memory_space<vmem>>, vector<16x16xf32>
    %dot_general3A_178 = arith.constant dense<0.000000e+00> : vector<256x16xf32>
    %dot_general3A_179 = tpu.matmul %get3A_8, %get3A_177, %dot_general3A_178 {dimension_numbers = #tpu.dot_dimension_numbers<[1], [0], [0], [1], [0, 0, 1, 1], [], []>, transpose_lhs_hint = false} : vector<256x16xf32>, vector<16x16xf32>, vector<256x16xf32> -> vector<256x16xf32>
    %reshape3A = vector.shape_cast %dot_general3A_179 : vector<256x16xf32> to vector<256x4x4xf32>
    %get3A_180 = arith.constant 0 : index
    %get3A_181 = arith.constant 0 : index
    %get3A_182 = vector.load %arg5[%get3A_180, %get3A_181] : memref<4x4xf32, #tpu.memory_space<vmem>>, vector<4x4xf32>
    %broadcast_in_dim3A_183 = vector.shape_cast %get3A_182 : vector<4x4xf32> to vector<1x4x4xf32>
    %mul3A_184 = vector.broadcast %broadcast_in_dim3A_183 : vector<1x4x4xf32> to vector<256x4x4xf32>
    %mul3A_185 = arith.mulf %reshape3A, %mul3A_184 : vector<256x4x4xf32>
    %reduce_sum3A_186 = arith.constant dense<0.000000e+00> : vector<256x4xf32>
    %reduce_sum3A_187 = vector.multi_reduction <add>, %mul3A_185, %reduce_sum3A_186 [2] : vector<256x4x4xf32> to vector<256x4xf32>
    %reshape3A_188 = vector.shape_cast %dot_general3A_179 : vector<256x16xf32> to vector<256x4x4xf32>
    %get3A_189 = arith.constant 0 : index
    %get3A_190 = arith.constant 0 : index
    %get3A_191 = vector.load %arg6[%get3A_189, %get3A_190] : memref<4x4xf32, #tpu.memory_space<vmem>>, vector<4x4xf32>
    %broadcast_in_dim3A_192 = vector.shape_cast %get3A_191 : vector<4x4xf32> to vector<1x4x4xf32>
    %mul3A_193 = vector.broadcast %broadcast_in_dim3A_192 : vector<1x4x4xf32> to vector<256x4x4xf32>
    %mul3A_194 = arith.mulf %reshape3A_188, %mul3A_193 : vector<256x4x4xf32>
    %reduce_sum3A_195 = arith.constant dense<0.000000e+00> : vector<256x4xf32>
    %reduce_sum3A_196 = vector.multi_reduction <add>, %mul3A_194, %reduce_sum3A_195 [2] : vector<256x4x4xf32> to vector<256x4xf32>
    %concatenate3A = tpu.concatenate %dot_general3A_179, %reduce_sum3A_187, %reduce_sum3A_196 in 1 : vector<256x16xf32>, vector<256x4xf32>, vector<256x4xf32> -> vector<256x24xf32>
    %swap3A_197 = arith.constant 0 : index
    %swap3A_198 = arith.constant 0 : index
    %swap3A_199 = arith.constant 0 : index
    %swap3A_200 = vector.load %arg8[%swap3A_197, %swap3A_198, %swap3A_199] : memref<1x256x24xf32, #tpu.memory_space<vmem>>, vector<1x256x24xf32>
    %swap3A_201 = vector.shape_cast %swap3A_200 : vector<1x256x24xf32> to vector<256x24xf32>
    %swap3A_202 = vector.shape_cast %concatenate3A : vector<256x24xf32> to vector<1x256x24xf32>
    tpu.vector_store %arg8[%swap3A_197, %swap3A_198, %swap3A_199], %swap3A_202 {strides = array<i32>} : memref<1x256x24xf32, #tpu.memory_space<vmem>>, vector<1x256x24xf32>,
    return
  }
  func.func @transform_0(%arg0: i32, %arg1: i32) -> (i32, i32, i32) {
    %c0_i32 = arith.constant 0 : i32
    %c0_i32_0 = arith.constant 0 : i32
    %c0_i32_1 = arith.constant 0 : i32
    return %arg0, %c0_i32, %c0_i32_0 : i32, i32, i32
  }
  func.func @transform_1(%arg0: i32, %arg1: i32) -> (i32, i32, i32) {
    %c0_i32 = arith.constant 0 : i32
    %c0_i32_0 = arith.constant 0 : i32
    return %arg0, %arg1, %c0_i32 : i32, i32, i32
  }
  func.func @transform_2(%arg0: i32, %arg1: i32) -> (i32, i32) {
    %c0_i32 = arith.constant 0 : i32
    %c0_i32_0 = arith.constant 0 : i32
    %c0_i32_1 = arith.constant 0 : i32
    return %c0_i32, %c0_i32_0 : i32, i32
  }
  func.func @transform_3(%arg0: i32, %arg1: i32) -> (i32, i32) {
    %c0_i32 = arith.constant 0 : i32
    %c0_i32_0 = arith.constant 0 : i32
    %c0_i32_1 = arith.constant 0 : i32
    return %c0_i32, %c0_i32_0 : i32, i32
  }
  func.func @transform_4(%arg0: i32, %arg1: i32) -> (i32, i32) {
    %c0_i32 = arith.constant 0 : i32
    %c0_i32_0 = arith.constant 0 : i32
    %c0_i32_1 = arith.constant 0 : i32
    return %c0_i32, %c0_i32_0 : i32, i32
  }
  func.func @transform_5(%arg0: i32, %arg1: i32) -> (i32, i32, i32) {
    %c0_i32 = arith.constant 0 : i32
    %c0_i32_0 = arith.constant 0 : i32
    return %arg0, %c0_i32, %arg1 : i32, i32, i32
  }
  func.func @transform_6(%arg0: i32, %arg1: i32) -> (i32, i32, i32) {
    %c0_i32 = arith.constant 0 : i32
    %c0_i32_0 = arith.constant 0 : i32
    return %arg0, %arg1, %c0_i32 : i32, i32, i32
  }
}

module attributes {stable_mosaic.version = 14 : i64} {
  func.func @_conv_body(%arg0: i32, %arg1: memref<1x1x64x64xf32, #tpu.memory_space<vmem>>, %arg2: memref<9x64xf32, #tpu.memory_space<vmem>>, %arg3: memref<1x64xf32, #tpu.memory_space<vmem>>, %arg4: memref<9x64x16xf32, #tpu.memory_space<vmem>>, %arg5: memref<1x16xf32, #tpu.memory_space<vmem>>, %arg6: memref<1x4096x16xf32, #tpu.memory_space<vmem>>, %arg7: memref<66x66xf32, #tpu.memory_space<vmem>>, %arg8: memref<66x66x64xf32, #tpu.memory_space<vmem>>) attributes {dimension_semantics = [#tpu.dimension_semantics<arbitrary>], iteration_bounds = array<i64: 4>, scalar_prefetch = 0 : i64, scratch_operands = 2 : i64, tpu.core_type = #tpu.core_type<tc>, window_params = [{transform_indices = @transform_0, window_bounds = array<i64: 1, 1, 64, 64>}, {pipeline_mode = #tpu.pipeline_mode<synchronous>, transform_indices = @transform_1, window_bounds = array<i64: 9, 64>}, {pipeline_mode = #tpu.pipeline_mode<synchronous>, transform_indices = @transform_2, window_bounds = array<i64: 1, 64>}, {pipeline_mode = #tpu.pipeline_mode<synchronous>, transform_indices = @transform_3, window_bounds = array<i64: 9, 64, 16>}, {pipeline_mode = #tpu.pipeline_mode<synchronous>, transform_indices = @transform_4, window_bounds = array<i64: 1, 16>}, {transform_indices = @transform_5, window_bounds = array<i64: 1, 4096, 16>}]} {
    %broadcast_in_dim3A = arith.constant 0.000000e+00 : f32
    %broadcast_in_dim3A_0 = vector.broadcast %broadcast_in_dim3A : f32 to vector<66x66xf32>
    %swap3A = arith.constant 0 : index
    %swap3A_1 = arith.constant 0 : index
    %swap3A_2 = vector.load %arg7[%swap3A, %swap3A_1] : memref<66x66xf32, #tpu.memory_space<vmem>>, vector<66x66xf32>
    tpu.vector_store %arg7[%swap3A, %swap3A_1], %broadcast_in_dim3A_0 {strides = array<i32>} : memref<66x66xf32, #tpu.memory_space<vmem>>, vector<66x66xf32>,
    %get3A = arith.constant 0 : index
    %get3A_3 = arith.constant 0 : index
    %get3A_4 = arith.constant 0 : index
    %get3A_5 = arith.constant 0 : index
    %get3A_6 = vector.load %arg1[%get3A, %get3A_3, %get3A_4, %get3A_5] : memref<1x1x64x64xf32, #tpu.memory_space<vmem>>, vector<1x1x64x64xf32>
    %get3A_7 = vector.shape_cast %get3A_6 : vector<1x1x64x64xf32> to vector<64x64xf32>
    %swap3A_8 = arith.constant 1 : index
    %swap3A_9 = arith.constant 1 : index
    %swap3A_10 = vector.load %arg7[%swap3A_8, %swap3A_9] : memref<66x66xf32, #tpu.memory_space<vmem>>, vector<64x64xf32>
    tpu.vector_store %arg7[%swap3A_8, %swap3A_9], %get3A_7 {strides = array<i32>} : memref<66x66xf32, #tpu.memory_space<vmem>>, vector<64x64xf32>,
    %get3A_11 = arith.constant 0 : index
    %get3A_12 = arith.constant 0 : index
    %get3A_13 = vector.load %arg3[%get3A_11, %get3A_12] : memref<1x64xf32, #tpu.memory_space<vmem>>, vector<1x64xf32>
    %get3A_14 = vector.shape_cast %get3A_13 : vector<1x64xf32> to vector<64xf32>
    %broadcast_in_dim3A_15 = vector.shape_cast %get3A_14 : vector<64xf32> to vector<1x1x64xf32>
    %broadcast_in_dim3A_16 = vector.shape_cast %broadcast_in_dim3A_15 : vector<1x1x64xf32> to vector<1x1x64xf32>
    %broadcast_in_dim3A_17 = vector.broadcast %broadcast_in_dim3A_16 : vector<1x1x64xf32> to vector<64x64x64xf32>
    %get3A_18 = arith.constant 0 : index
    %get3A_19 = arith.constant 0 : index
    %get3A_20 = vector.load %arg7[%get3A_18, %get3A_19] : memref<66x66xf32, #tpu.memory_space<vmem>>, vector<64x64xf32>
    %broadcast_in_dim3A_21 = vector.shape_cast %get3A_20 : vector<64x64xf32> to vector<64x64x1xf32>
    %get3A_22 = arith.constant 0 : index
    %get3A_23 = arith.constant 0 : index
    %get3A_24 = vector.load %arg2[%get3A_22, %get3A_23] : memref<9x64xf32, #tpu.memory_space<vmem>>, vector<1x64xf32>
    %get3A_25 = vector.shape_cast %get3A_24 : vector<1x64xf32> to vector<64xf32>
    %broadcast_in_dim3A_26 = vector.shape_cast %get3A_25 : vector<64xf32> to vector<1x1x64xf32>
    %mul3A = vector.broadcast %broadcast_in_dim3A_21 : vector<64x64x1xf32> to vector<64x64x64xf32>
    %mul3A_27 = vector.broadcast %broadcast_in_dim3A_26 : vector<1x1x64xf32> to vector<64x64x64xf32>
    %mul3A_28 = arith.mulf %mul3A, %mul3A_27 : vector<64x64x64xf32>
    %add3A = arith.addf %broadcast_in_dim3A_17, %mul3A_28 : vector<64x64x64xf32>
    %get3A_29 = arith.constant 0 : index
    %get3A_30 = arith.constant 1 : index
    %get3A_31 = vector.load %arg7[%get3A_29, %get3A_30] : memref<66x66xf32, #tpu.memory_space<vmem>>, vector<64x64xf32>
    %broadcast_in_dim3A_32 = vector.shape_cast %get3A_31 : vector<64x64xf32> to vector<64x64x1xf32>
    %get3A_33 = arith.constant 1 : index
    %get3A_34 = arith.constant 0 : index
    %get3A_35 = vector.load %arg2[%get3A_33, %get3A_34] : memref<9x64xf32, #tpu.memory_space<vmem>>, vector<1x64xf32>
    %get3A_36 = vector.shape_cast %get3A_35 : vector<1x64xf32> to vector<64xf32>
    %broadcast_in_dim3A_37 = vector.shape_cast %get3A_36 : vector<64xf32> to vector<1x1x64xf32>
    %mul3A_38 = vector.broadcast %broadcast_in_dim3A_32 : vector<64x64x1xf32> to vector<64x64x64xf32>
    %mul3A_39 = vector.broadcast %broadcast_in_dim3A_37 : vector<1x1x64xf32> to vector<64x64x64xf32>
    %mul3A_40 = arith.mulf %mul3A_38, %mul3A_39 : vector<64x64x64xf32>
    %add3A_41 = arith.addf %add3A, %mul3A_40 : vector<64x64x64xf32>
    %get3A_42 = arith.constant 0 : index
    %get3A_43 = arith.constant 2 : index
    %get3A_44 = vector.load %arg7[%get3A_42, %get3A_43] : memref<66x66xf32, #tpu.memory_space<vmem>>, vector<64x64xf32>
    %broadcast_in_dim3A_45 = vector.shape_cast %get3A_44 : vector<64x64xf32> to vector<64x64x1xf32>
    %get3A_46 = arith.constant 2 : index
    %get3A_47 = arith.constant 0 : index
    %get3A_48 = vector.load %arg2[%get3A_46, %get3A_47] : memref<9x64xf32, #tpu.memory_space<vmem>>, vector<1x64xf32>
    %get3A_49 = vector.shape_cast %get3A_48 : vector<1x64xf32> to vector<64xf32>
    %broadcast_in_dim3A_50 = vector.shape_cast %get3A_49 : vector<64xf32> to vector<1x1x64xf32>
    %mul3A_51 = vector.broadcast %broadcast_in_dim3A_45 : vector<64x64x1xf32> to vector<64x64x64xf32>
    %mul3A_52 = vector.broadcast %broadcast_in_dim3A_50 : vector<1x1x64xf32> to vector<64x64x64xf32>
    %mul3A_53 = arith.mulf %mul3A_51, %mul3A_52 : vector<64x64x64xf32>
    %add3A_54 = arith.addf %add3A_41, %mul3A_53 : vector<64x64x64xf32>
    %get3A_55 = arith.constant 1 : index
    %get3A_56 = arith.constant 0 : index
    %get3A_57 = vector.load %arg7[%get3A_55, %get3A_56] : memref<66x66xf32, #tpu.memory_space<vmem>>, vector<64x64xf32>
    %broadcast_in_dim3A_58 = vector.shape_cast %get3A_57 : vector<64x64xf32> to vector<64x64x1xf32>
    %get3A_59 = arith.constant 3 : index
    %get3A_60 = arith.constant 0 : index
    %get3A_61 = vector.load %arg2[%get3A_59, %get3A_60] : memref<9x64xf32, #tpu.memory_space<vmem>>, vector<1x64xf32>
    %get3A_62 = vector.shape_cast %get3A_61 : vector<1x64xf32> to vector<64xf32>
    %broadcast_in_dim3A_63 = vector.shape_cast %get3A_62 : vector<64xf32> to vector<1x1x64xf32>
    %mul3A_64 = vector.broadcast %broadcast_in_dim3A_58 : vector<64x64x1xf32> to vector<64x64x64xf32>
    %mul3A_65 = vector.broadcast %broadcast_in_dim3A_63 : vector<1x1x64xf32> to vector<64x64x64xf32>
    %mul3A_66 = arith.mulf %mul3A_64, %mul3A_65 : vector<64x64x64xf32>
    %add3A_67 = arith.addf %add3A_54, %mul3A_66 : vector<64x64x64xf32>
    %get3A_68 = arith.constant 1 : index
    %get3A_69 = arith.constant 1 : index
    %get3A_70 = vector.load %arg7[%get3A_68, %get3A_69] : memref<66x66xf32, #tpu.memory_space<vmem>>, vector<64x64xf32>
    %broadcast_in_dim3A_71 = vector.shape_cast %get3A_70 : vector<64x64xf32> to vector<64x64x1xf32>
    %get3A_72 = arith.constant 4 : index
    %get3A_73 = arith.constant 0 : index
    %get3A_74 = vector.load %arg2[%get3A_72, %get3A_73] : memref<9x64xf32, #tpu.memory_space<vmem>>, vector<1x64xf32>
    %get3A_75 = vector.shape_cast %get3A_74 : vector<1x64xf32> to vector<64xf32>
    %broadcast_in_dim3A_76 = vector.shape_cast %get3A_75 : vector<64xf32> to vector<1x1x64xf32>
    %mul3A_77 = vector.broadcast %broadcast_in_dim3A_71 : vector<64x64x1xf32> to vector<64x64x64xf32>
    %mul3A_78 = vector.broadcast %broadcast_in_dim3A_76 : vector<1x1x64xf32> to vector<64x64x64xf32>
    %mul3A_79 = arith.mulf %mul3A_77, %mul3A_78 : vector<64x64x64xf32>
    %add3A_80 = arith.addf %add3A_67, %mul3A_79 : vector<64x64x64xf32>
    %get3A_81 = arith.constant 1 : index
    %get3A_82 = arith.constant 2 : index
    %get3A_83 = vector.load %arg7[%get3A_81, %get3A_82] : memref<66x66xf32, #tpu.memory_space<vmem>>, vector<64x64xf32>
    %broadcast_in_dim3A_84 = vector.shape_cast %get3A_83 : vector<64x64xf32> to vector<64x64x1xf32>
    %get3A_85 = arith.constant 5 : index
    %get3A_86 = arith.constant 0 : index
    %get3A_87 = vector.load %arg2[%get3A_85, %get3A_86] : memref<9x64xf32, #tpu.memory_space<vmem>>, vector<1x64xf32>
    %get3A_88 = vector.shape_cast %get3A_87 : vector<1x64xf32> to vector<64xf32>
    %broadcast_in_dim3A_89 = vector.shape_cast %get3A_88 : vector<64xf32> to vector<1x1x64xf32>
    %mul3A_90 = vector.broadcast %broadcast_in_dim3A_84 : vector<64x64x1xf32> to vector<64x64x64xf32>
    %mul3A_91 = vector.broadcast %broadcast_in_dim3A_89 : vector<1x1x64xf32> to vector<64x64x64xf32>
    %mul3A_92 = arith.mulf %mul3A_90, %mul3A_91 : vector<64x64x64xf32>
    %add3A_93 = arith.addf %add3A_80, %mul3A_92 : vector<64x64x64xf32>
    %get3A_94 = arith.constant 2 : index
    %get3A_95 = arith.constant 0 : index
    %get3A_96 = vector.load %arg7[%get3A_94, %get3A_95] : memref<66x66xf32, #tpu.memory_space<vmem>>, vector<64x64xf32>
    %broadcast_in_dim3A_97 = vector.shape_cast %get3A_96 : vector<64x64xf32> to vector<64x64x1xf32>
    %get3A_98 = arith.constant 6 : index
    %get3A_99 = arith.constant 0 : index
    %get3A_100 = vector.load %arg2[%get3A_98, %get3A_99] : memref<9x64xf32, #tpu.memory_space<vmem>>, vector<1x64xf32>
    %get3A_101 = vector.shape_cast %get3A_100 : vector<1x64xf32> to vector<64xf32>
    %broadcast_in_dim3A_102 = vector.shape_cast %get3A_101 : vector<64xf32> to vector<1x1x64xf32>
    %mul3A_103 = vector.broadcast %broadcast_in_dim3A_97 : vector<64x64x1xf32> to vector<64x64x64xf32>
    %mul3A_104 = vector.broadcast %broadcast_in_dim3A_102 : vector<1x1x64xf32> to vector<64x64x64xf32>
    %mul3A_105 = arith.mulf %mul3A_103, %mul3A_104 : vector<64x64x64xf32>
    %add3A_106 = arith.addf %add3A_93, %mul3A_105 : vector<64x64x64xf32>
    %get3A_107 = arith.constant 2 : index
    %get3A_108 = arith.constant 1 : index
    %get3A_109 = vector.load %arg7[%get3A_107, %get3A_108] : memref<66x66xf32, #tpu.memory_space<vmem>>, vector<64x64xf32>
    %broadcast_in_dim3A_110 = vector.shape_cast %get3A_109 : vector<64x64xf32> to vector<64x64x1xf32>
    %get3A_111 = arith.constant 7 : index
    %get3A_112 = arith.constant 0 : index
    %get3A_113 = vector.load %arg2[%get3A_111, %get3A_112] : memref<9x64xf32, #tpu.memory_space<vmem>>, vector<1x64xf32>
    %get3A_114 = vector.shape_cast %get3A_113 : vector<1x64xf32> to vector<64xf32>
    %broadcast_in_dim3A_115 = vector.shape_cast %get3A_114 : vector<64xf32> to vector<1x1x64xf32>
    %mul3A_116 = vector.broadcast %broadcast_in_dim3A_110 : vector<64x64x1xf32> to vector<64x64x64xf32>
    %mul3A_117 = vector.broadcast %broadcast_in_dim3A_115 : vector<1x1x64xf32> to vector<64x64x64xf32>
    %mul3A_118 = arith.mulf %mul3A_116, %mul3A_117 : vector<64x64x64xf32>
    %add3A_119 = arith.addf %add3A_106, %mul3A_118 : vector<64x64x64xf32>
    %get3A_120 = arith.constant 2 : index
    %get3A_121 = arith.constant 2 : index
    %get3A_122 = vector.load %arg7[%get3A_120, %get3A_121] : memref<66x66xf32, #tpu.memory_space<vmem>>, vector<64x64xf32>
    %broadcast_in_dim3A_123 = vector.shape_cast %get3A_122 : vector<64x64xf32> to vector<64x64x1xf32>
    %get3A_124 = arith.constant 8 : index
    %get3A_125 = arith.constant 0 : index
    %get3A_126 = vector.load %arg2[%get3A_124, %get3A_125] : memref<9x64xf32, #tpu.memory_space<vmem>>, vector<1x64xf32>
    %get3A_127 = vector.shape_cast %get3A_126 : vector<1x64xf32> to vector<64xf32>
    %broadcast_in_dim3A_128 = vector.shape_cast %get3A_127 : vector<64xf32> to vector<1x1x64xf32>
    %mul3A_129 = vector.broadcast %broadcast_in_dim3A_123 : vector<64x64x1xf32> to vector<64x64x64xf32>
    %mul3A_130 = vector.broadcast %broadcast_in_dim3A_128 : vector<1x1x64xf32> to vector<64x64x64xf32>
    %mul3A_131 = arith.mulf %mul3A_129, %mul3A_130 : vector<64x64x64xf32>
    %add3A_132 = arith.addf %add3A_119, %mul3A_131 : vector<64x64x64xf32>
    %broadcast_in_dim3A_133 = arith.constant 0.000000e+00 : f32
    %broadcast_in_dim3A_134 = vector.broadcast %broadcast_in_dim3A_133 : f32 to vector<66x66x64xf32>
    %swap3A_135 = arith.constant 0 : index
    %swap3A_136 = arith.constant 0 : index
    %swap3A_137 = arith.constant 0 : index
    %swap3A_138 = vector.load %arg8[%swap3A_135, %swap3A_136, %swap3A_137] : memref<66x66x64xf32, #tpu.memory_space<vmem>>, vector<66x66x64xf32>
    tpu.vector_store %arg8[%swap3A_135, %swap3A_136, %swap3A_137], %broadcast_in_dim3A_134 {strides = array<i32>} : memref<66x66x64xf32, #tpu.memory_space<vmem>>, vector<66x66x64xf32>,
    %max3A = arith.constant 0.000000e+00 : f32
    %max3A_139 = vector.broadcast %max3A : f32 to vector<64x64x64xf32>
    %max3A_140 = arith.maximumf %add3A_132, %max3A_139 : vector<64x64x64xf32>
    %swap3A_141 = arith.constant 1 : index
    %swap3A_142 = arith.constant 1 : index
    %swap3A_143 = arith.constant 0 : index
    %swap3A_144 = vector.load %arg8[%swap3A_141, %swap3A_142, %swap3A_143] : memref<66x66x64xf32, #tpu.memory_space<vmem>>, vector<64x64x64xf32>
    tpu.vector_store %arg8[%swap3A_141, %swap3A_142, %swap3A_143], %max3A_140 {strides = array<i32>} : memref<66x66x64xf32, #tpu.memory_space<vmem>>, vector<64x64x64xf32>,
    %get3A_145 = arith.constant 0 : index
    %get3A_146 = arith.constant 0 : index
    %get3A_147 = vector.load %arg5[%get3A_145, %get3A_146] : memref<1x16xf32, #tpu.memory_space<vmem>>, vector<1x16xf32>
    %get3A_148 = vector.shape_cast %get3A_147 : vector<1x16xf32> to vector<16xf32>
    %broadcast_in_dim3A_149 = vector.shape_cast %get3A_148 : vector<16xf32> to vector<1x16xf32>
    %broadcast_in_dim3A_150 = vector.shape_cast %broadcast_in_dim3A_149 : vector<1x16xf32> to vector<1x16xf32>
    %broadcast_in_dim3A_151 = vector.broadcast %broadcast_in_dim3A_150 : vector<1x16xf32> to vector<4096x16xf32>
    %get3A_152 = arith.constant 0 : index
    %get3A_153 = arith.constant 0 : index
    %get3A_154 = arith.constant 0 : index
    %get3A_155 = vector.load %arg8[%get3A_152, %get3A_153, %get3A_154] : memref<66x66x64xf32, #tpu.memory_space<vmem>>, vector<64x64x64xf32>
    %reshape3A = vector.shape_cast %get3A_155 : vector<64x64x64xf32> to vector<4096x64xf32>
    %get3A_156 = arith.constant 0 : index
    %get3A_157 = arith.constant 0 : index
    %get3A_158 = arith.constant 0 : index
    %get3A_159 = vector.load %arg4[%get3A_156, %get3A_157, %get3A_158] : memref<9x64x16xf32, #tpu.memory_space<vmem>>, vector<1x64x16xf32>
    %get3A_160 = vector.shape_cast %get3A_159 : vector<1x64x16xf32> to vector<64x16xf32>
    %dot_general3A = arith.constant dense<0.000000e+00> : vector<4096x16xf32>
    %dot_general3A_161 = tpu.matmul %reshape3A, %get3A_160, %dot_general3A {dimension_numbers = #tpu.dot_dimension_numbers<[1], [0], [0], [1], [0, 0, 1, 1], [], []>, transpose_lhs_hint = false} : vector<4096x64xf32>, vector<64x16xf32>, vector<4096x16xf32> -> vector<4096x16xf32>
    %add3A_162 = arith.addf %broadcast_in_dim3A_151, %dot_general3A_161 : vector<4096x16xf32>
    %get3A_163 = arith.constant 0 : index
    %get3A_164 = arith.constant 1 : index
    %get3A_165 = arith.constant 0 : index
    %get3A_166 = vector.load %arg8[%get3A_163, %get3A_164, %get3A_165] : memref<66x66x64xf32, #tpu.memory_space<vmem>>, vector<64x64x64xf32>
    %reshape3A_167 = vector.shape_cast %get3A_166 : vector<64x64x64xf32> to vector<4096x64xf32>
    %get3A_168 = arith.constant 1 : index
    %get3A_169 = arith.constant 0 : index
    %get3A_170 = arith.constant 0 : index
    %get3A_171 = vector.load %arg4[%get3A_168, %get3A_169, %get3A_170] : memref<9x64x16xf32, #tpu.memory_space<vmem>>, vector<1x64x16xf32>
    %get3A_172 = vector.shape_cast %get3A_171 : vector<1x64x16xf32> to vector<64x16xf32>
    %dot_general3A_173 = arith.constant dense<0.000000e+00> : vector<4096x16xf32>
    %dot_general3A_174 = tpu.matmul %reshape3A_167, %get3A_172, %dot_general3A_173 {dimension_numbers = #tpu.dot_dimension_numbers<[1], [0], [0], [1], [0, 0, 1, 1], [], []>, transpose_lhs_hint = false} : vector<4096x64xf32>, vector<64x16xf32>, vector<4096x16xf32> -> vector<4096x16xf32>
    %add3A_175 = arith.addf %add3A_162, %dot_general3A_174 : vector<4096x16xf32>
    %get3A_176 = arith.constant 0 : index
    %get3A_177 = arith.constant 2 : index
    %get3A_178 = arith.constant 0 : index
    %get3A_179 = vector.load %arg8[%get3A_176, %get3A_177, %get3A_178] : memref<66x66x64xf32, #tpu.memory_space<vmem>>, vector<64x64x64xf32>
    %reshape3A_180 = vector.shape_cast %get3A_179 : vector<64x64x64xf32> to vector<4096x64xf32>
    %get3A_181 = arith.constant 2 : index
    %get3A_182 = arith.constant 0 : index
    %get3A_183 = arith.constant 0 : index
    %get3A_184 = vector.load %arg4[%get3A_181, %get3A_182, %get3A_183] : memref<9x64x16xf32, #tpu.memory_space<vmem>>, vector<1x64x16xf32>
    %get3A_185 = vector.shape_cast %get3A_184 : vector<1x64x16xf32> to vector<64x16xf32>
    %dot_general3A_186 = arith.constant dense<0.000000e+00> : vector<4096x16xf32>
    %dot_general3A_187 = tpu.matmul %reshape3A_180, %get3A_185, %dot_general3A_186 {dimension_numbers = #tpu.dot_dimension_numbers<[1], [0], [0], [1], [0, 0, 1, 1], [], []>, transpose_lhs_hint = false} : vector<4096x64xf32>, vector<64x16xf32>, vector<4096x16xf32> -> vector<4096x16xf32>
    %add3A_188 = arith.addf %add3A_175, %dot_general3A_187 : vector<4096x16xf32>
    %get3A_189 = arith.constant 1 : index
    %get3A_190 = arith.constant 0 : index
    %get3A_191 = arith.constant 0 : index
    %get3A_192 = vector.load %arg8[%get3A_189, %get3A_190, %get3A_191] : memref<66x66x64xf32, #tpu.memory_space<vmem>>, vector<64x64x64xf32>
    %reshape3A_193 = vector.shape_cast %get3A_192 : vector<64x64x64xf32> to vector<4096x64xf32>
    %get3A_194 = arith.constant 3 : index
    %get3A_195 = arith.constant 0 : index
    %get3A_196 = arith.constant 0 : index
    %get3A_197 = vector.load %arg4[%get3A_194, %get3A_195, %get3A_196] : memref<9x64x16xf32, #tpu.memory_space<vmem>>, vector<1x64x16xf32>
    %get3A_198 = vector.shape_cast %get3A_197 : vector<1x64x16xf32> to vector<64x16xf32>
    %dot_general3A_199 = arith.constant dense<0.000000e+00> : vector<4096x16xf32>
    %dot_general3A_200 = tpu.matmul %reshape3A_193, %get3A_198, %dot_general3A_199 {dimension_numbers = #tpu.dot_dimension_numbers<[1], [0], [0], [1], [0, 0, 1, 1], [], []>, transpose_lhs_hint = false} : vector<4096x64xf32>, vector<64x16xf32>, vector<4096x16xf32> -> vector<4096x16xf32>
    %add3A_201 = arith.addf %add3A_188, %dot_general3A_200 : vector<4096x16xf32>
    %get3A_202 = arith.constant 1 : index
    %get3A_203 = arith.constant 1 : index
    %get3A_204 = arith.constant 0 : index
    %get3A_205 = vector.load %arg8[%get3A_202, %get3A_203, %get3A_204] : memref<66x66x64xf32, #tpu.memory_space<vmem>>, vector<64x64x64xf32>
    %reshape3A_206 = vector.shape_cast %get3A_205 : vector<64x64x64xf32> to vector<4096x64xf32>
    %get3A_207 = arith.constant 4 : index
    %get3A_208 = arith.constant 0 : index
    %get3A_209 = arith.constant 0 : index
    %get3A_210 = vector.load %arg4[%get3A_207, %get3A_208, %get3A_209] : memref<9x64x16xf32, #tpu.memory_space<vmem>>, vector<1x64x16xf32>
    %get3A_211 = vector.shape_cast %get3A_210 : vector<1x64x16xf32> to vector<64x16xf32>
    %dot_general3A_212 = arith.constant dense<0.000000e+00> : vector<4096x16xf32>
    %dot_general3A_213 = tpu.matmul %reshape3A_206, %get3A_211, %dot_general3A_212 {dimension_numbers = #tpu.dot_dimension_numbers<[1], [0], [0], [1], [0, 0, 1, 1], [], []>, transpose_lhs_hint = false} : vector<4096x64xf32>, vector<64x16xf32>, vector<4096x16xf32> -> vector<4096x16xf32>
    %add3A_214 = arith.addf %add3A_201, %dot_general3A_213 : vector<4096x16xf32>
    %get3A_215 = arith.constant 1 : index
    %get3A_216 = arith.constant 2 : index
    %get3A_217 = arith.constant 0 : index
    %get3A_218 = vector.load %arg8[%get3A_215, %get3A_216, %get3A_217] : memref<66x66x64xf32, #tpu.memory_space<vmem>>, vector<64x64x64xf32>
    %reshape3A_219 = vector.shape_cast %get3A_218 : vector<64x64x64xf32> to vector<4096x64xf32>
    %get3A_220 = arith.constant 5 : index
    %get3A_221 = arith.constant 0 : index
    %get3A_222 = arith.constant 0 : index
    %get3A_223 = vector.load %arg4[%get3A_220, %get3A_221, %get3A_222] : memref<9x64x16xf32, #tpu.memory_space<vmem>>, vector<1x64x16xf32>
    %get3A_224 = vector.shape_cast %get3A_223 : vector<1x64x16xf32> to vector<64x16xf32>
    %dot_general3A_225 = arith.constant dense<0.000000e+00> : vector<4096x16xf32>
    %dot_general3A_226 = tpu.matmul %reshape3A_219, %get3A_224, %dot_general3A_225 {dimension_numbers = #tpu.dot_dimension_numbers<[1], [0], [0], [1], [0, 0, 1, 1], [], []>, transpose_lhs_hint = false} : vector<4096x64xf32>, vector<64x16xf32>, vector<4096x16xf32> -> vector<4096x16xf32>
    %add3A_227 = arith.addf %add3A_214, %dot_general3A_226 : vector<4096x16xf32>
    %get3A_228 = arith.constant 2 : index
    %get3A_229 = arith.constant 0 : index
    %get3A_230 = arith.constant 0 : index
    %get3A_231 = vector.load %arg8[%get3A_228, %get3A_229, %get3A_230] : memref<66x66x64xf32, #tpu.memory_space<vmem>>, vector<64x64x64xf32>
    %reshape3A_232 = vector.shape_cast %get3A_231 : vector<64x64x64xf32> to vector<4096x64xf32>
    %get3A_233 = arith.constant 6 : index
    %get3A_234 = arith.constant 0 : index
    %get3A_235 = arith.constant 0 : index
    %get3A_236 = vector.load %arg4[%get3A_233, %get3A_234, %get3A_235] : memref<9x64x16xf32, #tpu.memory_space<vmem>>, vector<1x64x16xf32>
    %get3A_237 = vector.shape_cast %get3A_236 : vector<1x64x16xf32> to vector<64x16xf32>
    %dot_general3A_238 = arith.constant dense<0.000000e+00> : vector<4096x16xf32>
    %dot_general3A_239 = tpu.matmul %reshape3A_232, %get3A_237, %dot_general3A_238 {dimension_numbers = #tpu.dot_dimension_numbers<[1], [0], [0], [1], [0, 0, 1, 1], [], []>, transpose_lhs_hint = false} : vector<4096x64xf32>, vector<64x16xf32>, vector<4096x16xf32> -> vector<4096x16xf32>
    %add3A_240 = arith.addf %add3A_227, %dot_general3A_239 : vector<4096x16xf32>
    %get3A_241 = arith.constant 2 : index
    %get3A_242 = arith.constant 1 : index
    %get3A_243 = arith.constant 0 : index
    %get3A_244 = vector.load %arg8[%get3A_241, %get3A_242, %get3A_243] : memref<66x66x64xf32, #tpu.memory_space<vmem>>, vector<64x64x64xf32>
    %reshape3A_245 = vector.shape_cast %get3A_244 : vector<64x64x64xf32> to vector<4096x64xf32>
    %get3A_246 = arith.constant 7 : index
    %get3A_247 = arith.constant 0 : index
    %get3A_248 = arith.constant 0 : index
    %get3A_249 = vector.load %arg4[%get3A_246, %get3A_247, %get3A_248] : memref<9x64x16xf32, #tpu.memory_space<vmem>>, vector<1x64x16xf32>
    %get3A_250 = vector.shape_cast %get3A_249 : vector<1x64x16xf32> to vector<64x16xf32>
    %dot_general3A_251 = arith.constant dense<0.000000e+00> : vector<4096x16xf32>
    %dot_general3A_252 = tpu.matmul %reshape3A_245, %get3A_250, %dot_general3A_251 {dimension_numbers = #tpu.dot_dimension_numbers<[1], [0], [0], [1], [0, 0, 1, 1], [], []>, transpose_lhs_hint = false} : vector<4096x64xf32>, vector<64x16xf32>, vector<4096x16xf32> -> vector<4096x16xf32>
    %add3A_253 = arith.addf %add3A_240, %dot_general3A_252 : vector<4096x16xf32>
    %get3A_254 = arith.constant 2 : index
    %get3A_255 = arith.constant 2 : index
    %get3A_256 = arith.constant 0 : index
    %get3A_257 = vector.load %arg8[%get3A_254, %get3A_255, %get3A_256] : memref<66x66x64xf32, #tpu.memory_space<vmem>>, vector<64x64x64xf32>
    %reshape3A_258 = vector.shape_cast %get3A_257 : vector<64x64x64xf32> to vector<4096x64xf32>
    %get3A_259 = arith.constant 8 : index
    %get3A_260 = arith.constant 0 : index
    %get3A_261 = arith.constant 0 : index
    %get3A_262 = vector.load %arg4[%get3A_259, %get3A_260, %get3A_261] : memref<9x64x16xf32, #tpu.memory_space<vmem>>, vector<1x64x16xf32>
    %get3A_263 = vector.shape_cast %get3A_262 : vector<1x64x16xf32> to vector<64x16xf32>
    %dot_general3A_264 = arith.constant dense<0.000000e+00> : vector<4096x16xf32>
    %dot_general3A_265 = tpu.matmul %reshape3A_258, %get3A_263, %dot_general3A_264 {dimension_numbers = #tpu.dot_dimension_numbers<[1], [0], [0], [1], [0, 0, 1, 1], [], []>, transpose_lhs_hint = false} : vector<4096x64xf32>, vector<64x16xf32>, vector<4096x16xf32> -> vector<4096x16xf32>
    %add3A_266 = arith.addf %add3A_253, %dot_general3A_265 : vector<4096x16xf32>
    %max3A_267 = arith.constant 0.000000e+00 : f32
    %max3A_268 = vector.broadcast %max3A_267 : f32 to vector<4096x16xf32>
    %max3A_269 = arith.maximumf %add3A_266, %max3A_268 : vector<4096x16xf32>
    %swap3A_270 = arith.constant 0 : index
    %swap3A_271 = arith.constant 0 : index
    %swap3A_272 = arith.constant 0 : index
    %swap3A_273 = vector.load %arg6[%swap3A_270, %swap3A_271, %swap3A_272] : memref<1x4096x16xf32, #tpu.memory_space<vmem>>, vector<1x4096x16xf32>
    %swap3A_274 = vector.shape_cast %swap3A_273 : vector<1x4096x16xf32> to vector<4096x16xf32>
    %swap3A_275 = vector.shape_cast %max3A_269 : vector<4096x16xf32> to vector<1x4096x16xf32>
    tpu.vector_store %arg6[%swap3A_270, %swap3A_271, %swap3A_272], %swap3A_275 {strides = array<i32>} : memref<1x4096x16xf32, #tpu.memory_space<vmem>>, vector<1x4096x16xf32>,
    return
  }
  func.func @transform_0(%arg0: i32) -> (i32, i32, i32, i32) {
    %c0_i32 = arith.constant 0 : i32
    %c0_i32_0 = arith.constant 0 : i32
    %c0_i32_1 = arith.constant 0 : i32
    %c0_i32_2 = arith.constant 0 : i32
    return %arg0, %c0_i32, %c0_i32_0, %c0_i32_1 : i32, i32, i32, i32
  }
  func.func @transform_1(%arg0: i32) -> (i32, i32) {
    %c0_i32 = arith.constant 0 : i32
    %c0_i32_0 = arith.constant 0 : i32
    %c0_i32_1 = arith.constant 0 : i32
    return %c0_i32, %c0_i32_0 : i32, i32
  }
  func.func @transform_2(%arg0: i32) -> (i32, i32) {
    %c0_i32 = arith.constant 0 : i32
    %c0_i32_0 = arith.constant 0 : i32
    %c0_i32_1 = arith.constant 0 : i32
    return %c0_i32, %c0_i32_0 : i32, i32
  }
  func.func @transform_3(%arg0: i32) -> (i32, i32, i32) {
    %c0_i32 = arith.constant 0 : i32
    %c0_i32_0 = arith.constant 0 : i32
    %c0_i32_1 = arith.constant 0 : i32
    %c0_i32_2 = arith.constant 0 : i32
    return %c0_i32, %c0_i32_0, %c0_i32_1 : i32, i32, i32
  }
  func.func @transform_4(%arg0: i32) -> (i32, i32) {
    %c0_i32 = arith.constant 0 : i32
    %c0_i32_0 = arith.constant 0 : i32
    %c0_i32_1 = arith.constant 0 : i32
    return %c0_i32, %c0_i32_0 : i32, i32
  }
  func.func @transform_5(%arg0: i32) -> (i32, i32, i32) {
    %c0_i32 = arith.constant 0 : i32
    %c0_i32_0 = arith.constant 0 : i32
    %c0_i32_1 = arith.constant 0 : i32
    return %arg0, %c0_i32, %c0_i32_0 : i32, i32, i32
  }
}

module attributes {stable_mosaic.version = 14 : i64} {
  func.func @_head_body(%arg0: i32, %arg1: memref<1x4096x16xf32, #tpu.memory_space<vmem>>, %arg2: memref<1x4096x16xf32, #tpu.memory_space<vmem>>, %arg3: memref<1x4096x1xf32, #tpu.memory_space<vmem>>, %arg4: memref<1x16xf32, #tpu.memory_space<vmem>>, %arg5: memref<16x128xf32, #tpu.memory_space<vmem>>, %arg6: memref<1x128xf32, #tpu.memory_space<vmem>>, %arg7: memref<128x16xf32, #tpu.memory_space<vmem>>, %arg8: memref<1x16xf32, #tpu.memory_space<vmem>>, %arg9: memref<1x16xf32, #tpu.memory_space<vmem>>, %arg10: memref<1x1xf32, #tpu.memory_space<vmem>>, %arg11: memref<1x1x4096xf32, #tpu.memory_space<vmem>>) attributes {dimension_semantics = [#tpu.dimension_semantics<arbitrary>], iteration_bounds = array<i64: 4>, scalar_prefetch = 0 : i64, scratch_operands = 0 : i64, tpu.core_type = #tpu.core_type<tc>, window_params = [{transform_indices = @transform_0, window_bounds = array<i64: 1, 4096, 16>}, {transform_indices = @transform_1, window_bounds = array<i64: 1, 4096, 16>}, {transform_indices = @transform_2, window_bounds = array<i64: 1, 4096, 1>}, {pipeline_mode = #tpu.pipeline_mode<synchronous>, transform_indices = @transform_3, window_bounds = array<i64: 1, 16>}, {pipeline_mode = #tpu.pipeline_mode<synchronous>, transform_indices = @transform_4, window_bounds = array<i64: 16, 128>}, {pipeline_mode = #tpu.pipeline_mode<synchronous>, transform_indices = @transform_5, window_bounds = array<i64: 1, 128>}, {pipeline_mode = #tpu.pipeline_mode<synchronous>, transform_indices = @transform_6, window_bounds = array<i64: 128, 16>}, {pipeline_mode = #tpu.pipeline_mode<synchronous>, transform_indices = @transform_7, window_bounds = array<i64: 1, 16>}, {pipeline_mode = #tpu.pipeline_mode<synchronous>, transform_indices = @transform_8, window_bounds = array<i64: 1, 16>}, {pipeline_mode = #tpu.pipeline_mode<synchronous>, transform_indices = @transform_9, window_bounds = array<i64: 1, 1>}, {transform_indices = @transform_10, window_bounds = array<i64: 1, 1, 4096>}]} {
    %get3A = arith.constant 0 : index
    %get3A_0 = arith.constant 0 : index
    %get3A_1 = arith.constant 0 : index
    %get3A_2 = vector.load %arg1[%get3A, %get3A_0, %get3A_1] : memref<1x4096x16xf32, #tpu.memory_space<vmem>>, vector<1x4096x16xf32>
    %get3A_3 = vector.shape_cast %get3A_2 : vector<1x4096x16xf32> to vector<4096x16xf32>
    %get3A_4 = arith.constant 0 : index
    %get3A_5 = arith.constant 0 : index
    %get3A_6 = arith.constant 0 : index
    %get3A_7 = vector.load %arg2[%get3A_4, %get3A_5, %get3A_6] : memref<1x4096x16xf32, #tpu.memory_space<vmem>>, vector<1x4096x16xf32>
    %get3A_8 = vector.shape_cast %get3A_7 : vector<1x4096x16xf32> to vector<4096x16xf32>
    %get3A_9 = arith.constant 0 : index
    %get3A_10 = arith.constant 0 : index
    %get3A_11 = vector.load %arg4[%get3A_9, %get3A_10] : memref<1x16xf32, #tpu.memory_space<vmem>>, vector<1x16xf32>
    %add3A = vector.broadcast %get3A_11 : vector<1x16xf32> to vector<4096x16xf32>
    %add3A_12 = arith.addf %get3A_8, %add3A : vector<4096x16xf32>
    %max3A = arith.constant 0.000000e+00 : f32
    %max3A_13 = vector.broadcast %max3A : f32 to vector<4096x16xf32>
    %max3A_14 = arith.maximumf %add3A_12, %max3A_13 : vector<4096x16xf32>
    %get3A_15 = arith.constant 0 : index
    %get3A_16 = arith.constant 0 : index
    %get3A_17 = vector.load %arg5[%get3A_15, %get3A_16] : memref<16x128xf32, #tpu.memory_space<vmem>>, vector<16x128xf32>
    %dot_general3A = arith.constant dense<0.000000e+00> : vector<4096x128xf32>
    %dot_general3A_18 = tpu.matmul %max3A_14, %get3A_17, %dot_general3A {dimension_numbers = #tpu.dot_dimension_numbers<[1], [0], [0], [1], [0, 0, 1, 1], [], []>, transpose_lhs_hint = false} : vector<4096x16xf32>, vector<16x128xf32>, vector<4096x128xf32> -> vector<4096x128xf32>
    %get3A_19 = arith.constant 0 : index
    %get3A_20 = arith.constant 0 : index
    %get3A_21 = vector.load %arg6[%get3A_19, %get3A_20] : memref<1x128xf32, #tpu.memory_space<vmem>>, vector<1x128xf32>
    %add3A_22 = vector.broadcast %get3A_21 : vector<1x128xf32> to vector<4096x128xf32>
    %add3A_23 = arith.addf %dot_general3A_18, %add3A_22 : vector<4096x128xf32>
    %max3A_24 = arith.constant 0.000000e+00 : f32
    %max3A_25 = vector.broadcast %max3A_24 : f32 to vector<4096x128xf32>
    %max3A_26 = arith.maximumf %add3A_23, %max3A_25 : vector<4096x128xf32>
    %get3A_27 = arith.constant 0 : index
    %get3A_28 = arith.constant 0 : index
    %get3A_29 = vector.load %arg7[%get3A_27, %get3A_28] : memref<128x16xf32, #tpu.memory_space<vmem>>, vector<128x16xf32>
    %dot_general3A_30 = arith.constant dense<0.000000e+00> : vector<4096x16xf32>
    %dot_general3A_31 = tpu.matmul %max3A_26, %get3A_29, %dot_general3A_30 {dimension_numbers = #tpu.dot_dimension_numbers<[1], [0], [0], [1], [0, 0, 1, 1], [], []>, transpose_lhs_hint = false} : vector<4096x128xf32>, vector<128x16xf32>, vector<4096x16xf32> -> vector<4096x16xf32>
    %get3A_32 = arith.constant 0 : index
    %get3A_33 = arith.constant 0 : index
    %get3A_34 = vector.load %arg8[%get3A_32, %get3A_33] : memref<1x16xf32, #tpu.memory_space<vmem>>, vector<1x16xf32>
    %add3A_35 = vector.broadcast %get3A_34 : vector<1x16xf32> to vector<4096x16xf32>
    %add3A_36 = arith.addf %dot_general3A_31, %add3A_35 : vector<4096x16xf32>
    %get3A_37 = arith.constant 0 : index
    %get3A_38 = arith.constant 0 : index
    %get3A_39 = arith.constant 0 : index
    %get3A_40 = vector.load %arg3[%get3A_37, %get3A_38, %get3A_39] : memref<1x4096x1xf32, #tpu.memory_space<vmem>>, vector<1x4096x1xf32>
    %get3A_41 = vector.shape_cast %get3A_40 : vector<1x4096x1xf32> to vector<4096x1xf32>
    %mul3A = vector.broadcast %get3A_41 : vector<4096x1xf32> to vector<4096x16xf32>
    %mul3A_42 = arith.mulf %mul3A, %add3A_36 : vector<4096x16xf32>
    %add3A_43 = arith.addf %get3A_3, %mul3A_42 : vector<4096x16xf32>
    %get3A_44 = arith.constant 0 : index
    %get3A_45 = arith.constant 0 : index
    %get3A_46 = vector.load %arg9[%get3A_44, %get3A_45] : memref<1x16xf32, #tpu.memory_space<vmem>>, vector<1x16xf32>
    %mul3A_47 = vector.broadcast %get3A_46 : vector<1x16xf32> to vector<4096x16xf32>
    %mul3A_48 = arith.mulf %add3A_43, %mul3A_47 : vector<4096x16xf32>
    %reduce_sum3A = arith.constant dense<0.000000e+00> : vector<4096xf32>
    %reduce_sum3A_49 = vector.multi_reduction <add>, %mul3A_48, %reduce_sum3A [1] : vector<4096x16xf32> to vector<4096xf32>
    %get3A_50 = arith.constant 0 : index
    %get3A_51 = arith.constant 0 : index
    %get3A_52 = vector.load %arg10[%get3A_50, %get3A_51] : memref<1x1xf32, #tpu.memory_space<vmem>>, vector<1x1xf32>
    %get3A_53 = vector.extract %get3A_52[0, 0] : f32 from vector<1x1xf32>
    %add3A_54 = vector.broadcast %get3A_53 : f32 to vector<4096xf32>
    %add3A_55 = arith.addf %reduce_sum3A_49, %add3A_54 : vector<4096xf32>
    %neg3A = arith.constant 0.000000e+00 : f32
    %neg3A_56 = vector.broadcast %neg3A : f32 to vector<4096xf32>
    %neg3A_57 = arith.subf %neg3A_56, %add3A_55 : vector<4096xf32>
    %exp3A = math.exp %neg3A_57 : vector<4096xf32>
    %add3A_58 = arith.constant 1.000000e+00 : f32
    %add3A_59 = vector.broadcast %add3A_58 : f32 to vector<4096xf32>
    %add3A_60 = arith.addf %add3A_59, %exp3A : vector<4096xf32>
    %div3A = arith.constant 1.000000e+00 : f32
    %div3A_61 = vector.broadcast %div3A : f32 to vector<4096xf32>
    %div3A_62 = arith.divf %div3A_61, %add3A_60 : vector<4096xf32>
    %swap3A = arith.constant 0 : index
    %swap3A_63 = arith.constant 0 : index
    %swap3A_64 = arith.constant 0 : index
    %swap3A_65 = vector.load %arg11[%swap3A, %swap3A_63, %swap3A_64] : memref<1x1x4096xf32, #tpu.memory_space<vmem>>, vector<1x1x4096xf32>
    %swap3A_66 = vector.shape_cast %swap3A_65 : vector<1x1x4096xf32> to vector<4096xf32>
    %swap3A_67 = vector.shape_cast %div3A_62 : vector<4096xf32> to vector<1x1x4096xf32>
    tpu.vector_store %arg11[%swap3A, %swap3A_63, %swap3A_64], %swap3A_67 {strides = array<i32>} : memref<1x1x4096xf32, #tpu.memory_space<vmem>>, vector<1x1x4096xf32>,
    return
  }
  func.func @transform_0(%arg0: i32) -> (i32, i32, i32) {
    %c0_i32 = arith.constant 0 : i32
    %c0_i32_0 = arith.constant 0 : i32
    %c0_i32_1 = arith.constant 0 : i32
    return %arg0, %c0_i32, %c0_i32_0 : i32, i32, i32
  }
  func.func @transform_1(%arg0: i32) -> (i32, i32, i32) {
    %c0_i32 = arith.constant 0 : i32
    %c0_i32_0 = arith.constant 0 : i32
    %c0_i32_1 = arith.constant 0 : i32
    return %arg0, %c0_i32, %c0_i32_0 : i32, i32, i32
  }
  func.func @transform_2(%arg0: i32) -> (i32, i32, i32) {
    %c0_i32 = arith.constant 0 : i32
    %c0_i32_0 = arith.constant 0 : i32
    %c0_i32_1 = arith.constant 0 : i32
    return %arg0, %c0_i32, %c0_i32_0 : i32, i32, i32
  }
  func.func @transform_3(%arg0: i32) -> (i32, i32) {
    %c0_i32 = arith.constant 0 : i32
    %c0_i32_0 = arith.constant 0 : i32
    %c0_i32_1 = arith.constant 0 : i32
    return %c0_i32, %c0_i32_0 : i32, i32
  }
  func.func @transform_4(%arg0: i32) -> (i32, i32) {
    %c0_i32 = arith.constant 0 : i32
    %c0_i32_0 = arith.constant 0 : i32
    %c0_i32_1 = arith.constant 0 : i32
    return %c0_i32, %c0_i32_0 : i32, i32
  }
  func.func @transform_5(%arg0: i32) -> (i32, i32) {
    %c0_i32 = arith.constant 0 : i32
    %c0_i32_0 = arith.constant 0 : i32
    %c0_i32_1 = arith.constant 0 : i32
    return %c0_i32, %c0_i32_0 : i32, i32
  }
  func.func @transform_6(%arg0: i32) -> (i32, i32) {
    %c0_i32 = arith.constant 0 : i32
    %c0_i32_0 = arith.constant 0 : i32
    %c0_i32_1 = arith.constant 0 : i32
    return %c0_i32, %c0_i32_0 : i32, i32
  }
  func.func @transform_7(%arg0: i32) -> (i32, i32) {
    %c0_i32 = arith.constant 0 : i32
    %c0_i32_0 = arith.constant 0 : i32
    %c0_i32_1 = arith.constant 0 : i32
    return %c0_i32, %c0_i32_0 : i32, i32
  }
  func.func @transform_8(%arg0: i32) -> (i32, i32) {
    %c0_i32 = arith.constant 0 : i32
    %c0_i32_0 = arith.constant 0 : i32
    %c0_i32_1 = arith.constant 0 : i32
    return %c0_i32, %c0_i32_0 : i32, i32
  }
  func.func @transform_9(%arg0: i32) -> (i32, i32) {
    %c0_i32 = arith.constant 0 : i32
    %c0_i32_0 = arith.constant 0 : i32
    %c0_i32_1 = arith.constant 0 : i32
    return %c0_i32, %c0_i32_0 : i32, i32
  }
  func.func @transform_10(%arg0: i32) -> (i32, i32, i32) {
    %c0_i32 = arith.constant 0 : i32
    %c0_i32_0 = arith.constant 0 : i32
    %c0_i32_1 = arith.constant 0 : i32
    return %arg0, %c0_i32, %c0_i32_0 : i32, i32, i32
  }
}

</mosaic_0001>

<sc_bundles>
// kernel: kernel.6.cloned.1.call-start
scs
__scs_entry_jumppad:
0x0: {  	(pc) =	sbr.rel $0x88, $3  }
0x1: {  	(tag) =	ssettag $0x0;
	lr =	simm.s32 $0x1  }
0x2: {  	[smem:$0x3F8E] =	sst lr;
	_ =	strace $0xD0000000  }
0x3: {  	_ = 	snop  }
0x4: {  	_ = 	snop  }
0x5: {  	_ = 	snop  }
0x6: {  	_ = 	snop  }
0x7: {  	_ = 	snop  }
__scs_overlays_trampoline_lowered:
0x8: {  	[smem:$0x3F9D] =	sst s0  }
0x9: {  	[smem:$0x3F9E] =	sst s1  }
0xa: {  	[smem:$0x3F9F] =	sst s2  }
0xb: {  	[smem:$0x3FA0] =	sst s3  }
0xc: {  	[smem:$0x3FA1] =	sst s4  }
0xd: {  	[smem:$0x3FA2] =	sst s5  }
0xe: {  	[smem:$0x3FA3] =	sst s6  }
0xf: {  	[smem:$0x3FA4] =	sst s7  }
0x10: {  	[smem:$0x3FA5] =	sst s8  }
0x11: {  	[smem:$0x3FA6] =	sst s9;
	s0 =	simm.s32 @!p0 $0x0  }
0x12: {  	s1 =	sld [smem:$0x3F8C];
	s0 =	simm.s32 @p0 $0x1  }
0x13: {  	[smem:$0x3FA7] =	sst s0;
	s0 =	simm.s32 @!p1 $0x0  }
0x14: {  	s2 =	sld [smem:$0x3F8B];
	s0 =	simm.s32 @p1 $0x1  }
0x15: {  	[smem:$0x3FA8] =	sst s0;
	s0 =	simm.s32 @!p2 $0x0  }
0x16: {  	s3 =	sld [smem:$0x3FDB];
	s0 =	simm.s32 @p2 $0x1  }
0x17: {  	s4 =	simm.s32 $0x1BF5;
	[smem:$0x3FAA] =	sst s0  }
0x18: {  	s0 =	sld [smem:$0x3F8D];
	_ =	swait.ge [sflag:s4], $0x0  }
0x19: {  	s7 =	sld [smem:$0x3F8E]  }
0x1a: {  	s8 =	sadd.s32 $0xFFFFE003, lr  }
0x1b: {  	s9 =	sadd.s32 $0xFFFFFEF7, lr;
	s5 =	simm.s32 $0xFFFFFFFF;
	p2 =	slt.u32 s8, $0xFFFFF086  }
0x1c: {  	p1 =	slt.u32 s9, $0xF7A;
	s5 =	simm.s32 @!p2 $0x0  }
0x1d: {  	s5 =	simm.s32 @p1 $0x1;
	p0 =	seq.s32 s7, s2  }
0x1e: {  	s7 =	smul.u32 @!p0 $0xF7A, s2;
	p2 =	seq.s32 @!p0 s5, $0x0  }
0x1f: {  	s9 =	smul.u32 $0xF7A, s1;
	s8 =	simm.s32 @!p0 $0x1BF5;
	p2 =	por !p2, p0  }
0x20: {  	[sflag:s8] =	ssyncset.s32 @!p0 $0xFFFFF086;
	s6 =	sadd.s32 @!p0 s3, s7;
	s7 =	simm.s32 @!p0 $0x108  }
0x21: {  	s3 =	sadd.s32 s3, s9;
	s6 =	sadd.s32 @!p0 $0x88, s6;
	s7 =	simm.s32 @p2 $0x1082  }
0x22: {  	[simem:s7], [sflag:s8] =	dma.local @!p0 [hbm:s6], $0xF7A  }
0x23: {  	s9 =	sor.u32 $0xD0000000, s2;
	s6 =	simm.s32 $0x108;
	_ =	swait.ge @!p0 [sflag:s8], $0x0  }
0x24: {  	s3 =	sadd.s32 $0x88, s3;
	s6 =	simm.s32 @!p1 $0x1082;
	[sflag:s4] =	ssyncset.s32 $0xFFFFF086  }
0x25: {  	[simem:s6], [sflag:s4] =	dma.local [hbm:s3], $0xF7A  }
0x26: {  	[smem:$0x3F8E] =	sst s1;
	(tag) =	ssettag s2;
	_ =	strace s9  }
0x27: {  	s1 =	sld [smem:$0x3F9E]  }
0x28: {  	s2 =	sld [smem:$0x3F9F]  }
0x29: {  	s4 =	sld [smem:$0x3FA1]  }
0x2a: {  	p0 =	seq.s32 s5, $0x0;
	s5 =	sld [smem:$0x3FA2]  }
0x2b: {  	s6 =	sld [smem:$0x3FA3]  }
0x2c: {  	s7 =	sld [smem:$0x3FA4]  }
0x2d: {  	s3 =	simm.s32 $0x108;
	s8 =	sld [smem:$0x3FA5]  }
0x2e: {  	s3 =	simm.s32 @!p0 $0x1082;
	s9 =	sld [smem:$0x3FA6]  }
0x2f: {  	lr =	sadd.s32 s0, s3;
	s0 =	sld [smem:$0x3F9D]  }
0x30: {  	s3 =	sld [smem:$0x3FA0]  }
0x31: {  	[smem:$0x3FA9] =	sst s10  }
0x32: {  	s10 =	sld [smem:$0x3FA7];
	_ =	sdelay $0x3  }
0x33: {  	p0 =	seq.s32 s10, $0x1;
	s10 =	sld [smem:$0x3FA9];
	_ =	sdelay $0x3  }
0x34: {  	[smem:$0x3FA9] =	sst s10  }
0x35: {  	s10 =	sld [smem:$0x3FA8];
	_ =	sdelay $0x3  }
0x36: {  	p1 =	seq.s32 s10, $0x1;
	s10 =	sld [smem:$0x3FA9];
	_ =	sdelay $0x3  }
0x37: {  	[smem:$0x3FA9] =	sst s10  }
0x38: {  	s10 =	sld [smem:$0x3FAA]  }
0x39: {  	_ = 	snop;
	(pc) =	sbr.ind lr, $3  }
0x3a: {  	_ = 	snop  }
0x3b: {  	_ = 	snop  }
0x3c: {  	p2 =	seq.s32 s10, $0x1;
	s10 =	sld [smem:$0x3FA9]  }
0x3d: {  	_ =	shalt  }
0x3e: {  	_ =	shalt  }
0x3f: {  	_ =	shalt  }
0x40: {  	_ =	shalt  }
0x41: {  	_ =	shalt  }
0x42: {  	_ =	shalt  }
0x43: {  	_ =	shalt  }
0x44: {  	_ =	shalt  }
0x45: {  	_ =	shalt  }
0x46: {  	_ =	shalt  }
0x47: {  	_ =	shalt  }
0x48: {  	_ =	shalt  }
0x49: {  	_ =	shalt  }
0x4a: {  	_ =	shalt  }
0x4b: {  	_ =	shalt  }
0x4c: {  	_ =	shalt  }
0x4d: {  	_ =	shalt  }
0x4e: {  	_ =	shalt  }
0x4f: {  	_ =	shalt  }
0x50: {  	_ =	shalt  }
0x51: {  	_ =	shalt  }
0x52: {  	_ =	shalt  }
0x53: {  	_ =	shalt  }
0x54: {  	_ =	shalt  }
0x55: {  	_ =	shalt  }
0x56: {  	_ =	shalt  }
0x57: {  	_ =	shalt  }
0x58: {  	_ =	shalt  }
0x59: {  	_ =	shalt  }
0x5a: {  	_ =	shalt  }
0x5b: {  	_ =	shalt  }
0x5c: {  	_ =	shalt  }
0x5d: {  	_ =	shalt  }
0x5e: {  	_ =	shalt  }
0x5f: {  	_ =	shalt  }
0x60: {  	_ =	shalt  }
0x61: {  	_ =	shalt  }
0x62: {  	_ =	shalt  }
0x63: {  	_ =	shalt  }
0x64: {  	_ =	shalt  }
0x65: {  	_ =	shalt  }
0x66: {  	_ =	shalt  }
0x67: {  	_ =	shalt  }
0x68: {  	_ =	shalt  }
0x69: {  	_ =	shalt  }
0x6a: {  	_ =	shalt  }
0x6b: {  	_ =	shalt  }
0x6c: {  	_ =	shalt  }
0x6d: {  	_ =	shalt  }
0x6e: {  	_ =	shalt  }
0x6f: {  	_ =	shalt  }
0x70: {  	_ =	shalt  }
0x71: {  	_ =	shalt  }
0x72: {  	_ =	shalt  }
0x73: {  	_ =	shalt  }
0x74: {  	_ =	shalt  }
0x75: {  	_ =	shalt  }
0x76: {  	_ =	shalt  }
0x77: {  	_ =	shalt  }
0x78: {  	_ =	shalt  }
0x79: {  	_ =	shalt  }
0x7a: {  	_ =	shalt  }
0x7b: {  	_ =	shalt  }
0x7c: {  	_ =	shalt  }
0x7d: {  	_ =	shalt  }
0x7e: {  	_ =	shalt  }
0x7f: {  	_ =	shalt  }
0x80: {  	_ =	shalt  }
0x81: {  	_ =	shalt  }
0x82: {  	_ =	shalt  }
0x83: {  	_ =	shalt  }
0x84: {  	_ =	shalt  }
0x85: {  	_ =	shalt  }
0x86: {  	_ =	shalt  }
0x87: {  	_ =	shalt  }
.Lfunc_end0:
.L_simem_size_0:
called_computation_lowered:
.L_overlay_start_0:
0x88: {  	s2 =	sld [smem:$0x3FD9]  }
0x89: {  	s3 =	sld [smem:$0x3FFE];
	_ =	sdelay $0x1  }
0x8a: {  	s1 =	srdreg.scid  }
0x8b: {  	s0 =	sand.u32 $0x1, s1  }
0x8c: {  	s16 =	sshll.u32 s0, $0xA;
	s2 =	sadd.s32 s3, s2  }
0x8d: {  	s2 =	sadd.s32 s2, s16  }
0x8e: {  	[smem:$0x3FB5] =	sst s2  }
0x8f: {  	_ = 	snop  }
0x90: {  	(tm) =	ssettm $0x1  }
0x91: {  	s17 =	sld [smem:$0x3FFB];
	_ =	sdelay $0x3  }
0x92: {  	_ =	strace s17  }
0x93: {  	s2 =	sld [smem:$0x3FFC];
	_ =	sdelay $0x3  }
0x94: {  	_ =	strace s2  }
0x95: {  	s2 =	sld [smem:$0x3FFD];
	_ =	sdelay $0x3  }
0x96: {  	_ =	strace s2  }
0x97: {  	_ =	strace $0x8FFFFFFF  }
0x98: {  	s18 =	sld [smem:$0x3FDB];
	_ =	sdelay $0x1  }
0x99: {  	s19 =	simm.s32 $_scs_section_size  }
0x9a: {  	s4 =	simm.s32 $_size__tile_overlayer_lowered;
	s5 =	simm.s32 $_tile_overlayer_lowered  }
0x9b: {  	s22 =	simm.s32 $0x1BFF;
	s21 =	sshll.u32 s5, $0x1;
	s2 =	sadd.s32 s19, s18  }
0x9c: {  	s6 =	simm.s32 $0x0;
	s20 =	sshll.u32 s4, $0x1;
	s4 =	sadd.s32 s21, s2  }
0x9d: {  	[timem:s6], [sflag:s22] =	dma.local [hbm:s4], s20  }
0x9e: {  	_ =	swait.ge [sflag:s22], s20  }
0x9f: {  	s3 =	ssub.s32 $0x0, s20;
	[sflag:s22] =	ssyncset.done $0x0  }
0xa0: {  	[sflag:s22] =	ssyncadd.s32 s3;
	_ =	sdelay $0x1  }
0xa1: {  	s23 =	simm.s32 $0x1B8B  }
0xa2: {  	_ =	swait.ge [sflag:s23], $0x1  }
0xa3: {  	[sflag:s23] =	ssyncset.done $0x0  }
0xa4: {  	s25 =	simm.s32 $0x1B8E;
	s24 =	sld [smem:$0x3FFE];
	[sflag:s23] =	ssyncadd.s32 $0xFFFFFFFF  }
0xa5: {  	s26 =	simm.s32 $execute0_lowered;
	[smem:$0x3FD2] =	sst s25  }
0xa6: {  	s4 =	sshll.u32 s26, $0x1;
	_ =	strace $0x80000046;
	[dreg:$0x1] =	wrdreg $0xFFFFFFFF  }
0xa7: {  	s28 =	simm.s32 $_size_execute0_lowered;
	s2 =	sadd.s32 s2, s4;
	[dreg:$0x0] =	wrdreg $0x0  }
0xa8: {  	s4 =	sshll.u32 s28, $0x1;
	[dreg:$0x2] =	wrdreg s2  }
0xa9: {  	[dreg:$0x3] =	wrdreg s4  }
0xaa: {  	[dreg:$0x4] =	wrdreg $0xC0  }
0xab: {  	_ =	task [dreg:s6], $0x5FFFF  }
0xac: {  	[dreg:$0x1] =	wrdreg $0xFFFFFFFF  }
0xad: {  	[dreg:$0x0] =	wrdreg $0x60  }
0xae: {  	[dreg:$0x2] =	wrdreg s24  }
0xaf: {  	[dreg:$0x3] =	wrdreg $0x9  }
0xb0: {  	_ =	task.clear_ibuf [dreg:s6], $0x4FFFF;
	_ =	strace $0x90000046  }
0xb1: {  	s29 =	simm.s32 $0x9;
	_ =	strace $0x80000048  }
0xb2: {  	_ =	swait.ge [sflag:s29], $0x1  }
0xb3: {  	[sflag:s29] =	ssyncadd.s32 $0xFFFFFFFF  }
0xb4: {  	_ =	strace $0x90000048  }
0xb5: {  	_ =	sfence  }
0xb6: {  	s30 =	sld [smem:$0x0];
	_ =	sdelay $0x2  }
0xb7: {  	s31 =	sshll.u32 s1, $0xD;
	s1 =	sshrl.u32 s1, $0x2  }
0xb8: {  	s3 =	sand.u32 $0x4000, s31;
	s1 =	sadd.s32 s1, s30  }
0xb9: {  	s0 =	sor.u32 s3, s0;
	s1 =	sshll.u32 s1, $0x11  }
0xba: {  	s0 =	sor.u32 s1, s0  }
0xbb: {  	s0 =	sadd.s32 $0x8F2B, s0  }
0xbc: {  	[sflag:s0] =	ssyncadd.remote.s32 $0x1  }
0xbd: {  	_ =	sfence.sel $0xFFFF  }
0xbe: {  	[dreg:$0x0] =	wrdreg $0xFFFFFFFF;
	(pc) =	sbr.abs _section_cstart, $3  }
0xbf: {  	[dreg:$0x1] =	wrdreg $0xFFFFFFFF  }
0xc0: {  	_ =	task.clear_ibuf [dreg:s6], $0x2FFFF;
	_ =	strace $0x9FFFFFFF  }
0xc1: {  	(tm) =	ssettm $0x7FFFFFFF  }
tec
execute0_lowered:
.L_overlay_start_1:
0x0: {  	(tag) =	ssettag $0x1  }
0x1: {  	s3 =	rddreg [dreg:$0x0];
	s1 =	stileid.u32  }
0x2: {  	s0 =	rddreg [dreg:$0x1];
	s4 =	srdreg.scid;
	s2 =	simm.s32 $0x0  }
0x3: {  	s15 =	simm.s32 $0x200;
	s16 =	simm.s32 $0x1;
	s17 =	simm.s32 $0x400  }
0x4: {  	s18 =	simm.s32 $0x18200;
	s19 =	simm.s32 $0x18400;
	s20 =	simm.s32 $0x18600  }
0x5: {  	s21 =	simm.s32 $0x18800;
	s22 =	simm.s32 $0x18A00;
	s23 =	simm.s32 $0x18C00  }
0x6: {  	s25 =	simm.s32 $0x19000;
	s26 =	simm.s32 $0x0;
	s5 =	sshll.u32 s1, $0x1  }
0x7: {  	s4 =	sand.u32 $0x1, s4;
	[smem:$0x7FF] =	sst s2;
	s6 =	sshrl.u32 s1, $0x2  }
0x8: {  	s5 =	sand.u32 $0x6, s5;
	_ =	strace $0x80000047;
	s30 =	sshll.u32 s6, $0xC  }
0x9: {  	s6 =	sshll.u32 s6, $0x4;
	s10 =	sor.u32 s4, s5;
	s4 =	ssub.s32 $0x2, s4  }
0xa: {  	s12 =	sadd.s32 s6, s3;
	s24 =	sshll.u32 s10, $0x9;
	s31 =	sshrl.u32 s4, $0x1  }
0xb: {  	v1 =	vlaneseq.u32;
	s14 =	sshll.u32 s10, $0xC;
	s5 =	sor.u32 s30, s24;
	s13 =	ssub.s32 s4, s31  }
0xc: {  	v0 =	vor.u32 s24, v1;
	s24 =	simm.s32 $0x18E00;
	s11 =	sadd.s32 s5, s3;
	s3 =	sadd.s32 $0x5E00, s12  }
0xd: {  	v31 =	vmul.u32 $0x10, v1;
	s12 =	sadd.s32 s14, s12;
	s13 =	smax.u32 s13, $0x1;
	s14 =	simm.s32 $0x80  }
0xe: {  	s4 =	sadd.s32 $0x1E00, s11;
	s5 =	sadd.s32 $0x1E10, s11;
	s6 =	sadd.s32 $0x1E20, s11  }
0xf: {  	[tilespmem:$0x1FFF0] =	vst v31;
	s7 =	sadd.s32 $0x1E30, s11;
	s8 =	sadd.s32 $0x1E40, s11;
	s9 =	sadd.s32 $0x1E50, s11  }
0x10: {  	[tilespmem:$0x1FFE0] =	vst v0;
	s10 =	sadd.s32 $0x1E60, s11;
	s11 =	sadd.s32 $0x1E70, s11;
	s12 =	sadd.s32 $0x11E00, s12  }
.LBB2_1:
0x11: {  	[tilespmem:s2], [sflag:$0x1] =	stream.strided.gather [hbm4b:s3+s14], $0x18000, s15, s14, $0x38;
	[tilespmem:$0x1B000] =	vst v63  }
0x12: {  	_ =	swait.ge [sflag:s16], $0x18000  }
0x13: {  	[sflag:s16] =	ssyncset.done $0x0  }
0x14: {  	s28 =	simm.s32 $0x18000;
	[sflag:s16] =	ssyncadd.s32 $0xFFFE8000  }
0x15: {  	[tilespmem:s28], [sflag:$0x1] =	stream.strided.gather [hbm4b:s4+s14], $0x200, s17, s14, $0x38;
	[tilespmem:$0x1B000] =	vst v63  }
0x16: {  	_ =	swait.ge [sflag:s16], $0x200  }
0x17: {  	[sflag:s16] =	ssyncset.done $0x0  }
0x18: {  	[sflag:s16] =	ssyncadd.s32 $0xFFFFFE00  }
0x19: {  	[tilespmem:s18], [sflag:$0x1] =	stream.strided.gather [hbm4b:s5+s14], $0x200, s17, s14, $0x38;
	[tilespmem:$0x1B000] =	vst v63  }
0x1a: {  	_ =	swait.ge [sflag:s16], $0x200  }
0x1b: {  	[sflag:s16] =	ssyncset.done $0x0  }
0x1c: {  	[sflag:s16] =	ssyncadd.s32 $0xFFFFFE00  }
0x1d: {  	[tilespmem:s19], [sflag:$0x1] =	stream.strided.gather [hbm4b:s6+s14], $0x200, s17, s14, $0x38;
	[tilespmem:$0x1B000] =	vst v63  }
0x1e: {  	_ =	swait.ge [sflag:s16], $0x200  }
0x1f: {  	[sflag:s16] =	ssyncset.done $0x0  }
0x20: {  	[sflag:s16] =	ssyncadd.s32 $0xFFFFFE00  }
0x21: {  	[tilespmem:s20], [sflag:$0x1] =	stream.strided.gather [hbm4b:s7+s14], $0x200, s17, s14, $0x38;
	[tilespmem:$0x1B000] =	vst v63  }
0x22: {  	_ =	swait.ge [sflag:s16], $0x200  }
0x23: {  	[sflag:s16] =	ssyncset.done $0x0  }
0x24: {  	[sflag:s16] =	ssyncadd.s32 $0xFFFFFE00  }
0x25: {  	[tilespmem:s21], [sflag:$0x1] =	stream.strided.gather [hbm4b:s8+s14], $0x200, s17, s14, $0x38;
	[tilespmem:$0x1B000] =	vst v63  }
0x26: {  	_ =	swait.ge [sflag:s16], $0x200  }
0x27: {  	[sflag:s16] =	ssyncset.done $0x0  }
0x28: {  	[sflag:s16] =	ssyncadd.s32 $0xFFFFFE00  }
0x29: {  	[tilespmem:s22], [sflag:$0x1] =	stream.strided.gather [hbm4b:s9+s14], $0x200, s17, s14, $0x38;
	[tilespmem:$0x1B000] =	vst v63  }
0x2a: {  	_ =	swait.ge [sflag:s16], $0x200  }
0x2b: {  	[sflag:s16] =	ssyncset.done $0x0  }
0x2c: {  	[sflag:s16] =	ssyncadd.s32 $0xFFFFFE00  }
0x2d: {  	[tilespmem:s23], [sflag:$0x1] =	stream.strided.gather [hbm4b:s10+s14], $0x200, s17, s14, $0x38;
	[tilespmem:$0x1B000] =	vst v63  }
0x2e: {  	_ =	swait.ge [sflag:s16], $0x200  }
0x2f: {  	[sflag:s16] =	ssyncset.done $0x0  }
0x30: {  	[sflag:s16] =	ssyncadd.s32 $0xFFFFFE00  }
0x31: {  	[tilespmem:s24], [sflag:$0x1] =	stream.strided.gather [hbm4b:s11+s14], $0x200, s17, s14, $0x38;
	[tilespmem:$0x1B000] =	vst v63  }
0x32: {  	_ =	swait.ge [sflag:s16], $0x200  }
0x33: {  	[sflag:s16] =	ssyncset.done $0x0  }
0x34: {  	s29 =	simm.s32 $0x0;
	[sflag:s16] =	ssyncadd.s32 $0xFFFFFE00  }
.LBB2_2:
0x35: {  	_ = 	snop  }
0x36: {  	v2 =	vld [tilespmem:s28+$0x0];
	_ =	sdelay $0x2  }
0x37: {  	v3 =	vor.u32 s29, v0  }
0x38: {  	v3 =	vmul.u32 $0x18, v3  }
0x39: {  	s30 =	sand.u32 $0x1F0, s29;
	v33 =	vmul.u32 $0x18, v2  }
0x3a: {  	v6 =	vld [tilespmem:s30+$0x18200];
	v2 =	vadd.s32 $0x14, v3  }
0x3b: {  	v4 =	vadd.s32 $0x10, v33  }
0x3c: {  	v12 =	vld [tilespmem:s30+$0x18400];
	v5 =	vadd.s32 $0x15, v3  }
0x3d: {  	v8 =	vadd.s32 $0x16, v3  }
0x3e: {  	v28 =	vld [tilespmem:s30+$0x18600];
	v10 =	vadd.s32 $0x11, v33  }
0x3f: {  	v29 =	vmul.u32 $0x18, v6;
	v3 =	vadd.s32 $0x17, v3;
	v9 =	vld.idx.msk [tilespmem:v2+s2+$0x0], $0xffff  }
0x40: {  	v62 =	vadd.s32 $0x13, v33;
	v4 =	vld.idx.msk [tilespmem:v4+s2+$0x0], $0xffff  }
0x41: {  	v23 =	vmul.u32 $0x18, v12;
	v11 =	vadd.s32 $0x10, v29;
	v7 =	vld.idx.msk [tilespmem:v5+s2+$0x0], $0xffff  }
0x42: {  	v15 =	vadd.s32 $0x12, v29;
	v5 =	vld.idx.msk [tilespmem:v8+s2+$0x0], $0xffff  }
0x43: {  	v18 =	vmul.u32 $0x18, v28;
	v17 =	vadd.s32 $0x10, v23;
	v10 =	vld.idx.msk [tilespmem:v10+s2+$0x0], $0xffff  }
0x44: {  	v2 =	vadd.s32 $0x12, v33;
	v6 =	vld.idx.msk [tilespmem:v3+s2+$0x0], $0xffff  }
0x45: {  	v49 =	vadd.s32 $0x11, v18;
	v14 =	vld.idx.msk [tilespmem:v62+s2+$0x0], $0xffff  }
0x46: {  	v11 =	vld.idx.msk [tilespmem:v11+s2+$0x0], $0xffff  }
0x47: {  	v15 =	vld.idx.msk [tilespmem:v15+s2+$0x0], $0xffff  }
0x48: {  	v34 =	vld.idx.msk [tilespmem:v17+s2+$0x0], $0xffff  }
0x49: {  	v26 =	vadd.s32 $0x13, v29;
	v2 =	vld.idx.msk [tilespmem:v2+s2+$0x0], $0xffff  }
0x4a: {  	v19 =	vadd.s32 $0x11, v23;
	v31 =	vadd.s32 $0x12, v23;
	v35 =	vadd.s32 $0x13, v23;
	v17 =	vld.idx.msk [tilespmem:v49+s2+$0x0], $0xffff  }
0x4b: {  	v21 =	vadd.s32 $0x10, v18;
	v22 =	vadd.s32 $0x12, v18;
	v52 =	vadd.s32 $0x13, v18  }
0x4c: {  	v3 =	vadd.s32 $0x11, v29;
	v4 =	vadd.f32 v4, v9;
	v63 =	vadd.f32 v10, v7  }
0x4d: {  	v0 =	vor.u32 $0x6, v29;
	v14 =	vadd.f32 v14, v6;
	v27 =	vadd.f32 v11, v9  }
0x4e: {  	v1 =	vor.u32 $0x7, v29;
	v15 =	vadd.f32 v15, v5;
	v2 =	vadd.f32 v2, v5  }
0x4f: {  	v58 =	vadd.f32 v17, v7;
	v13 =	vmul.f32 $2.000000030e-01, v4;
	vm0 =	vge.f32 v4, $0.0e+00  }
0x50: {  	v47 =	vld [tilespmem:s30+$0x18800];
	vm9 =	vge.f32 v63, $0.0e+00;
	v25 =	vmul.f32 $2.000000030e-01, v63;
	v16 =	vmul.f32 $2.000000030e-01, v2  }
0x51: {  	v3 =	vld.idx.msk [tilespmem:v3+s2+$0x0], $0xffff;
	vm11 =	vge.f32 v14, $0.0e+00;
	v30 =	vmul.f32 $2.000000030e-01, v27;
	vm10 =	vge.f32 v2, $0.0e+00  }
0x52: {  	v51 =	vld.idx.msk [tilespmem:v21+s2+$0x0], $0xffff;
	vm12 =	vge.f32 v27, $0.0e+00;
	v41 =	vsel vm10, v2, v16;
	v2 =	vmul.f32 $2.000000030e-01, v14  }
0x53: {  	v20 =	vmul.f32 $2.000000030e-01, v15;
	vm14 =	vge.f32 v15, $0.0e+00;
	v61 =	vmul.f32 $2.000000030e-01, v58  }
0x54: {  	v8 =	vsel vm0, v4, v13;
	v44 =	vsel vm9, v63, v25;
	v42 =	vsel vm11, v14, v2;
	v2 =	vld.idx.msk [tilespmem:v26+s2+$0x0], $0xffff  }
0x55: {  	v56 =	vld [tilespmem:s30+$0x18A00];
	v4 =	vadd.f32 v34, v9;
	v13 =	vmul.u32 $0x18, v47;
	vm9 =	vge.f32 v58, $0.0e+00  }
0x56: {  	v24 =	vmax.f32 v8, $-3.399999950e+38;
	v12 =	vmax.f32 v44, $-3.399999950e+38;
	v3 =	vadd.f32 v3, v7  }
0x57: {  	v43 =	vsel vm12, v27, v30;
	v39 =	vsel vm14, v15, v20;
	v15 =	vadd.f32 v51, v9  }
0x58: {  	v19 =	vld.idx.msk [tilespmem:v19+s2+$0x0], $0xffff;
	v50 =	vmul.f32 $2.000000030e-01, v4;
	vm4 =	vge.f32 v4, $0.0e+00;
	v46 =	vmul.f32 $2.000000030e-01, v3  }
0x59: {  	v60 =	vadd.s32 $0x12, v13;
	vm13 =	vge.f32 v3, $0.0e+00;
	v2 =	vadd.f32 v2, v6  }
0x5a: {  	v37 =	vsel vm4, v4, v50;
	v4 =	vmul.u32 $0x18, v56;
	v40 =	vsel vm13, v3, v46;
	v3 =	vld.idx.msk [tilespmem:v31+s2+$0x0], $0xffff  }
0x5b: {  	v10 =	vmax.f32 v24, v43;
	v54 =	vadd.s32 $0x10, v13;
	v48 =	vmul.f32 $2.000000030e-01, v2  }
0x5c: {  	v62 =	vadd.s32 $0x13, v13;
	v16 =	vld.idx.msk [tilespmem:v35+s2+$0x0], $0xffff;
	v24 =	vadd.s32 $0x10, v4;
	vm15 =	vge.f32 v2, $0.0e+00  }
0x5d: {  	v49 =	vadd.s32 $0x11, v4;
	v38 =	vsel vm15, v2, v48;
	v2 =	vadd.f32 v19, v7  }
0x5e: {  	v57 =	vmul.f32 $2.000000030e-01, v15;
	vm8 =	vge.f32 v15, $0.0e+00;
	v10 =	vmax.f32 v10, v37  }
0x5f: {  	v31 =	vsel vm9, v58, v61;
	v17 =	vld.idx.msk [tilespmem:v60+s2+$0x0], $0xffff;
	v3 =	vadd.f32 v3, v5;
	v19 =	vmul.f32 $2.000000030e-01, v2  }
0x60: {  	v32 =	vmax.f32 v41, $-3.399999950e+38;
	v12 =	vmax.f32 v12, v40;
	v59 =	vld.idx.msk [tilespmem:v54+s2+$0x0], $0xffff;
	vm5 =	vge.f32 v2, $0.0e+00  }
0x61: {  	v16 =	vadd.f32 v16, v6;
	v50 =	vld.idx.msk [tilespmem:v24+s2+$0x0], $0xffff;
	v36 =	vsel vm5, v2, v19;
	v2 =	vmul.f32 $2.000000030e-01, v3  }
0x62: {  	v51 =	vadd.s32 $0x12, v4;
	v14 =	vmax.f32 v32, v39;
	v21 =	vld.idx.msk [tilespmem:v49+s2+$0x0], $0xffff;
	vm6 =	vge.f32 v3, $0.0e+00  }
0x63: {  	v53 =	vld.idx.msk [tilespmem:v22+s2+$0x0], $0xffff;
	v55 =	vmul.f32 $2.000000030e-01, v16;
	v35 =	vsel vm6, v3, v2;
	v3 =	vadd.s32 $0x11, v13  }
0x64: {  	v32 =	vsel vm8, v15, v57;
	vm7 =	vge.f32 v16, $0.0e+00;
	v17 =	vadd.f32 v17, v5;
	v2 =	vld.idx.msk [tilespmem:v52+s2+$0x0], $0xffff  }
0x65: {  	v45 =	vmax.f32 v42, $-3.399999950e+38;
	v34 =	vsel vm7, v16, v55;
	v16 =	vadd.f32 v59, v9  }
0x66: {  	v10 =	vmax.f32 v10, v32;
	vm14 =	vge.f32 v17, $0.0e+00;
	v22 =	vadd.f32 v50, v9  }
0x67: {  	v46 =	vld [tilespmem:s30+$0x18C00];
	vm12 =	vge.f32 v16, $0.0e+00;
	v58 =	vadd.f32 v21, v7;
	v11 =	vmax.f32 v45, v38  }
0x68: {  	v56 =	vmul.f32 $2.000000030e-01, v22;
	v19 =	vadd.f32 v53, v5;
	v53 =	vadd.s32 $0x13, v4;
	v3 =	vld.idx.msk [tilespmem:v3+s2+$0x0], $0xffff  }
0x69: {  	v48 =	vld.idx.msk [tilespmem:v62+s2+$0x0], $0xffff;
	vm4 =	vge.f32 v22, $0.0e+00;
	v21 =	vmul.f32 $2.000000030e-01, v58;
	v2 =	vadd.f32 v2, v6  }
0x6a: {  	v11 =	vmax.f32 v11, v34;
	v22 =	vsel vm4, v22, v56;
	vm5 =	vge.f32 v58, $0.0e+00  }
0x6b: {  	v12 =	vmax.f32 v12, v36;
	v21 =	vsel vm5, v58, v21;
	v45 =	vmul.f32 $2.000000030e-01, v2  }
0x6c: {  	v63 =	vmul.f32 $2.000000030e-01, v19;
	vm10 =	vge.f32 v19, $0.0e+00;
	vm11 =	vge.f32 v2, $0.0e+00  }
0x6d: {  	v20 =	vld.idx.msk [tilespmem:v53+s2+$0x0], $0xffff;
	v28 =	vsel vm11, v2, v45;
	v2 =	vmul.f32 $2.000000030e-01, v16;
	v47 =	vadd.f32 v3, v7  }
0x6e: {  	v52 =	vld [tilespmem:s30+$0x18E00];
	v30 =	vsel vm10, v19, v63;
	v19 =	vadd.f32 v48, v6;
	v3 =	vmul.u32 $0x18, v46  }
0x6f: {  	v14 =	vmax.f32 v14, v35;
	v27 =	vsel vm12, v16, v2;
	v2 =	vmul.f32 $2.000000030e-01, v47  }
0x70: {  	v55 =	vmul.f32 $2.000000030e-01, v19;
	vm13 =	vge.f32 v47, $0.0e+00;
	v54 =	vadd.s32 $0x10, v3  }
0x71: {  	v45 =	vld.idx.msk [tilespmem:v51+s2+$0x0], $0xffff;
	v46 =	vadd.s32 $0x11, v3;
	v26 =	vsel vm13, v47, v2;
	v2 =	vmul.f32 $2.000000030e-01, v17  }
0x72: {  	vm15 =	vge.f32 v19, $0.0e+00;
	v49 =	vadd.f32 v20, v6;
	v59 =	vadd.s32 $0x12, v3  }
0x73: {  	v47 =	vadd.s32 $0x13, v3;
	v25 =	vsel vm14, v17, v2;
	v2 =	vmul.u32 $0x18, v52  }
0x74: {  	v12 =	vmax.f32 v12, v31;
	v14 =	vmax.f32 v14, v30;
	v24 =	vsel vm15, v19, v55  }
0x75: {  	v11 =	vmax.f32 v11, v28;
	vm7 =	vge.f32 v49, $0.0e+00;
	v15 =	vld.idx.msk [tilespmem:v54+s2+$0x0], $0xffff;
	v57 =	vadd.s32 $0x10, v2  }
0x76: {  	v61 =	vmul.f32 $2.000000030e-01, v49;
	v45 =	vadd.f32 v45, v5;
	v46 =	vld.idx.msk [tilespmem:v46+s2+$0x0], $0xffff;
	v50 =	vadd.s32 $0x11, v2  }
0x77: {  	v11 =	vmax.f32 v11, v24;
	v10 =	vmax.f32 v10, v27;
	v62 =	vld.idx.msk [tilespmem:v59+s2+$0x0], $0xffff;
	v51 =	vadd.s32 $0x12, v2  }
0x78: {  	v19 =	vsel vm7, v49, v61;
	v48 =	vmul.f32 $2.000000030e-01, v45;
	v55 =	vadd.s32 $0x13, v2;
	v47 =	vld.idx.msk [tilespmem:v47+s2+$0x0], $0xffff  }
0x79: {  	v10 =	vmax.f32 v10, v22;
	v12 =	vmax.f32 v12, v26;
	vm6 =	vge.f32 v45, $0.0e+00  }
0x7a: {  	v14 =	vmax.f32 v14, v25;
	v20 =	vsel vm6, v45, v48;
	v15 =	vadd.f32 v15, v9;
	v60 =	vld.idx.msk [tilespmem:v57+s2+$0x0], $0xffff  }
0x7b: {  	v12 =	vmax.f32 v12, v21;
	v52 =	vmax.f32 v14, v20;
	v46 =	vadd.f32 v46, v7;
	v54 =	vld.idx.msk [tilespmem:v50+s2+$0x0], $0xffff  }
0x7c: {  	v56 =	vadd.f32 v62, v5;
	v50 =	vmax.f32 v11, v19;
	v59 =	vld.idx.msk [tilespmem:v51+s2+$0x0], $0xffff;
	v63 =	vmul.f32 $2.000000030e-01, v15  }
0x7d: {  	v48 =	vld.idx.msk [tilespmem:v55+s2+$0x0], $0xffff;
	vm8 =	vge.f32 v15, $0.0e+00;
	v53 =	vmul.f32 $2.000000030e-01, v46;
	v47 =	vadd.f32 v47, v6  }
0x7e: {  	vm9 =	vge.f32 v46, $0.0e+00;
	vm11 =	vge.f32 v56, $0.0e+00;
	v17 =	vsel vm8, v15, v63  }
0x7f: {  	v16 =	vsel vm9, v46, v53;
	v61 =	vmul.f32 $2.000000030e-01, v47;
	vm12 =	vge.f32 v47, $0.0e+00  }
0x80: {  	v10 =	vmax.f32 v10, v17;
	v57 =	vmax.f32 v12, v16;
	v9 =	vadd.f32 v60, v9  }
0x81: {  	v60 =	vmul.f32 $2.000000030e-01, v56;
	v7 =	vadd.f32 v54, v7;
	v14 =	vsel vm12, v47, v61  }
0x82: {  	v5 =	vadd.f32 v59, v5;
	v54 =	vadd.f32 v48, v6;
	v59 =	vor.u32 $0x2, v33  }
0x83: {  	v61 =	vor.u32 $0x4, v33;
	v58 =	vmul.f32 $2.000000030e-01, v9;
	vm10 =	vge.f32 v9, $0.0e+00  }
0x84: {  	v15 =	vsel vm11, v56, v60;
	v62 =	vmul.f32 $2.000000030e-01, v7;
	vm13 =	vge.f32 v7, $0.0e+00  }
0x85: {  	vm14 =	vge.f32 v5, $0.0e+00;
	v53 =	vmul.f32 $2.000000030e-01, v5;
	v56 =	vmax.f32 v50, v14  }
0x86: {  	vm15 =	vge.f32 v54, $0.0e+00;
	v60 =	vor.u32 $0x3, v33;
	v63 =	vmax.f32 v52, v15  }
0x87: {  	v11 =	vsel vm10, v9, v58;
	v9 =	vsel vm13, v7, v62;
	v6 =	vsel vm14, v5, v53  }
0x88: {  	v58 =	vmul.f32 $2.000000030e-01, v54;
	v12 =	vmax.f32 v10, v11;
	v10 =	vmax.f32 v57, v9  }
0x89: {  	v57 =	vor.u32 $0x1, v33;
	v8 =	vsub.f32 v8, v12;
	v55 =	vsub.f32 v44, v10  }
0x8a: {  	v45 =	vld.idx.msk [tilespmem:v61+s2+$0x0], $0xffff;
	v61 =	vor.u32 $0x1, v29;
	v43 =	vsub.f32 v43, v12;
	v40 =	vsub.f32 v40, v10  }
0x8b: {  	v5 =	vsel vm15, v54, v58;
	v37 =	vsub.f32 v37, v12;
	v36 =	vsub.f32 v36, v10  }
0x8c: {  	v58 =	vadd.s32 $0x9, v33;
	v32 =	vsub.f32 v32, v12;
	v31 =	vsub.f32 v31, v10  }
0x8d: {  	v54 =	vor.u32 $0x2, v29;
	v27 =	vsub.f32 v27, v12;
	v26 =	vsub.f32 v26, v10  }
0x8e: {  	v22 =	vsub.f32 v22, v12;
	v21 =	vsub.f32 v21, v10;
	v52 =	vmul.f32 $1.442695020e+00, v8  }
0x8f: {  	v17 =	vsub.f32 v17, v12;
	v7 =	vmul.f32 $1.442695020e+00, v55;
	v43 =	vmul.f32 $1.442695020e+00, v43  }
0x90: {  	v16 =	vsub.f32 v16, v10;
	v40 =	vmul.f32 $1.442695020e+00, v40;
	(erf) = vpow2.f32 v52  }
0x91: {  	v11 =	vsub.f32 v11, v12;
	v37 =	vmul.f32 $1.442695020e+00, v37;
	v36 =	vmul.f32 $1.442695020e+00, v36  }
0x92: {  	v9 =	vsub.f32 v9, v10;
	v32 =	vmul.f32 $1.442695020e+00, v32;
	v31 =	vmul.f32 $1.442695020e+00, v31  }
0x93: {  	v8 =	vmax.f32 v63, v6;
	v27 =	vmul.f32 $1.442695020e+00, v27;
	v26 =	vmul.f32 $1.442695020e+00, v26  }
0x94: {  	v63 =	vor.u32 $0x5, v33;
	v22 =	vmul.f32 $1.442695020e+00, v22;
	v21 =	vmul.f32 $1.442695020e+00, v21  }
0x95: {  	v62 =	vld.idx.msk [tilespmem:v33+s2+$0x0], $0xffff;
	v41 =	vsub.f32 v41, v8;
	(erf) = vpow2.f32 v7;
	v7 =	vmax.f32 v56, v5  }
0x96: {  	v17 =	vmul.f32 $1.442695020e+00, v17;
	v47 =	vld.idx.msk [tilespmem:v57+s2+$0x0], $0xffff;
	v56 =	vor.u32 $0x6, v33;
	v42 =	vsub.f32 v42, v7  }
0x97: {  	v48 =	vld.idx.msk [tilespmem:v59+s2+$0x0], $0xffff;
	v16 =	vmul.f32 $1.442695020e+00, v16;
	v57 =	vor.u32 $0x7, v33;
	v41 =	vmul.f32 $1.442695020e+00, v41  }
0x98: {  	v46 =	vld.idx.msk [tilespmem:v60+s2+$0x0], $0xffff;
	v11 =	vmul.f32 $1.442695020e+00, v11;
	v52 =	vadd.s32 $0x8, v33;
	v42 =	vmul.f32 $1.442695020e+00, v42  }
0x99: {  	v39 =	vsub.f32 v39, v8;
	v35 =	vsub.f32 v35, v8;
	v54 =	vld.idx.msk [tilespmem:v54+s2+$0x0], $0xffff;
	v53 =	vpop (erf);
	(erf) = vpow2.f32 v41  }
0x9a: {  	v30 =	vsub.f32 v30, v8;
	v25 =	vsub.f32 v25, v8;
	v49 =	vld.idx.msk [tilespmem:v63+s2+$0x0], $0xffff;
	(erf) = vpow2.f32 v42  }
0x9b: {  	v60 =	vld.idx.msk [tilespmem:v56+s2+$0x0], $0xffff;
	v56 =	vadd.s32 $0xA, v33;
	v59 =	vmul.f32 v53, v47;
	(erf) = vpow2.f32 v43  }
0x9c: {  	v9 =	vmul.f32 $1.442695020e+00, v9;
	v20 =	vsub.f32 v20, v8;
	v15 =	vsub.f32 v15, v8;
	v51 =	vld.idx.msk [tilespmem:v57+s2+$0x0], $0xffff  }
0x9d: {  	v38 =	vsub.f32 v38, v7;
	v52 =	vld.idx.msk [tilespmem:v52+s2+$0x0], $0xffff;
	v42 =	vadd.f32 $0.0e+00, v59;
	v59 =	vor.u32 $0x3, v29  }
0x9e: {  	v41 =	vld.idx.msk [tilespmem:v58+s2+$0x0], $0xffff;
	v44 =	vmul.f32 v53, v62;
	v62 =	vpop (erf);
	(erf) = vpow2.f32 v40;
	v40 =	vor.u32 $0x4, v29  }
0x9f: {  	v6 =	vsub.f32 v6, v8;
	v39 =	vmul.f32 $1.442695020e+00, v39;
	v63 =	vor.u32 $0x5, v29;
	v43 =	vld.idx.msk [tilespmem:v61+s2+$0x0], $0xffff  }
0xa0: {  	v38 =	vmul.f32 $1.442695020e+00, v38;
	v58 =	vadd.s32 $0xB, v33;
	v48 =	vmul.f32 v53, v48;
	v56 =	vld.idx.msk [tilespmem:v56+s2+$0x0], $0xffff  }
0xa1: {  	v57 =	vld.idx.msk [tilespmem:v29+s2+$0x0], $0xffff;
	v50 =	vadd.f32 $0.0e+00, v53;
	v46 =	vmul.f32 v46, v53;
	v45 =	vmul.f32 v45, v62  }
0xa2: {  	v55 =	vadd.f32 $0.0e+00, v62;
	v49 =	vmul.f32 v49, v62;
	v61 =	vadd.s32 $0xC, v33;
	v59 =	vld.idx.msk [tilespmem:v59+s2+$0x0], $0xffff;
	v53 =	vpop (erf)  }
0xa3: {  	v47 =	vmul.f32 v60, v62;
	v51 =	vmul.f32 v51, v62;
	v44 =	vadd.f32 $0.0e+00, v44;
	v40 =	vld.idx.msk [tilespmem:v40+s2+$0x0], $0xffff;
	v60 =	vpop (erf)  }
0xa4: {  	v0 =	vld.idx.msk [tilespmem:v0+s2+$0x0], $0xffff;
	v48 =	vadd.f32 $0.0e+00, v48;
	v52 =	vmul.f32 v52, v53;
	v41 =	vmul.f32 v41, v53;
	v62 =	vpop (erf)  }
0xa5: {  	v1 =	vld.idx.msk [tilespmem:v1+s2+$0x0], $0xffff;
	v46 =	vadd.f32 $0.0e+00, v46;
	v56 =	vmul.f32 v56, v53;
	v43 =	vmul.f32 v43, v62  }
0xa6: {  	v58 =	vld.idx.msk [tilespmem:v58+s2+$0x0], $0xffff;
	v57 =	vmul.f32 v57, v62;
	v54 =	vmul.f32 v54, v62;
	v50 =	vadd.f32 v50, v62  }
0xa7: {  	v59 =	vmul.f32 v59, v62;
	v62 =	vpop (erf);
	v42 =	vadd.f32 v43, v42;
	v43 =	vld.idx.msk [tilespmem:v61+s2+$0x0], $0xffff;
	v61 =	vadd.s32 $0xE, v33  }
0xa8: {  	v63 =	vld.idx.msk [tilespmem:v63+s2+$0x0], $0xffff;
	v45 =	vadd.f32 $0.0e+00, v45;
	(erf) = vpow2.f32 v39;
	v40 =	vmul.f32 v40, v62  }
0xa9: {  	v39 =	vadd.s32 $0x8, v29;
	v44 =	vadd.f32 v57, v44;
	v57 =	vadd.s32 $0xD, v33  }
0xaa: {  	v48 =	vadd.f32 v54, v48;
	v40 =	vadd.f32 v40, v45;
	v45 =	vadd.s32 $0x9, v29  }
0xab: {  	v54 =	vadd.f32 $0.0e+00, v53;
	v53 =	vmul.f32 v58, v53;
	v55 =	vadd.f32 v55, v62  }
0xac: {  	v0 =	vmul.f32 v0, v62;
	v1 =	vmul.f32 v1, v62;
	v58 =	vld.idx.msk [tilespmem:v61+s2+$0x0], $0xffff;
	v61 =	vadd.s32 $0xA, v29  }
0xad: {  	v46 =	vadd.f32 v59, v46;
	v59 =	vmul.f32 v63, v62;
	v62 =	vadd.s32 $0xB, v29  }
0xae: {  	v49 =	vadd.f32 $0.0e+00, v49;
	v47 =	vadd.f32 $0.0e+00, v47;
	v33 =	vadd.s32 $0xF, v33;
	v39 =	vld.idx.msk [tilespmem:v39+s2+$0x0], $0xffff  }
0xaf: {  	v51 =	vadd.f32 $0.0e+00, v51;
	(erf) = vpow2.f32 v38;
	v38 =	vadd.s32 $0xC, v29;
	v45 =	vld.idx.msk [tilespmem:v45+s2+$0x0], $0xffff  }
0xb0: {  	v35 =	vmul.f32 $1.442695020e+00, v35;
	v52 =	vadd.f32 $0.0e+00, v52;
	v41 =	vadd.f32 $0.0e+00, v41;
	v57 =	vld.idx.msk [tilespmem:v57+s2+$0x0], $0xffff  }
0xb1: {  	v0 =	vadd.f32 v0, v47;
	v49 =	vadd.f32 v59, v49;
	v59 =	vadd.s32 $0xD, v29;
	v47 =	vld.idx.msk [tilespmem:v61+s2+$0x0], $0xffff  }
0xb2: {  	v56 =	vadd.f32 $0.0e+00, v56;
	(erf) = vpow2.f32 v37;
	v61 =	vld.idx.msk [tilespmem:v62+s2+$0x0], $0xffff;
	v62 =	vadd.s32 $0xE, v29  }
0xb3: {  	v1 =	vadd.f32 v1, v51;
	v33 =	vld.idx.msk [tilespmem:v33+s2+$0x0], $0xffff;
	v43 =	vmul.f32 v43, v60;
	v51 =	vpop (erf);
	v29 =	vadd.s32 $0xF, v29  }
0xb4: {  	v53 =	vadd.f32 $0.0e+00, v53;
	v38 =	vld.idx.msk [tilespmem:v38+s2+$0x0], $0xffff;
	v39 =	vmul.f32 v39, v51;
	v45 =	vmul.f32 v45, v51  }
0xb5: {  	v37 =	vor.u32 $0x1, v23;
	v43 =	vadd.f32 $0.0e+00, v43;
	v54 =	vadd.f32 v54, v51  }
0xb6: {  	v57 =	vmul.f32 v57, v60;
	v39 =	vadd.f32 v39, v52;
	v52 =	vld.idx.msk [tilespmem:v59+s2+$0x0], $0xffff;
	v41 =	vadd.f32 v45, v41  }
0xb7: {  	v45 =	vor.u32 $0x3, v23;
	v47 =	vmul.f32 v47, v51;
	v51 =	vmul.f32 v61, v51;
	v61 =	vld.idx.msk [tilespmem:v62+s2+$0x0], $0xffff  }
0xb8: {  	v58 =	vmul.f32 v58, v60;
	v33 =	vmul.f32 v33, v60;
	v59 =	vpop (erf);
	v62 =	vor.u32 $0x2, v23;
	v29 =	vld.idx.msk [tilespmem:v29+s2+$0x0], $0xffff  }
0xb9: {  	v60 =	vadd.f32 $0.0e+00, v60;
	v57 =	vadd.f32 $0.0e+00, v57;
	v38 =	vmul.f32 v38, v59  }
0xba: {  	v37 =	vld.idx.msk [tilespmem:v37+s2+$0x0], $0xffff;
	(erf) = vpow2.f32 v36;
	v58 =	vadd.f32 $0.0e+00, v58;
	v33 =	vadd.f32 $0.0e+00, v33  }
0xbb: {  	v36 =	vor.u32 $0x4, v23;
	v38 =	vadd.f32 v38, v43;
	v43 =	vld.idx.msk [tilespmem:v23+s2+$0x0], $0xffff;
	v47 =	vadd.f32 v47, v56  }
0xbc: {  	v52 =	vmul.f32 v52, v59;
	v51 =	vadd.f32 v51, v53;
	v53 =	vadd.f32 v60, v59;
	v45 =	vld.idx.msk [tilespmem:v45+s2+$0x0], $0xffff  }
0xbd: {  	v56 =	vmul.f32 v61, v59;
	v60 =	vld.idx.msk [tilespmem:v62+s2+$0x0], $0xffff;
	v29 =	vmul.f32 v29, v59;
	v59 =	vor.u32 $0x6, v23  }
0xbe: {  	v34 =	vsub.f32 v34, v7;
	v52 =	vadd.f32 v52, v57;
	v61 =	vor.u32 $0x5, v23  }
0xbf: {  	v57 =	vor.u32 $0x7, v23;
	v56 =	vadd.f32 v56, v58;
	v29 =	vadd.f32 v29, v33  }
0xc0: {  	v33 =	vpop (erf);
	(erf) = vpow2.f32 v35;
	v35 =	vadd.s32 $0x8, v23;
	v58 =	vadd.s32 $0x9, v23  }
0xc1: {  	v36 =	vld.idx.msk [tilespmem:v36+s2+$0x0], $0xffff;
	v50 =	vadd.f32 v50, v33;
	v43 =	vmul.f32 v43, v33;
	v37 =	vmul.f32 v37, v33  }
0xc2: {  	v60 =	vmul.f32 v60, v33;
	v33 =	vmul.f32 v45, v33;
	v45 =	vld.idx.msk [tilespmem:v59+s2+$0x0], $0xffff;
	v59 =	vadd.s32 $0xB, v23  }
0xc3: {  	v30 =	vmul.f32 $1.442695020e+00, v30;
	v34 =	vmul.f32 $1.442695020e+00, v34;
	v62 =	vadd.s32 $0xA, v23;
	v61 =	vld.idx.msk [tilespmem:v61+s2+$0x0], $0xffff  }
0xc4: {  	v25 =	vmul.f32 $1.442695020e+00, v25;
	v28 =	vsub.f32 v28, v7;
	v37 =	vadd.f32 v37, v42;
	v42 =	vld.idx.msk [tilespmem:v57+s2+$0x0], $0xffff  }
0xc5: {  	v33 =	vadd.f32 v33, v46;
	v46 =	vpop (erf);
	v35 =	vld.idx.msk [tilespmem:v35+s2+$0x0], $0xffff;
	(erf) = vpow2.f32 v34;
	v34 =	vadd.s32 $0xD, v23  }
0xc6: {  	v20 =	vmul.f32 $1.442695020e+00, v20;
	v43 =	vadd.f32 v43, v44;
	v44 =	vadd.f32 v60, v48;
	v57 =	vld.idx.msk [tilespmem:v58+s2+$0x0], $0xffff  }
0xc7: {  	v36 =	vmul.f32 v36, v46;
	v63 =	vmul.f32 v45, v46;
	v45 =	vld.idx.msk [tilespmem:v59+s2+$0x0], $0xffff;
	v59 =	vadd.s32 $0xE, v23  }
0xc8: {  	v48 =	vadd.s32 $0xC, v23;
	v60 =	vld.idx.msk [tilespmem:v62+s2+$0x0], $0xffff;
	v55 =	vadd.f32 v55, v46;
	v58 =	vmul.f32 v61, v46  }
0xc9: {  	v36 =	vadd.f32 v36, v40;
	v42 =	vmul.f32 v42, v46;
	v23 =	vadd.s32 $0xF, v23  }
0xca: {  	v61 =	vpop (erf);
	(erf) = vpow2.f32 v32;
	v49 =	vadd.f32 v58, v49;
	v0 =	vadd.f32 v63, v0;
	v34 =	vld.idx.msk [tilespmem:v34+s2+$0x0], $0xffff  }
0xcb: {  	v35 =	vmul.f32 v35, v61;
	v1 =	vadd.f32 v42, v1;
	v58 =	vor.u32 $0x1, v18  }
0xcc: {  	v42 =	vadd.f32 v54, v61;
	v63 =	vmul.f32 v57, v61;
	v57 =	vld.idx.msk [tilespmem:v59+s2+$0x0], $0xffff;
	v59 =	vor.u32 $0x2, v18  }
0xcd: {  	v62 =	vld.idx.msk [tilespmem:v48+s2+$0x0], $0xffff;
	v54 =	vmul.f32 v60, v61;
	v45 =	vmul.f32 v45, v61;
	v61 =	vor.u32 $0x3, v18  }
0xce: {  	v15 =	vmul.f32 $1.442695020e+00, v15;
	v32 =	vadd.f32 v35, v39;
	v35 =	vadd.f32 v63, v41;
	v23 =	vld.idx.msk [tilespmem:v23+s2+$0x0], $0xffff;
	v60 =	vpop (erf)  }
0xcf: {  	v39 =	vadd.f32 v54, v47;
	v54 =	vld.idx.msk [tilespmem:v18+s2+$0x0], $0xffff;
	v63 =	vor.u32 $0x5, v18;
	v34 =	vmul.f32 v34, v60  }
0xd0: {  	(erf) = vpow2.f32 v31;
	v31 =	vor.u32 $0x4, v18;
	v45 =	vadd.f32 v45, v51;
	v46 =	vld.idx.msk [tilespmem:v58+s2+$0x0], $0xffff  }
0xd1: {  	v53 =	vadd.f32 v53, v60;
	v34 =	vadd.f32 v34, v52;
	v52 =	vor.u32 $0x6, v18;
	v41 =	vld.idx.msk [tilespmem:v59+s2+$0x0], $0xffff  }
0xd2: {  	v40 =	vmul.f32 v62, v60;
	v62 =	vmul.f32 v57, v60;
	v51 =	vld.idx.msk [tilespmem:v61+s2+$0x0], $0xffff;
	v61 =	vor.u32 $0x7, v18  }
0xd3: {  	v23 =	vmul.f32 v23, v60;
	v60 =	vpop (erf);
	(erf) = vpow2.f32 v30;
	v30 =	vadd.s32 $0x8, v18  }
0xd4: {  	v6 =	vmul.f32 $1.442695020e+00, v6;
	v24 =	vsub.f32 v24, v7;
	v19 =	vsub.f32 v19, v7;
	v48 =	vld.idx.msk [tilespmem:v63+s2+$0x0], $0xffff  }
0xd5: {  	v38 =	vadd.f32 v40, v38;
	v63 =	vadd.s32 $0x9, v18;
	v40 =	vadd.f32 v62, v56;
	v62 =	vld.idx.msk [tilespmem:v31+s2+$0x0], $0xffff  }
0xd6: {  	v54 =	vmul.f32 v54, v60;
	v31 =	vadd.f32 v50, v60;
	v46 =	vmul.f32 v46, v60;
	v52 =	vld.idx.msk [tilespmem:v52+s2+$0x0], $0xffff  }
0xd7: {  	v41 =	vmul.f32 v41, v60;
	v47 =	vmul.f32 v51, v60;
	v51 =	vld.idx.msk [tilespmem:v61+s2+$0x0], $0xffff;
	v60 =	vadd.s32 $0xB, v18  }
0xd8: {  	v14 =	vsub.f32 v14, v7;
	v43 =	vadd.f32 v54, v43;
	v54 =	vadd.s32 $0xA, v18;
	v30 =	vld.idx.msk [tilespmem:v30+s2+$0x0], $0xffff  }
0xd9: {  	v28 =	vmul.f32 $1.442695020e+00, v28;
	v23 =	vadd.f32 v23, v29;
	v37 =	vadd.f32 v46, v37;
	v61 =	vpop (erf)  }
0xda: {  	v33 =	vadd.f32 v47, v33;
	v29 =	vmul.f32 v62, v61;
	v47 =	vld.idx.msk [tilespmem:v63+s2+$0x0], $0xffff;
	v62 =	vadd.s32 $0xD, v18  }
0xdb: {  	(erf) = vpow2.f32 v28;
	v28 =	vadd.s32 $0xC, v18;
	v41 =	vadd.f32 v41, v44  }
0xdc: {  	v44 =	vadd.f32 v55, v61;
	v63 =	vmul.f32 v48, v61;
	v57 =	vmul.f32 v52, v61;
	v59 =	vpop (erf);
	v60 =	vld.idx.msk [tilespmem:v60+s2+$0x0], $0xffff  }
0xdd: {  	v58 =	vld.idx.msk [tilespmem:v54+s2+$0x0], $0xffff;
	v46 =	vmul.f32 v51, v61;
	v61 =	vadd.s32 $0xE, v18;
	v30 =	vmul.f32 v30, v59  }
0xde: {  	v54 =	vor.u32 $0x4, v13;
	v29 =	vadd.f32 v29, v36;
	v18 =	vadd.s32 $0xF, v18  }
0xdf: {  	(erf) = vpow2.f32 v27;
	v30 =	vadd.f32 v30, v32;
	v32 =	vld.idx.msk [tilespmem:v62+s2+$0x0], $0xffff;
	v62 =	vmul.f32 v47, v59  }
0xe0: {  	v56 =	vor.u32 $0x1, v13;
	v36 =	vadd.f32 v63, v49;
	v28 =	vld.idx.msk [tilespmem:v28+s2+$0x0], $0xffff;
	v0 =	vadd.f32 v57, v0  }
0xe1: {  	v35 =	vadd.f32 v62, v35;
	v62 =	vld.idx.msk [tilespmem:v13+s2+$0x0], $0xffff;
	v57 =	vmul.f32 v60, v59;
	v60 =	vor.u32 $0x2, v13  }
0xe2: {  	v27 =	vadd.f32 v42, v59;
	v63 =	vmul.f32 v58, v59;
	v59 =	vld.idx.msk [tilespmem:v61+s2+$0x0], $0xffff;
	v61 =	vor.u32 $0x3, v13  }
0xe3: {  	v24 =	vmul.f32 $1.442695020e+00, v24;
	v19 =	vmul.f32 $1.442695020e+00, v19;
	v18 =	vld.idx.msk [tilespmem:v18+s2+$0x0], $0xffff  }
0xe4: {  	v5 =	vsub.f32 v5, v7;
	v14 =	vmul.f32 $1.442695020e+00, v14;
	v58 =	vpop (erf);
	(erf) = vpow2.f32 v26;
	v26 =	vld.idx.msk [tilespmem:v54+s2+$0x0], $0xffff  }
0xe5: {  	v39 =	vadd.f32 v63, v39;
	v63 =	vld.idx.msk [tilespmem:v56+s2+$0x0], $0xffff;
	v45 =	vadd.f32 v57, v45;
	v57 =	vor.u32 $0x5, v13  }
0xe6: {  	v52 =	vadd.s32 $0x9, v13;
	v54 =	vadd.s32 $0xA, v13;
	v28 =	vmul.f32 v28, v58;
	v56 =	vld.idx.msk [tilespmem:v60+s2+$0x0], $0xffff  }
0xe7: {  	v48 =	vadd.f32 v53, v58;
	v55 =	vmul.f32 v59, v58;
	v42 =	vld.idx.msk [tilespmem:v61+s2+$0x0], $0xffff;
	v59 =	vor.u32 $0x6, v13  }
0xe8: {  	v32 =	vmul.f32 v32, v58;
	v18 =	vmul.f32 v18, v58;
	v58 =	vpop (erf);
	v61 =	vor.u32 $0x7, v13  }
0xe9: {  	(erf) = vpow2.f32 v25;
	v60 =	vmul.f32 v62, v58;
	v62 =	vadd.s32 $0x8, v13  }
0xea: {  	v28 =	vadd.f32 v28, v38;
	v25 =	vadd.f32 v31, v58;
	v38 =	vmul.f32 v63, v58;
	v63 =	vld.idx.msk [tilespmem:v57+s2+$0x0], $0xffff  }
0xeb: {  	v31 =	vadd.f32 v60, v43;
	v43 =	vld.idx.msk [tilespmem:v52+s2+$0x0], $0xffff;
	v47 =	vmul.f32 v56, v58;
	v56 =	vadd.s32 $0xB, v13  }
0xec: {  	v5 =	vmul.f32 $1.442695020e+00, v5;
	v42 =	vmul.f32 v42, v58;
	v53 =	vld.idx.msk [tilespmem:v59+s2+$0x0], $0xffff;
	v58 =	vadd.s32 $0xC, v13  }
0xed: {  	v32 =	vadd.f32 v32, v34;
	v34 =	vadd.f32 v55, v40;
	v55 =	vld.idx.msk [tilespmem:v61+s2+$0x0], $0xffff;
	v59 =	vadd.s32 $0xD, v13  }
0xee: {  	v18 =	vadd.f32 v18, v23;
	v57 =	vpop (erf);
	(erf) = vpow2.f32 v24;
	v52 =	vadd.s32 $0xE, v13;
	v23 =	vld.idx.msk [tilespmem:v62+s2+$0x0], $0xffff  }
0xef: {  	v1 =	vadd.f32 v46, v1;
	v26 =	vmul.f32 v26, v57;
	v13 =	vadd.s32 $0xF, v13;
	v62 =	vld.idx.msk [tilespmem:v54+s2+$0x0], $0xffff  }
0xf0: {  	v37 =	vadd.f32 v38, v37;
	v44 =	vadd.f32 v44, v57;
	v60 =	vmul.f32 v63, v57;
	v46 =	vld.idx.msk [tilespmem:v56+s2+$0x0], $0xffff  }
0xf1: {  	v51 =	vor.u32 $0x5, v4;
	v26 =	vadd.f32 v26, v29;
	v41 =	vadd.f32 v47, v41;
	v24 =	vld.idx.msk [tilespmem:v58+s2+$0x0], $0xffff  }
0xf2: {  	v33 =	vadd.f32 v42, v33;
	v63 =	vpop (erf);
	v29 =	vadd.f32 v60, v36;
	(erf) = vpow2.f32 v22;
	v54 =	vld.idx.msk [tilespmem:v59+s2+$0x0], $0xffff  }
0xf3: {  	v61 =	vmul.f32 v53, v57;
	v38 =	vmul.f32 v55, v57;
	v22 =	vadd.f32 v27, v63;
	v58 =	vld.idx.msk [tilespmem:v52+s2+$0x0], $0xffff  }
0xf4: {  	v53 =	vmul.f32 v43, v63;
	v56 =	vor.u32 $0x1, v4;
	v59 =	vor.u32 $0x2, v4;
	v13 =	vld.idx.msk [tilespmem:v13+s2+$0x0], $0xffff  }
0xf5: {  	v23 =	vmul.f32 v23, v63;
	v55 =	vmul.f32 v62, v63;
	v0 =	vadd.f32 v61, v0  }
0xf6: {  	v1 =	vadd.f32 v38, v1;
	v27 =	vadd.f32 v53, v35;
	v61 =	vor.u32 $0x3, v4  }
0xf7: {  	v60 =	vpop (erf);
	(erf) = vpow2.f32 v21;
	v23 =	vadd.f32 v23, v30;
	v57 =	vmul.f32 v46, v63  }
0xf8: {  	v36 =	vadd.f32 v55, v39;
	v24 =	vmul.f32 v24, v60;
	v30 =	vmul.f32 v54, v60  }
0xf9: {  	v62 =	vld.idx.msk [tilespmem:v4+s2+$0x0], $0xffff;
	v63 =	vor.u32 $0x4, v4;
	v49 =	vmul.f32 v58, v60;
	v13 =	vmul.f32 v13, v60  }
0xfa: {  	v50 =	vld.idx.msk [tilespmem:v59+s2+$0x0], $0xffff;
	v54 =	vor.u32 $0x6, v4;
	v58 =	vadd.s32 $0x8, v4;
	v35 =	vadd.f32 v57, v45  }
0xfb: {  	v46 =	vor.u32 $0x2, v3;
	v45 =	vadd.f32 v48, v60;
	v24 =	vadd.f32 v24, v28;
	v48 =	vld.idx.msk [tilespmem:v56+s2+$0x0], $0xffff  }
0xfc: {  	v30 =	vadd.f32 v30, v32;
	v53 =	vld.idx.msk [tilespmem:v61+s2+$0x0], $0xffff;
	v32 =	vadd.f32 v49, v34;
	v56 =	vor.u32 $0x7, v4  }
0xfd: {  	v59 =	vld.idx.msk [tilespmem:v51+s2+$0x0], $0xffff;
	v13 =	vadd.f32 v13, v18;
	v60 =	vadd.s32 $0x9, v4;
	v49 =	vadd.s32 $0xB, v4;
	v52 =	vpop (erf)  }
0xfe: {  	(erf) = vpow2.f32 v20;
	v55 =	vmul.f32 v62, v52;
	v21 =	vadd.f32 v25, v52;
	v57 =	vld.idx.msk [tilespmem:v63+s2+$0x0], $0xffff  }
0xff: {  	v62 =	vadd.s32 $0xA, v4;
	v38 =	vmul.f32 v50, v52;
	v61 =	vld.idx.msk [tilespmem:v54+s2+$0x0], $0xffff;
	v50 =	vadd.s32 $0xC, v4  }
0x100: {  	v20 =	vld.idx.msk [tilespmem:v58+s2+$0x0], $0xffff;
	v25 =	vadd.f32 v55, v31;
	v63 =	vpop (erf);
	(erf) = vpow2.f32 v19;
	v55 =	vadd.s32 $0xE, v4  }
0x101: {  	v28 =	vmul.f32 v48, v52;
	v39 =	vmul.f32 v53, v52;
	v48 =	vld.idx.msk [tilespmem:v56+s2+$0x0], $0xffff;
	v38 =	vadd.f32 v38, v41  }
0x102: {  	v51 =	vmul.f32 v59, v63;
	v52 =	vld.idx.msk [tilespmem:v60+s2+$0x0], $0xffff;
	v53 =	vadd.s32 $0xD, v4;
	v41 =	vmov s29  }
0x103: {  	v58 =	vld.idx.msk [tilespmem:v49+s2+$0x0], $0xffff;
	v4 =	vadd.s32 $0xF, v4;
	v12 =	vshll.u32 v41, $0x4;
	v41 =	vadd.s32 $0x9, v2  }
0x104: {  	v28 =	vadd.f32 v28, v37;
	v33 =	vadd.f32 v39, v33;
	v54 =	vld.idx.msk [tilespmem:v62+s2+$0x0], $0xffff;
	v18 =	vmul.f32 v57, v63  }
0x105: {  	v39 =	vadd.f32 v44, v63;
	v40 =	vmul.f32 v61, v63;
	v19 =	vld.idx.msk [tilespmem:v50+s2+$0x0], $0xffff;
	v50 =	vor.u32 $0x4, v3  }
0x106: {  	v62 =	vld.idx.msk [tilespmem:v55+s2+$0x0], $0xffff;
	v55 =	vor.u32 $0x7, v3;
	v18 =	vadd.f32 v18, v26;
	v26 =	vadd.f32 v51, v29  }
0x107: {  	v56 =	vmul.f32 v48, v63;
	v57 =	vpop (erf);
	v0 =	vadd.f32 v40, v0;
	(erf) = vpow2.f32 v17  }
0x108: {  	v63 =	vor.u32 $0x1, v3;
	v48 =	vor.u32 $0x3, v3;
	v51 =	vor.u32 $0x5, v3  }
0x109: {  	v60 =	vld.idx.msk [tilespmem:v53+s2+$0x0], $0xffff;
	v53 =	vor.u32 $0x6, v3;
	v40 =	vadd.s32 $0x8, v2;
	v20 =	vmul.f32 v20, v57  }
0x10a: {  	v4 =	vld.idx.msk [tilespmem:v4+s2+$0x0], $0xffff;
	v22 =	vadd.f32 v22, v57;
	v59 =	vmul.f32 v52, v57;
	v44 =	vmul.f32 v58, v57  }
0x10b: {  	v52 =	vld.idx.msk [tilespmem:v46+s2+$0x0], $0xffff;
	v58 =	vadd.s32 $0x8, v3;
	v46 =	vadd.s32 $0xC, v3;
	v1 =	vadd.f32 v56, v1  }
0x10c: {  	v49 =	vld.idx.msk [tilespmem:v3+s2+$0x0], $0xffff;
	v61 =	vmul.f32 v54, v57;
	v20 =	vadd.f32 v20, v23;
	v23 =	vadd.f32 v59, v27  }
0x10d: {  	v47 =	vpop (erf);
	v27 =	vadd.f32 v44, v35;
	(erf) = vpow2.f32 v16;
	v16 =	vld.idx.msk [tilespmem:v50+s2+$0x0], $0xffff;
	v50 =	vadd.s32 $0xE, v3  }
0x10e: {  	v17 =	vadd.f32 v61, v36;
	v35 =	vadd.f32 v45, v47;
	v19 =	vmul.f32 v19, v47;
	v34 =	vld.idx.msk [tilespmem:v63+s2+$0x0], $0xffff  }
0x10f: {  	v31 =	vmul.f32 v62, v47;
	v61 =	vadd.s32 $0xA, v3;
	v29 =	vmul.f32 v60, v47;
	v54 =	vld.idx.msk [tilespmem:v48+s2+$0x0], $0xffff  }
0x110: {  	v4 =	vmul.f32 v4, v47;
	v60 =	vadd.s32 $0x9, v3;
	v56 =	vpop (erf);
	(erf) = vpow2.f32 v15  }
0x111: {  	v62 =	vld.idx.msk [tilespmem:v55+s2+$0x0], $0xffff;
	v63 =	vadd.s32 $0xB, v3;
	v47 =	vadd.s32 $0xD, v3;
	v19 =	vadd.f32 v19, v24  }
0x112: {  	v59 =	vld.idx.msk [tilespmem:v51+s2+$0x0], $0xffff;
	v3 =	vadd.s32 $0xF, v3;
	v31 =	vadd.f32 v31, v32;
	v24 =	vadd.f32 v29, v30  }
0x113: {  	v37 =	vld.idx.msk [tilespmem:v53+s2+$0x0], $0xffff;
	v4 =	vadd.f32 v4, v13;
	v57 =	vmul.f32 v49, v56;
	v34 =	vmul.f32 v34, v56  }
0x114: {  	v45 =	vld.idx.msk [tilespmem:v58+s2+$0x0], $0xffff;
	v21 =	vadd.f32 v21, v56;
	v36 =	vmul.f32 v52, v56;
	v13 =	vmul.f32 v54, v56  }
0x115: {  	v49 =	vld.idx.msk [tilespmem:v61+s2+$0x0], $0xffff;
	v54 =	vor.u32 $0x1, v2;
	v56 =	vor.u32 $0x2, v2;
	v61 =	vor.u32 $0x4, v2  }
0x116: {  	v55 =	vld.idx.msk [tilespmem:v50+s2+$0x0], $0xffff;
	v25 =	vadd.f32 v57, v25;
	v28 =	vadd.f32 v34, v28;
	v44 =	vpop (erf);
	(erf) = vpow2.f32 v14  }
0x117: {  	v30 =	vld.idx.msk [tilespmem:v63+s2+$0x0], $0xffff;
	v63 =	vor.u32 $0x6, v2;
	v32 =	vadd.f32 v36, v38;
	v13 =	vadd.f32 v13, v33  }
0x118: {  	v15 =	vld.idx.msk [tilespmem:v60+s2+$0x0], $0xffff;
	v57 =	vor.u32 $0x3, v2;
	v16 =	vmul.f32 v16, v44;
	v48 =	vmul.f32 v59, v44  }
0x119: {  	v52 =	vld.idx.msk [tilespmem:v46+s2+$0x0], $0xffff;
	v36 =	vor.u32 $0x7, v2;
	v37 =	vmul.f32 v37, v44;
	v51 =	vpop (erf);
	(erf) = vpow2.f32 v11  }
0x11a: {  	v3 =	vld.idx.msk [tilespmem:v3+s2+$0x0], $0xffff;
	v38 =	vadd.f32 v39, v44;
	v29 =	vmul.f32 v62, v44;
	v16 =	vadd.f32 v16, v18  }
0x11b: {  	v14 =	vld.idx.msk [tilespmem:v47+s2+$0x0], $0xffff;
	v62 =	vor.u32 $0x5, v2;
	v18 =	vadd.f32 v48, v26;
	v0 =	vadd.f32 v37, v0  }
0x11c: {  	v1 =	vadd.f32 v29, v1;
	v34 =	vld.idx.msk [tilespmem:v56+s2+$0x0], $0xffff;
	v56 =	vadd.s32 $0xC, v2;
	v33 =	vmul.f32 v45, v51  }
0x11d: {  	v11 =	vld.idx.msk [tilespmem:v54+s2+$0x0], $0xffff;
	v54 =	vadd.s32 $0xB, v2;
	v15 =	vmul.f32 v15, v51;
	(erf) = vpow2.f32 v9  }
0x11e: {  	v22 =	vadd.f32 v22, v51;
	v53 =	vmul.f32 v49, v51;
	v26 =	vmul.f32 v30, v51  }
0x11f: {  	v60 =	vld.idx.msk [tilespmem:v2+s2+$0x0], $0xffff;
	v51 =	vadd.s32 $0xA, v2;
	(erf) = vpow2.f32 v6;
	v10 =	vadd.f32 v33, v20;
	v58 =	vpop (erf)  }
0x120: {  	v39 =	vld.idx.msk [tilespmem:v61+s2+$0x0], $0xffff;
	v15 =	vadd.f32 v15, v23;
	v17 =	vadd.f32 v53, v17;
	v59 =	vmul.f32 v52, v58  }
0x121: {  	v49 =	vld [tilespmem:$0x1FFF0];
	v23 =	vadd.f32 v26, v27;
	v14 =	vmul.f32 v14, v58;
	v8 =	vadd.f32 v35, v58  }
0x122: {  	v20 =	vld.idx.msk [tilespmem:v57+s2+$0x0], $0xffff;
	v30 =	vmul.f32 v55, v58;
	v3 =	vmul.f32 v3, v58;
	v19 =	vadd.f32 v59, v19;
	v37 =	vpop (erf)  }
0x123: {  	v9 =	vld.idx.msk [tilespmem:v62+s2+$0x0], $0xffff;
	(erf) = vpow2.f32 v5;
	v14 =	vadd.f32 v14, v24;
	v21 =	vadd.f32 v21, v37  }
0x124: {  	v43 =	vld.idx.msk [tilespmem:v63+s2+$0x0], $0xffff;
	v57 =	vadd.s32 $0xD, v2;
	v24 =	vadd.f32 v30, v31;
	v3 =	vadd.f32 v3, v4  }
0x125: {  	v59 =	vadd.s32 $0xE, v2;
	v2 =	vadd.s32 $0xF, v2;
	(erf) = vrcp.f32 v21  }
0x126: {  	v47 =	vld.idx.msk [tilespmem:v36+s2+$0x0], $0xffff;
	v12 =	vor.u32 v49, v12;
	v29 =	vmul.f32 v60, v37;
	v11 =	vmul.f32 v11, v37;
	v50 =	vpop (erf)  }
0x127: {  	v6 =	vld.idx.msk [tilespmem:v40+s2+$0x0], $0xffff;
	v42 =	vmul.f32 v34, v37;
	v44 =	vmul.f32 v20, v37;
	v52 =	vadd.f32 v38, v50  }
0x128: {  	v53 =	vld.idx.msk [tilespmem:v41+s2+$0x0], $0xffff;
	v40 =	vor.u32 $0x4, v12;
	v26 =	vmul.f32 v39, v50;
	v9 =	vmul.f32 v9, v50  }
0x129: {  	v62 =	vld.idx.msk [tilespmem:v54+s2+$0x0], $0xffff;
	v34 =	vor.u32 $0x1, v12;
	v55 =	vmul.f32 v43, v50;
	(erf) = vrcp.f32 v52  }
0x12a: {  	v33 =	vld.idx.msk [tilespmem:v56+s2+$0x0], $0xffff;
	v58 =	vpop (erf);
	v38 =	vor.u32 $0x2, v12;
	v45 =	vadd.f32 v29, v25;
	v46 =	vadd.f32 v11, v28  }
0x12b: {  	v36 =	vld.idx.msk [tilespmem:v57+s2+$0x0], $0xffff;
	v39 =	vor.u32 $0x3, v12;
	v48 =	vadd.f32 v42, v32;
	v60 =	vadd.f32 v22, v58  }
0x12c: {  	v4 =	vadd.f32 v44, v13;
	v11 =	vmul.f32 v47, v50;
	v6 =	vmul.f32 v6, v58  }
0x12d: {  	v61 =	vmul.f32 v53, v58;
	v63 =	vpop (erf);
	v42 =	vor.u32 $0x5, v12;
	(erf) = vrcp.f32 v60  }
0x12e: {  	v2 =	vld.idx.msk [tilespmem:v2+s2+$0x0], $0xffff;
	v25 =	vmul.f32 v62, v58;
	v16 =	vadd.f32 v26, v16;
	v9 =	vadd.f32 v9, v18;
	v37 =	vpop (erf)  }
0x12f: {  	v21 =	vld.idx.msk [tilespmem:v51+s2+$0x0], $0xffff;
	v8 =	vadd.f32 v8, v63;
	v51 =	vmul.f32 v33, v63;
	v5 =	vmul.f32 v45, v37  }
0x130: {  	v0 =	vadd.f32 v55, v0;
	v18 =	vld.idx.msk [tilespmem:v59+s2+$0x0], $0xffff;
	v13 =	vmul.f32 v36, v63;
	v7 =	vmul.f32 v46, v37  }
0x131: {  	v1 =	vadd.f32 v11, v1;
	(erf) = vrcp.f32 v8;
	v41 =	vmul.f32 v48, v37;
	[tilespmem:v12+s25+$0x0] =	vst.idx.msk $0xffff, v5  }
0x132: {  	v44 =	vor.u32 $0x6, v12;
	v6 =	vadd.f32 v6, v10;
	v43 =	vpop (erf);
	v4 =	vmul.f32 v4, v37;
	[tilespmem:v34+s25+$0x0] =	vst.idx.msk $0xffff, v7  }
0x133: {  	v47 =	vor.u32 $0x7, v12;
	v35 =	vadd.f32 v61, v15;
	v46 =	vmul.f32 v16, v43;
	[tilespmem:v38+s25+$0x0] =	vst.idx.msk $0xffff, v41  }
0x134: {  	v50 =	vor.u32 $0x8, v12;
	v55 =	vadd.f32 v51, v19;
	v49 =	vmul.f32 v9, v43;
	[tilespmem:v39+s25+$0x0] =	vst.idx.msk $0xffff, v4  }
0x135: {  	v52 =	vor.u32 $0x9, v12;
	v21 =	vmul.f32 v21, v58;
	v0 =	vmul.f32 v0, v43;
	[tilespmem:v40+s25+$0x0] =	vst.idx.msk $0xffff, v46  }
0x136: {  	v54 =	vor.u32 $0xA, v12;
	v57 =	vadd.f32 v13, v14;
	v53 =	vpop (erf);
	v1 =	vmul.f32 v1, v43;
	[tilespmem:v42+s25+$0x0] =	vst.idx.msk $0xffff, v49  }
0x137: {  	v56 =	vor.u32 $0xB, v12;
	v45 =	vadd.f32 v21, v17;
	[tilespmem:v44+s25+$0x0] =	vst.idx.msk $0xffff, v0;
	v0 =	vmul.f32 v6, v53  }
0x138: {  	v58 =	vor.u32 $0xC, v12;
	v48 =	vadd.f32 v25, v23;
	[tilespmem:v47+s25+$0x0] =	vst.idx.msk $0xffff, v1;
	v1 =	vmul.f32 v35, v53  }
0x139: {  	v60 =	vor.u32 $0xD, v12;
	v59 =	vmul.f32 v18, v63;
	[tilespmem:v50+s25+$0x0] =	vst.idx.msk $0xffff, v0;
	v0 =	vmul.f32 v45, v53  }
0x13a: {  	v62 =	vor.u32 $0xE, v12;
	v2 =	vmul.f32 v2, v63;
	v61 =	vpop (erf);
	[tilespmem:v52+s25+$0x0] =	vst.idx.msk $0xffff, v1;
	v1 =	vmul.f32 v48, v53  }
0x13b: {  	p0 =	sne.s32 s29, $0x1F0;
	v63 =	vor.u32 $0xF, v12;
	v13 =	vadd.f32 v59, v24;
	[tilespmem:v54+s25+$0x0] =	vst.idx.msk $0xffff, v0;
	v0 =	vmul.f32 v55, v61  }
.Ltmp0:
0x13c: {  	v2 =	vadd.f32 v2, v3;
	[tilespmem:v56+s25+$0x0] =	vst.idx.msk $0xffff, v1;
	v1 =	vmul.f32 v57, v61;
	(pc) =	sbr.rel @p0 .LBB2_2-.Ltmp0, $4  }
0x13d: {  	[tilespmem:v58+s25+$0x0] =	vst.idx.msk $0xffff, v0;
	v0 =	vmul.f32 v13, v61  }
0x13e: {  	[tilespmem:v60+s25+$0x0] =	vst.idx.msk $0xffff, v1;
	v1 =	vmul.f32 v2, v61  }
0x13f: {  	[tilespmem:v62+s25+$0x0] =	vst.idx.msk $0xffff, v0  }
0x140: {  	s28 =	sadd.s32 $0x10, s28;
	s29 =	sadd.s32 $0x10, s29;
	v0 =	vld [tilespmem:$0x1FFE0];
	[tilespmem:v63+s25+$0x0] =	vst.idx.msk $0xffff, v1  }
0x141: {  	s26 =	sadd.s32 $0x1, s26  }
0x142: {  	p0 =	sne.s32 s26, s13  }
.Ltmp1:
0x143: {  	_ = 	snop;
	(pc) =	sbr.rel @p0 .LBB2_1-.Ltmp1, $4  }
0x144: {  	[hbm4b:s12+s14] =	stream.strided.scatter [tilespmem:s25], [sflag:$0x1], $0x2000, s15, s14, $0x38;
	[tilespmem:$0x1B000] =	vst v63  }
0x145: {  	_ =	swait.ge [sflag:s16], $0x2000  }
0x146: {  	[sflag:s16] =	ssyncset.done $0x0  }
0x147: {  	[sflag:s16] =	ssyncadd.s32 $0xFFFFE000  }
0x148: {  	_ =	sfence.sel $0x180000  }
0x149: {  	[bflag:$0x0] =	sbarrier.arrive $0xFFFF  }
0x14a: {  	p0 =	sne.s32 s1, $0x0;
	_ =	strace $0x90000047  }
0x14b: {  	s0 =	sadd.s32 @!p0 $0x100000, s0;
	[bflag:$0x2] =	sbarrier.arrive $0xFFFF  }
0x14c: {  	[sflag:s0] =	ssyncadd.tile.s32 @!p0 $0x1;
	_ =	shalt  }
.Lfunc_end2:
_tile_overlayer_lowered:
.L_overlay_start_2:
0x14d: {  	(tag) =	ssettag $0x2  }
0x14e: {  	s0 =	rddreg [dreg:$0x0];
	s2 =	stileid.u32  }
0x14f: {  	s1 =	rddreg [dreg:$0x1];
	p0 =	sne.s32 s2, $0x0  }
0x150: {  	s3 =	rddreg [dreg:$0x2];
	[bflag:$0x3] =	sbarrier.arrive $0xFFFF;
	s2 =	simm.s32 @!p0 $0x1C01  }
0x151: {  	[timem:s3], [sflag:s2] =	dma.local @!p0 [hbm:s0], s1  }
0x152: {  	s0 =	simm.s32 @!p0 $0x1  }
0x153: {  	_ =	swait.ge @!p0 [sflag:s0], s1  }
0x154: {  	s1 =	ssub.s32 @!p0 $0x0, s1;
	[sflag:s0] =	ssyncset.done @!p0 $0x0  }
0x155: {  	[sflag:s0] =	ssyncadd.s32 @!p0 s1  }
0x156: {  	[bflag:$0x3] =	sbarrier.arrive $0xFFFF  }
0x157: {  	_ =	shalt  }

</sc_bundles>
